<compile_context>
chip_gen: v7x
topology: tpu7x:2x2x1
jax: 0.10.2.dev20260603
libtpu: 0.0.44.dev20260713+nightly
codegen_flags: <defaults>
</compile_context>

<pallas_src>
import jax
import jax.numpy as jnp
from jax import lax
from jax.experimental import pallas as pl
from jax.experimental.pallas import tpu as pltpu
from jax.experimental.pallas import tpu_sc as plsc

N = 2560
E = 81920
H = 256
D_IN = 128
D_OUT = 2

NC = 2
NS = 16
LANES = 16

NCHUNK = 8
ROWS = N // NCHUNK
CHUNK_W = ROWS * N
SLICE_W = CHUNK_W // NS
EPT = E // NS

def _dot(a, b):
    ah = a.astype(jnp.bfloat16)
    al = (a - ah.astype(jnp.float32)).astype(jnp.bfloat16)
    bh = b.astype(jnp.bfloat16)
    bl = (b - bh.astype(jnp.float32)).astype(jnp.bfloat16)
    dims = (((1,), (0,)), ((), ()))

    def d(u, v):
        return jax.lax.dot_general(u, v, dims,
                                   preferred_element_type=jnp.float32)

    return d(ah, bh) + (d(ah, bl) + d(al, bh))


def _dot1(a, b):
    return jax.lax.dot_general(a.astype(jnp.bfloat16), b.astype(jnp.bfloat16),
                               (((1,), (0,)), ((), ())),
                               preferred_element_type=jnp.float32)


def _lrelu(v):
    return jnp.maximum(v, 0.2 * v)


def _pre1_body(x_ref, w_ref, as_ref, ad_ref,
               xl_ref, asrc_ref, adst_ref, amax_ref, exs_ref):
    xl = _dot1(x_ref[...], w_ref[...])
    xl_ref[...] = xl
    a_s = _dot(xl, as_ref[...])
    a_d = _dot(xl, ad_ref[...])
    asrc_ref[...] = a_s
    adst_ref[...] = a_d
    amax = jnp.max(a_s)
    amax_ref[...] = jnp.full((1, 1), amax, jnp.float32)
    m = _lrelu(amax + a_d)
    exs_ref[...] = jnp.exp(_lrelu(a_s + a_d) - m)


def _pre1(x, w, att_s, att_d):
    return pl.pallas_call(
        _pre1_body,
        out_shape=[
            jax.ShapeDtypeStruct((N, H), jnp.float32),
            jax.ShapeDtypeStruct((N, 1), jnp.float32),
            jax.ShapeDtypeStruct((N, 1), jnp.float32),
            jax.ShapeDtypeStruct((1, 1), jnp.float32),
            jax.ShapeDtypeStruct((N, 1), jnp.float32),
        ],
    )(x, w, att_s, att_d)


def _sc_scatter_body(src_hbm, dst_hbm, asrc_hbm, adst_hbm, amax_hbm, zeros_hbm,
                     p_hbm,
                     amax_v, src_v, dst_v, ag_v, dg_v, ex_v, val_v, idx_v,
                     dmy_val, dmy_idx, p_sh, sem):
    c = lax.axis_index("c")
    s = lax.axis_index("s")
    pltpu.sync_copy(amax_hbm, amax_v)
    pltpu.sync_copy(src_hbm.at[s], src_v)
    pltpu.sync_copy(dst_hbm.at[s], dst_v)
    amx = amax_v[...]

    cp1 = pltpu.async_copy(asrc_hbm.at[src_v], ag_v, sem)
    cp2 = pltpu.async_copy(adst_hbm.at[dst_v], dg_v, sem)
    cp1.wait()
    cp2.wait()

    def ex_row(r, carry):
        sl = pl.ds(r * LANES, LANES)
        ag = ag_v[sl]
        dg = dg_v[sl]
        t = ag + dg
        alpha = jnp.maximum(t, 0.2 * t)
        m0 = amx + dg
        m = jnp.maximum(m0, 0.2 * m0)
        ex_v[sl] = jnp.exp(alpha - m)
        return carry

    lax.fori_loop(0, EPT // LANES, ex_row, 0)

    def zero_dummy(r, carry):
        sl = pl.ds(r * LANES, LANES)
        dmy_val[sl] = jnp.zeros((LANES,), jnp.float32)
        dmy_idx[sl] = jnp.zeros((LANES,), jnp.int32)
        return carry

    lax.fori_loop(0, 128 // LANES, zero_dummy, 0)

    for k in range(NCHUNK // NC):
        cid = c * (NCHUNK // NC) + k
        lo = cid * ROWS
        zcp = pltpu.async_copy(zeros_hbm.at[pl.ds(s * SLICE_W, SLICE_W)],
                               p_sh.at[pl.ds(s * SLICE_W, SLICE_W)], sem)
        kbase = k * EPT

        def compute_row(r, carry):
            sl = pl.ds(kbase + r * LANES, LANES)
            sle = pl.ds(r * LANES, LANES)
            sv = src_v[sle]
            dv = dst_v[sle]
            ex = ex_v[sle]
            dloc = dv - lo
            inrng = (dloc >= 0) & (dloc < ROWS)
            spread = s * EPT + r * LANES + lax.iota(jnp.int32, LANES)
            val_v[sl] = jnp.where(inrng, ex, 0.0)
            idx_v[sl] = jnp.where(inrng, dloc * N + sv, spread)
            return carry

        lax.fori_loop(0, EPT // LANES, compute_row, 0)
        zcp.wait()
        plsc.subcore_barrier()

        pltpu.sync_copy(val_v.at[pl.ds(kbase, EPT)],
                        p_sh.at[idx_v.at[pl.ds(kbase, EPT)]], add=True)
        pltpu.sync_copy(dmy_val, p_sh.at[dmy_idx], add=True)
        pltpu.sync_copy(dmy_val, p_sh.at[dmy_idx], add=True)
        plsc.subcore_barrier()
        pltpu.sync_copy(p_sh.at[pl.ds(s * SLICE_W, SLICE_W)],
                        p_hbm.at[pl.ds(cid * CHUNK_W + s * SLICE_W, SLICE_W)])
        if k < NCHUNK // NC - 1:
            plsc.subcore_barrier()


def _sc_scatter(src, dst, asrc, adst, amax16, zeros):
    mesh = plsc.VectorSubcoreMesh(core_axis_name="c", subcore_axis_name="s")
    f = pl.kernel(
        _sc_scatter_body,
        out_type=jax.ShapeDtypeStruct((N * N,), jnp.float32),
        mesh=mesh,
        scratch_types=[
            pltpu.VMEM((LANES,), jnp.float32),
            pltpu.VMEM((EPT,), jnp.int32),
            pltpu.VMEM((EPT,), jnp.int32),
            pltpu.VMEM((EPT,), jnp.float32),
            pltpu.VMEM((EPT,), jnp.float32),
            pltpu.VMEM((EPT,), jnp.float32),
            pltpu.VMEM(((NCHUNK // NC) * EPT,), jnp.float32),
            pltpu.VMEM(((NCHUNK // NC) * EPT,), jnp.int32),
            pltpu.VMEM((128,), jnp.float32),
            pltpu.VMEM((128,), jnp.int32),
            pltpu.VMEM_SHARED((CHUNK_W,), jnp.float32),
            pltpu.SemaphoreType.DMA,
        ],
    )
    return f(src, dst, asrc, adst, amax16, zeros)


_MID_BLK = 320
_MID_G = N // _MID_BLK


def _mid_block(p_ref, xl_ref, exs_ref, b_ref, raw_s):
    i = pl.program_id(0)
    p = p_ref[...]
    acc = _dot(p, xl_ref[...])
    rows = pl.ds(i * _MID_BLK, _MID_BLK)
    exs = exs_ref[rows, :]
    denom = jnp.sum(p, axis=1, keepdims=True) + exs + 1e-16
    raw_s[rows, :] = (acc + exs * xl_ref[rows, :]) / denom + b_ref[...]


def _bn_relu(r, g, bt):
    mean = jnp.mean(r, axis=0, keepdims=True)
    d = r - mean
    var = jnp.mean(d * d, axis=0, keepdims=True)
    return jnp.maximum(d * jax.lax.rsqrt(var + 1e-5) * g + bt, 0.0)


def _midpre_body(p_ref, xl_ref, exs_ref, b_ref, g_ref, bt_ref, w_ref,
                 as_ref, ad_ref,
                 xl2_ref, asrc_ref, adst_ref, amax_ref, exs2_ref, raw_s):
    _mid_block(p_ref, xl_ref, exs_ref, b_ref, raw_s)

    @pl.when(pl.program_id(0) == _MID_G - 1)
    def _():
        h = _bn_relu(raw_s[...], g_ref[...], bt_ref[...])
        xl = _dot1(h, w_ref[...])
        xl2_ref[...] = xl
        a_s = _dot(xl, as_ref[...])
        a_d = _dot(xl, ad_ref[...])
        asrc_ref[...] = a_s
        adst_ref[...] = a_d
        amax = jnp.max(a_s)
        amax_ref[...] = jnp.full((1, 1), amax, jnp.float32)
        m = _lrelu(amax + a_d)
        exs2_ref[...] = jnp.exp(_lrelu(a_s + a_d) - m)


def _midpre(p, xl, exs, b, gamma, beta, w, att_s, att_d):
    full = pl.BlockSpec(index_map=lambda i: (0, 0))
    return pl.pallas_call(
        _midpre_body,
        grid=(_MID_G,),
        in_specs=[
            pl.BlockSpec((_MID_BLK, N), lambda i: (i, 0)),
            pl.BlockSpec((N, H), lambda i: (0, 0)),
            pl.BlockSpec((N, 1), lambda i: (0, 0)),
            pl.BlockSpec((1, H), lambda i: (0, 0)),
            pl.BlockSpec((1, H), lambda i: (0, 0)),
            pl.BlockSpec((1, H), lambda i: (0, 0)),
            pl.BlockSpec((H, H), lambda i: (0, 0)),
            pl.BlockSpec((H, 1), lambda i: (0, 0)),
            pl.BlockSpec((H, 1), lambda i: (0, 0)),
        ],
        out_specs=[
            pl.BlockSpec((N, H), lambda i: (0, 0)),
            pl.BlockSpec((N, 1), lambda i: (0, 0)),
            pl.BlockSpec((N, 1), lambda i: (0, 0)),
            pl.BlockSpec((1, 1), lambda i: (0, 0)),
            pl.BlockSpec((N, 1), lambda i: (0, 0)),
        ],
        out_shape=[
            jax.ShapeDtypeStruct((N, H), jnp.float32),
            jax.ShapeDtypeStruct((N, 1), jnp.float32),
            jax.ShapeDtypeStruct((N, 1), jnp.float32),
            jax.ShapeDtypeStruct((1, 1), jnp.float32),
            jax.ShapeDtypeStruct((N, 1), jnp.float32),
        ],
        scratch_shapes=[pltpu.VMEM((N, H), jnp.float32)],
    )(p, xl, exs, b, gamma, beta, w, att_s, att_d)


def _midpost_body(p_ref, xl_ref, exs_ref, b_ref, g_ref, bt_ref, wfc_ref,
                  bfc_ref, mask_ref, out_ref, raw_s):
    _mid_block(p_ref, xl_ref, exs_ref, b_ref, raw_s)

    @pl.when(pl.program_id(0) == _MID_G - 1)
    def _():
        h = _bn_relu(raw_s[...], g_ref[...], bt_ref[...])
        o = _dot1(h, wfc_ref[...]) + bfc_ref[...]
        out_ref[...] = o * mask_ref[...]


def _midpost(p, xl, exs, b, gamma, beta, wfc, bfc, mask):
    return pl.pallas_call(
        _midpost_body,
        grid=(_MID_G,),
        in_specs=[
            pl.BlockSpec((_MID_BLK, N), lambda i: (i, 0)),
            pl.BlockSpec((N, H), lambda i: (0, 0)),
            pl.BlockSpec((N, 1), lambda i: (0, 0)),
            pl.BlockSpec((1, H), lambda i: (0, 0)),
            pl.BlockSpec((1, H), lambda i: (0, 0)),
            pl.BlockSpec((1, H), lambda i: (0, 0)),
            pl.BlockSpec((H, D_OUT), lambda i: (0, 0)),
            pl.BlockSpec((1, D_OUT), lambda i: (0, 0)),
            pl.BlockSpec((N, 1), lambda i: (0, 0)),
        ],
        out_specs=pl.BlockSpec((N, D_OUT), lambda i: (0, 0)),
        out_shape=jax.ShapeDtypeStruct((N, D_OUT), jnp.float32),
        scratch_shapes=[pltpu.VMEM((N, H), jnp.float32)],
    )(p, xl, exs, b, gamma, beta, wfc, bfc, mask)


def kernel(x, edge_index, mask, W1, att_src1, att_dst1, b1, gamma1, beta1,
           W2, att_src2, att_dst2, b2, gamma2, beta2, Wfc, bfc):
    src = edge_index[0].reshape(NS, EPT)
    dst = edge_index[1].reshape(NS, EPT)
    zeros = jnp.zeros((CHUNK_W,), jnp.float32)

    xl1, asrc1, adst1, amax1, exs1 = _pre1(
        x, W1, att_src1.reshape(H, 1), att_dst1.reshape(H, 1))
    p1 = _sc_scatter(src, dst, asrc1.reshape(N), adst1.reshape(N),
                     jnp.broadcast_to(amax1.reshape(1), (LANES,)), zeros)
    xl2, asrc2, adst2, amax2, exs2 = _midpre(
        p1.reshape(N, N), xl1, exs1, b1.reshape(1, H),
        gamma1.reshape(1, H), beta1.reshape(1, H), W2,
        att_src2.reshape(H, 1), att_dst2.reshape(H, 1))
    p2 = _sc_scatter(src, dst, asrc2.reshape(N), adst2.reshape(N),
                     jnp.broadcast_to(amax2.reshape(1), (LANES,)), zeros)
    out = _midpost(p2.reshape(N, N), xl2, exs2, b2.reshape(1, H),
                   gamma2.reshape(1, H), beta2.reshape(1, H),
                   Wfc, bfc.reshape(1, D_OUT), mask.reshape(N, 1))
    return out.reshape(64, 40, 2)

# --- scband reference (transcript-rebuilt; emitter-appended) ---
"""Pipeline reference for scband-movement-gatmodel-83141976916257 (READ-ONLY COPY).

The authoritative reference and input builder live on the scoring server;
editing this copy changes nothing except your own understanding.
"""

import jax, jax.numpy as jnp
import numpy as np

N_NODES = 2560
E_EDGES = 81920
EPS = 1e-5


def gat_conv(x, edge_index, W, b, att_src, att_dst):
    n = x.shape[0]
    x_l = x @ W
    loops = jnp.arange(n, dtype=edge_index.dtype)
    src = jnp.concatenate([edge_index[0], loops])
    dst = jnp.concatenate([edge_index[1], loops])
    a_src = jnp.sum(x_l * att_src, axis=-1)
    a_dst = jnp.sum(x_l * att_dst, axis=-1)
    alpha = a_src[src] + a_dst[dst]
    alpha = jax.nn.leaky_relu(alpha, negative_slope=0.2)
    amax = jax.ops.segment_max(alpha, dst, num_segments=n)
    amax = jax.lax.stop_gradient(amax)
    ex = jnp.exp(alpha - amax[dst])
    denom = jax.ops.segment_sum(ex, dst, num_segments=n)
    coef = ex / (denom[dst] + 1e-16)
    out = jax.ops.segment_sum(x_l[src] * coef[:, None], dst, num_segments=n)
    return out + b


def batch_norm(x, gamma, beta):
    mean = jnp.mean(x, axis=0)
    var = jnp.var(x, axis=0)
    return (x - mean) / jnp.sqrt(var + EPS) * gamma + beta


def setup_inputs(seed: int = 0):
    key = jax.random.key(seed)
    ks = jax.random.split(key, 16)
    d_in, h1, h2, d_out = 128, 256, 256, 2
    inp = {}
    inp['x'] = jax.random.normal(ks[0], (N_NODES, d_in), dtype=jnp.float32)
    inp['edge_index'] = jax.random.randint(ks[1], (2, E_EDGES), 0, N_NODES, dtype=jnp.int32)
    inp['mask'] = jax.random.uniform(ks[2], (N_NODES,), dtype=jnp.float32)
    inp['W1'] = jax.random.normal(ks[3], (d_in, h1), dtype=jnp.float32) * (1.0 / np.sqrt(d_in))
    inp['att_src1'] = jax.random.normal(ks[4], (h1,), dtype=jnp.float32) * 0.1
    inp['att_dst1'] = jax.random.normal(ks[5], (h1,), dtype=jnp.float32) * 0.1
    inp['b1'] = jnp.zeros((h1,), dtype=jnp.float32)
    inp['gamma1'] = jnp.ones((h1,), dtype=jnp.float32)
    inp['beta1'] = jnp.zeros((h1,), dtype=jnp.float32)
    inp['W2'] = jax.random.normal(ks[6], (h1, h2), dtype=jnp.float32) * (1.0 / np.sqrt(h1))
    inp['att_src2'] = jax.random.normal(ks[7], (h2,), dtype=jnp.float32) * 0.1
    inp['att_dst2'] = jax.random.normal(ks[8], (h2,), dtype=jnp.float32) * 0.1
    inp['b2'] = jnp.zeros((h2,), dtype=jnp.float32)
    inp['gamma2'] = jnp.ones((h2,), dtype=jnp.float32)
    inp['beta2'] = jnp.zeros((h2,), dtype=jnp.float32)
    inp['Wfc'] = jax.random.normal(ks[9], (h2, d_out), dtype=jnp.float32) * (1.0 / np.sqrt(h2))
    inp['bfc'] = jnp.zeros((d_out,), dtype=jnp.float32)
    return inp


def reference(x, edge_index, mask, W1, att_src1, att_dst1, b1, gamma1, beta1, W2, att_src2, att_dst2, b2, gamma2, beta2, Wfc, bfc):
    h = jax.nn.relu(batch_norm(gat_conv(x, edge_index, W1, b1, att_src1, att_dst1), gamma1, beta1))
    h = jax.nn.relu(batch_norm(gat_conv(h, edge_index, W2, b2, att_src2, att_dst2), gamma2, beta2))
    out_node = h @ Wfc + bfc
    out_node = out_node * mask[:, None]
    return out_node.reshape(64, 40, 2)

if __name__ == "__main__":
    import jax
    _d = setup_inputs()
    print(jax.jit(kernel)(*tuple(_d.values())))

</pallas_src>

<mosaic_0001>
#map = affine_map<(d0, d1) -> (0, 0)>
#map1 = affine_map<(d0, d1) -> (0)>
module attributes {stable_mosaic.version = 14 : i64} {
  func.func @_sc_scatter_body(%arg0: i32, %arg1: i32, %arg2: memref<16x5120xi32, #tpu.memory_space<hbm>>, %arg3: memref<16x5120xi32, #tpu.memory_space<hbm>>, %arg4: memref<2560xf32, #tpu.memory_space<hbm>>, %arg5: memref<2560xf32, #tpu.memory_space<hbm>>, %arg6: memref<16xf32, #tpu.memory_space<hbm>>, %arg7: memref<819200xf32, #tpu.memory_space<hbm>>, %arg8: memref<6553600xf32, #tpu.memory_space<hbm>>, %arg9: memref<16xf32, #tpu.memory_space<vmem>>, %arg10: memref<5120xi32, #tpu.memory_space<vmem>>, %arg11: memref<5120xi32, #tpu.memory_space<vmem>>, %arg12: memref<5120xf32, #tpu.memory_space<vmem>>, %arg13: memref<5120xf32, #tpu.memory_space<vmem>>, %arg14: memref<5120xf32, #tpu.memory_space<vmem>>, %arg15: memref<20480xf32, #tpu.memory_space<vmem>>, %arg16: memref<20480xi32, #tpu.memory_space<vmem>>, %arg17: memref<128xf32, #tpu.memory_space<vmem>>, %arg18: memref<128xi32, #tpu.memory_space<vmem>>, %arg19: memref<819200xf32, #tpu.memory_space<vmem_shared>>, %arg20: memref<!tpu.dma_semaphore, #tpu.memory_space<semaphore_mem>>) attributes {dimension_semantics = [#tpu.dimension_semantics<core_parallel>, #tpu.dimension_semantics<subcore_parallel>], iteration_bounds = array<i64: 2, 16>, scalar_prefetch = 0 : i64, scratch_operands = 12 : i64, tpu.core_type = #tpu.core_type<sc_vector_subcore>, window_params = [{transform_indices = #map}, {transform_indices = #map}, {transform_indices = #map1}, {transform_indices = #map1}, {transform_indices = #map1}, {transform_indices = #map1}, {transform_indices = #map1}]} {
    "tpu.region"() ({
      %run_scoped3A = tpu.sem_alloc : memref<!tpu.dma_semaphore, #tpu.memory_space<semaphore_mem>>
      tpu.enqueue_dma source(%arg6 : memref<16xf32, #tpu.memory_space<hbm>>) target(%arg9 : memref<16xf32, #tpu.memory_space<vmem>>) target_semaphore(%run_scoped3A : memref<!tpu.dma_semaphore, #tpu.memory_space<semaphore_mem>>)
      tpu.wait_dma2 semaphore(%run_scoped3A : memref<!tpu.dma_semaphore, #tpu.memory_space<semaphore_mem>>) src(%arg6 : memref<16xf32, #tpu.memory_space<hbm>>) dst(%arg9 : memref<16xf32, #tpu.memory_space<vmem>>)
      tpu.yield
    }) : () -> ()
    "tpu.region"() ({
      %run_scoped3A = tpu.sem_alloc : memref<!tpu.dma_semaphore, #tpu.memory_space<semaphore_mem>>
      %dma_start3A_135 = arith.constant 0 : i32
      %dma_start3A_136 = tpu.memref_slice %arg2[%arg1, %dma_start3A_135] : memref<16x5120xi32, #tpu.memory_space<hbm>> -> memref<1x5120xi32, #tpu.memory_space<hbm>>
      %dma_start3A_137 = tpu.memref_squeeze %dma_start3A_136 : memref<1x5120xi32, #tpu.memory_space<hbm>> -> memref<5120xi32, #tpu.memory_space<hbm>>
      %dma_start3A_138 = arith.constant 0 : i32
      %dma_start3A_139 = tpu.memref_slice %arg2[%arg1, %dma_start3A_138] : memref<16x5120xi32, #tpu.memory_space<hbm>> -> memref<1x5120xi32, #tpu.memory_space<hbm>>
      %dma_start3A_140 = tpu.memref_squeeze %dma_start3A_139 : memref<1x5120xi32, #tpu.memory_space<hbm>> -> memref<5120xi32, #tpu.memory_space<hbm>>
      tpu.enqueue_dma source(%dma_start3A_140 : memref<5120xi32, #tpu.memory_space<hbm>>) target(%arg10 : memref<5120xi32, #tpu.memory_space<vmem>>) target_semaphore(%run_scoped3A : memref<!tpu.dma_semaphore, #tpu.memory_space<semaphore_mem>>)
      %dma_wait3A_141 = arith.constant 0 : i32
      %dma_wait3A_142 = tpu.memref_slice %arg2[%arg1, %dma_wait3A_141] : memref<16x5120xi32, #tpu.memory_space<hbm>> -> memref<1x5120xi32, #tpu.memory_space<hbm>>
      %dma_wait3A_143 = tpu.memref_squeeze %dma_wait3A_142 : memref<1x5120xi32, #tpu.memory_space<hbm>> -> memref<5120xi32, #tpu.memory_space<hbm>>
      %dma_wait3A_144 = arith.constant 0 : i32
      %dma_wait3A_145 = tpu.memref_slice %arg2[%arg1, %dma_wait3A_144] : memref<16x5120xi32, #tpu.memory_space<hbm>> -> memref<1x5120xi32, #tpu.memory_space<hbm>>
      %dma_wait3A_146 = tpu.memref_squeeze %dma_wait3A_145 : memref<1x5120xi32, #tpu.memory_space<hbm>> -> memref<5120xi32, #tpu.memory_space<hbm>>
      tpu.wait_dma2 semaphore(%run_scoped3A : memref<!tpu.dma_semaphore, #tpu.memory_space<semaphore_mem>>) src(%dma_wait3A_146 : memref<5120xi32, #tpu.memory_space<hbm>>) dst(%arg10 : memref<5120xi32, #tpu.memory_space<vmem>>)
      tpu.yield
    }) : () -> ()
    "tpu.region"() ({
      %run_scoped3A = tpu.sem_alloc : memref<!tpu.dma_semaphore, #tpu.memory_space<semaphore_mem>>
      %dma_start3A_135 = arith.constant 0 : i32
      %dma_start3A_136 = tpu.memref_slice %arg3[%arg1, %dma_start3A_135] : memref<16x5120xi32, #tpu.memory_space<hbm>> -> memref<1x5120xi32, #tpu.memory_space<hbm>>
      %dma_start3A_137 = tpu.memref_squeeze %dma_start3A_136 : memref<1x5120xi32, #tpu.memory_space<hbm>> -> memref<5120xi32, #tpu.memory_space<hbm>>
      %dma_start3A_138 = arith.constant 0 : i32
      %dma_start3A_139 = tpu.memref_slice %arg3[%arg1, %dma_start3A_138] : memref<16x5120xi32, #tpu.memory_space<hbm>> -> memref<1x5120xi32, #tpu.memory_space<hbm>>
      %dma_start3A_140 = tpu.memref_squeeze %dma_start3A_139 : memref<1x5120xi32, #tpu.memory_space<hbm>> -> memref<5120xi32, #tpu.memory_space<hbm>>
      tpu.enqueue_dma source(%dma_start3A_140 : memref<5120xi32, #tpu.memory_space<hbm>>) target(%arg11 : memref<5120xi32, #tpu.memory_space<vmem>>) target_semaphore(%run_scoped3A : memref<!tpu.dma_semaphore, #tpu.memory_space<semaphore_mem>>)
      %dma_wait3A_141 = arith.constant 0 : i32
      %dma_wait3A_142 = tpu.memref_slice %arg3[%arg1, %dma_wait3A_141] : memref<16x5120xi32, #tpu.memory_space<hbm>> -> memref<1x5120xi32, #tpu.memory_space<hbm>>
      %dma_wait3A_143 = tpu.memref_squeeze %dma_wait3A_142 : memref<1x5120xi32, #tpu.memory_space<hbm>> -> memref<5120xi32, #tpu.memory_space<hbm>>
      %dma_wait3A_144 = arith.constant 0 : i32
      %dma_wait3A_145 = tpu.memref_slice %arg3[%arg1, %dma_wait3A_144] : memref<16x5120xi32, #tpu.memory_space<hbm>> -> memref<1x5120xi32, #tpu.memory_space<hbm>>
      %dma_wait3A_146 = tpu.memref_squeeze %dma_wait3A_145 : memref<1x5120xi32, #tpu.memory_space<hbm>> -> memref<5120xi32, #tpu.memory_space<hbm>>
      tpu.wait_dma2 semaphore(%run_scoped3A : memref<!tpu.dma_semaphore, #tpu.memory_space<semaphore_mem>>) src(%dma_wait3A_146 : memref<5120xi32, #tpu.memory_space<hbm>>) dst(%arg11 : memref<5120xi32, #tpu.memory_space<vmem>>)
      tpu.yield
    }) : () -> ()
    %get3A = arith.constant 0 : index
    %get3A_0 = tpu.vector_load %arg9[%get3A] {strides = array<i32>} : memref<16xf32, #tpu.memory_space<vmem>>, vector<16xf32>,
    %get3A_1 = vector.shape_cast %get3A_0 : vector<16xf32> to vector<16xf32>
    %dma_start3A = arith.constant 0 : i32
    %dma_start3A_2 = tpu.memref_slice %arg4[%dma_start3A] : memref<2560xf32, #tpu.memory_space<hbm>> -> memref<2560xf32, #tpu.memory_space<hbm>>
    tpu.enqueue_indirect_dma source(%dma_start3A_2 : memref<2560xf32, #tpu.memory_space<hbm>>) target(%arg12 : memref<5120xf32, #tpu.memory_space<vmem>>) offsets(%arg10 : memref<5120xi32, #tpu.memory_space<vmem>>) semaphore(%arg20 : memref<!tpu.dma_semaphore, #tpu.memory_space<semaphore_mem>>)
    %dma_start3A_3 = arith.constant 0 : i32
    %dma_start3A_4 = tpu.memref_slice %arg5[%dma_start3A_3] : memref<2560xf32, #tpu.memory_space<hbm>> -> memref<2560xf32, #tpu.memory_space<hbm>>
    tpu.enqueue_indirect_dma source(%dma_start3A_4 : memref<2560xf32, #tpu.memory_space<hbm>>) target(%arg13 : memref<5120xf32, #tpu.memory_space<vmem>>) offsets(%arg11 : memref<5120xi32, #tpu.memory_space<vmem>>) semaphore(%arg20 : memref<!tpu.dma_semaphore, #tpu.memory_space<semaphore_mem>>)
    %dma_wait3A = arith.constant 0 : i32
    %dma_wait3A_5 = tpu.memref_slice %arg4[%dma_wait3A] : memref<2560xf32, #tpu.memory_space<hbm>> -> memref<2560xf32, #tpu.memory_space<hbm>>
    tpu.wait_indirect_dma semaphore(%arg20 : memref<!tpu.dma_semaphore, #tpu.memory_space<semaphore_mem>>) src(%dma_wait3A_5 : memref<2560xf32, #tpu.memory_space<hbm>>) dst(%arg12 : memref<5120xf32, #tpu.memory_space<vmem>>)
    %dma_wait3A_6 = arith.constant 0 : i32
    %dma_wait3A_7 = tpu.memref_slice %arg5[%dma_wait3A_6] : memref<2560xf32, #tpu.memory_space<hbm>> -> memref<2560xf32, #tpu.memory_space<hbm>>
    tpu.wait_indirect_dma semaphore(%arg20 : memref<!tpu.dma_semaphore, #tpu.memory_space<semaphore_mem>>) src(%dma_wait3A_7 : memref<2560xf32, #tpu.memory_space<hbm>>) dst(%arg13 : memref<5120xf32, #tpu.memory_space<vmem>>)
    %scan3A = arith.constant 0 : i32
    %scan3A_8 = arith.constant 0 : i32
    %scan3A_9 = arith.constant 320 : i32
    %scan3A_10 = arith.addi %scan3A_8, %scan3A_9 : i32
    %scan3A_11 = arith.constant 1 : i32
    scf.for %scan3A_135 = %scan3A_8 to %scan3A_10 step %scan3A_11  : i32 {
      %mul3A_136 = arith.constant 16 : i32
      %mul3A_137 = arith.muli %scan3A_135, %mul3A_136 : i32
      %get3A_138 = arith.index_cast %mul3A_137 : i32 to index
      %get3A_139 = tpu.vector_load %arg12[%get3A_138] {strides = array<i32>} : memref<5120xf32, #tpu.memory_space<vmem>>, vector<16xf32>,
      %get3A_140 = vector.shape_cast %get3A_139 : vector<16xf32> to vector<16xf32>
      %get3A_141 = arith.index_cast %mul3A_137 : i32 to index
      %get3A_142 = tpu.vector_load %arg13[%get3A_141] {strides = array<i32>} : memref<5120xf32, #tpu.memory_space<vmem>>, vector<16xf32>,
      %get3A_143 = vector.shape_cast %get3A_142 : vector<16xf32> to vector<16xf32>
      %add3A_144 = arith.addf %get3A_140, %get3A_143 : vector<16xf32>
      %mul3A_145 = arith.constant 2.000000e-01 : f32
      %mul3A_146 = vector.broadcast %mul3A_145 : f32 to vector<16xf32>
      %mul3A_147 = arith.mulf %mul3A_146, %add3A_144 : vector<16xf32>
      %max3A = arith.maximumf %add3A_144, %mul3A_147 : vector<16xf32>
      %add3A_148 = arith.addf %get3A_1, %get3A_143 : vector<16xf32>
      %mul3A_149 = arith.constant 2.000000e-01 : f32
      %mul3A_150 = vector.broadcast %mul3A_149 : f32 to vector<16xf32>
      %mul3A_151 = arith.mulf %mul3A_150, %add3A_148 : vector<16xf32>
      %max3A_152 = arith.maximumf %add3A_148, %mul3A_151 : vector<16xf32>
      %sub3A = arith.subf %max3A, %max3A_152 : vector<16xf32>
      %exp3A = math.exp %sub3A : vector<16xf32>
      %swap3A = arith.index_cast %mul3A_137 : i32 to index
      %swap3A_153 = tpu.vector_load %arg14[%swap3A] {strides = array<i32>} : memref<5120xf32, #tpu.memory_space<vmem>>, vector<16xf32>,
      %swap3A_154 = vector.shape_cast %swap3A_153 : vector<16xf32> to vector<16xf32>
      %swap3A_155 = vector.shape_cast %exp3A : vector<16xf32> to vector<16xf32>
      tpu.vector_store %arg14[%swap3A], %swap3A_155 {strides = array<i32>} : memref<5120xf32, #tpu.memory_space<vmem>>, vector<16xf32>,
    }
    %scan3A_12 = arith.constant 320 : i32
    %scan3A_13 = arith.constant 0 : i32
    %scan3A_14 = arith.constant 0 : i32
    %scan3A_15 = arith.constant 8 : i32
    %scan3A_16 = arith.addi %scan3A_14, %scan3A_15 : i32
    %scan3A_17 = arith.constant 1 : i32
    scf.for %scan3A_135 = %scan3A_14 to %scan3A_16 step %scan3A_17  : i32 {
      %mul3A_136 = arith.constant 16 : i32
      %mul3A_137 = arith.muli %scan3A_135, %mul3A_136 : i32
      %broadcast_in_dim3A = arith.constant 0.000000e+00 : f32
      %broadcast_in_dim3A_138 = vector.broadcast %broadcast_in_dim3A : f32 to vector<16xf32>
      %swap3A = arith.index_cast %mul3A_137 : i32 to index
      %swap3A_139 = tpu.vector_load %arg17[%swap3A] {strides = array<i32>} : memref<128xf32, #tpu.memory_space<vmem>>, vector<16xf32>,
      %swap3A_140 = vector.shape_cast %swap3A_139 : vector<16xf32> to vector<16xf32>
      %swap3A_141 = vector.shape_cast %broadcast_in_dim3A_138 : vector<16xf32> to vector<16xf32>
      tpu.vector_store %arg17[%swap3A], %swap3A_141 {strides = array<i32>} : memref<128xf32, #tpu.memory_space<vmem>>, vector<16xf32>,
      %broadcast_in_dim3A_142 = arith.constant 0 : i32
      %broadcast_in_dim3A_143 = vector.broadcast %broadcast_in_dim3A_142 : i32 to vector<16xi32>
      %swap3A_144 = arith.index_cast %mul3A_137 : i32 to index
      %swap3A_145 = tpu.vector_load %arg18[%swap3A_144] {strides = array<i32>} : memref<128xi32, #tpu.memory_space<vmem>>, vector<16xi32>,
      %swap3A_146 = vector.shape_cast %swap3A_145 : vector<16xi32> to vector<16xi32>
      %swap3A_147 = vector.shape_cast %broadcast_in_dim3A_143 : vector<16xi32> to vector<16xi32>
      tpu.vector_store %arg18[%swap3A_144], %swap3A_147 {strides = array<i32>} : memref<128xi32, #tpu.memory_space<vmem>>, vector<16xi32>,
    }
    %scan3A_18 = arith.constant 8 : i32
    %mul3A = arith.constant 4 : i32
    %mul3A_19 = arith.muli %arg0, %mul3A : i32
    %add3A = arith.constant 0 : i32
    %add3A_20 = arith.addi %mul3A_19, %add3A : i32
    %mul3A_21 = arith.constant 320 : i32
    %mul3A_22 = arith.muli %add3A_20, %mul3A_21 : i32
    %mul3A_23 = arith.constant 51200 : i32
    %mul3A_24 = arith.muli %arg1, %mul3A_23 : i32
    %mul3A_25 = arith.constant 51200 : i32
    %mul3A_26 = arith.muli %arg1, %mul3A_25 : i32
    %dma_start3A_27 = tpu.memref_slice %arg19[%mul3A_26] : memref<819200xf32, #tpu.memory_space<vmem_shared>> -> memref<51200xf32, #tpu.memory_space<vmem_shared>>
    %dma_start3A_28 = tpu.memref_slice %arg7[%mul3A_24] : memref<819200xf32, #tpu.memory_space<hbm>> -> memref<51200xf32, #tpu.memory_space<hbm>>
    tpu.enqueue_dma source(%dma_start3A_28 : memref<51200xf32, #tpu.memory_space<hbm>>) target(%dma_start3A_27 : memref<51200xf32, #tpu.memory_space<vmem_shared>>) target_semaphore(%arg20 : memref<!tpu.dma_semaphore, #tpu.memory_space<semaphore_mem>>)
    %scan3A_29 = arith.constant 0 : i32
    %scan3A_30 = arith.constant 0 : i32
    %scan3A_31 = arith.constant 320 : i32
    %scan3A_32 = arith.addi %scan3A_30, %scan3A_31 : i32
    %scan3A_33 = arith.constant 1 : i32
    scf.for %scan3A_135 = %scan3A_30 to %scan3A_32 step %scan3A_33  : i32 {
      %mul3A_136 = arith.constant 16 : i32
      %mul3A_137 = arith.muli %scan3A_135, %mul3A_136 : i32
      %add3A_138 = arith.constant 0 : i32
      %add3A_139 = arith.addi %add3A_138, %mul3A_137 : i32
      %mul3A_140 = arith.constant 16 : i32
      %mul3A_141 = arith.muli %scan3A_135, %mul3A_140 : i32
      %get3A_142 = arith.index_cast %mul3A_141 : i32 to index
      %get3A_143 = tpu.vector_load %arg10[%get3A_142] {strides = array<i32>} : memref<5120xi32, #tpu.memory_space<vmem>>, vector<16xi32>,
      %get3A_144 = vector.shape_cast %get3A_143 : vector<16xi32> to vector<16xi32>
      %get3A_145 = arith.index_cast %mul3A_141 : i32 to index
      %get3A_146 = tpu.vector_load %arg11[%get3A_145] {strides = array<i32>} : memref<5120xi32, #tpu.memory_space<vmem>>, vector<16xi32>,
      %get3A_147 = vector.shape_cast %get3A_146 : vector<16xi32> to vector<16xi32>
      %get3A_148 = arith.index_cast %mul3A_141 : i32 to index
      %get3A_149 = tpu.vector_load %arg14[%get3A_148] {strides = array<i32>} : memref<5120xf32, #tpu.memory_space<vmem>>, vector<16xf32>,
      %get3A_150 = vector.shape_cast %get3A_149 : vector<16xf32> to vector<16xf32>
      %sub3A = vector.broadcast %mul3A_22 : i32 to vector<16xi32>
      %sub3A_151 = arith.subi %get3A_147, %sub3A : vector<16xi32>
      %ge3A = arith.constant 0 : i32
      %ge3A_152 = vector.broadcast %ge3A : i32 to vector<16xi32>
      %ge3A_153 = arith.cmpi sge, %sub3A_151, %ge3A_152 : vector<16xi32>
      %lt3A = arith.constant 320 : i32
      %lt3A_154 = vector.broadcast %lt3A : i32 to vector<16xi32>
      %lt3A_155 = arith.cmpi slt, %sub3A_151, %lt3A_154 : vector<16xi32>
      %and3A = arith.andi %ge3A_153, %lt3A_155 : vector<16xi1>
      %mul3A_156 = arith.constant 5120 : i32
      %mul3A_157 = arith.muli %arg1, %mul3A_156 : i32
      %mul3A_158 = arith.constant 16 : i32
      %mul3A_159 = arith.muli %scan3A_135, %mul3A_158 : i32
      %add3A_160 = arith.addi %mul3A_157, %mul3A_159 : i32
      %iota3A = tpu.iota {dimensions = array<i32: 0>} : vector<16xi32>
      %add3A_161 = vector.broadcast %add3A_160 : i32 to vector<16xi32>
      %add3A_162 = arith.addi %add3A_161, %iota3A : vector<16xi32>
      %jit3A = arith.constant 0.000000e+00 : f32
      %broadcast_in_dim3A = vector.broadcast %jit3A : f32 to vector<16xf32>
      %select_n3A = arith.select %and3A, %get3A_150, %broadcast_in_dim3A : vector<16xi1>, vector<16xf32>
      %swap3A = arith.index_cast %add3A_139 : i32 to index
      %swap3A_163 = tpu.vector_load %arg15[%swap3A] {strides = array<i32>} : memref<20480xf32, #tpu.memory_space<vmem>>, vector<16xf32>,
      %swap3A_164 = vector.shape_cast %swap3A_163 : vector<16xf32> to vector<16xf32>
      %swap3A_165 = vector.shape_cast %select_n3A : vector<16xf32> to vector<16xf32>
      tpu.vector_store %arg15[%swap3A], %swap3A_165 {strides = array<i32>} : memref<20480xf32, #tpu.memory_space<vmem>>, vector<16xf32>,
      %mul3A_166 = arith.constant 2560 : i32
      %mul3A_167 = vector.broadcast %mul3A_166 : i32 to vector<16xi32>
      %mul3A_168 = arith.muli %sub3A_151, %mul3A_167 : vector<16xi32>
      %add3A_169 = arith.addi %mul3A_168, %get3A_144 : vector<16xi32>
      %select_n3A_170 = arith.select %and3A, %add3A_169, %add3A_162 : vector<16xi1>, vector<16xi32>
      %swap3A_171 = arith.index_cast %add3A_139 : i32 to index
      %swap3A_172 = tpu.vector_load %arg16[%swap3A_171] {strides = array<i32>} : memref<20480xi32, #tpu.memory_space<vmem>>, vector<16xi32>,
      %swap3A_173 = vector.shape_cast %swap3A_172 : vector<16xi32> to vector<16xi32>
      %swap3A_174 = vector.shape_cast %select_n3A_170 : vector<16xi32> to vector<16xi32>
      tpu.vector_store %arg16[%swap3A_171], %swap3A_174 {strides = array<i32>} : memref<20480xi32, #tpu.memory_space<vmem>>, vector<16xi32>,
    }
    %scan3A_34 = arith.constant 320 : i32
    %dma_wait3A_35 = tpu.memref_slice %arg19[%mul3A_26] : memref<819200xf32, #tpu.memory_space<vmem_shared>> -> memref<51200xf32, #tpu.memory_space<vmem_shared>>
    %dma_wait3A_36 = tpu.memref_slice %arg7[%mul3A_24] : memref<819200xf32, #tpu.memory_space<hbm>> -> memref<51200xf32, #tpu.memory_space<hbm>>
    tpu.wait_dma2 semaphore(%arg20 : memref<!tpu.dma_semaphore, #tpu.memory_space<semaphore_mem>>) src(%dma_wait3A_36 : memref<51200xf32, #tpu.memory_space<hbm>>) dst(%dma_wait3A_35 : memref<51200xf32, #tpu.memory_space<vmem_shared>>)
    %barrier3A = arith.constant 0 : index
    tpu.barrier barrier_id(%barrier3A)
    "tpu.region"() ({
      %run_scoped3A = tpu.sem_alloc : memref<!tpu.dma_semaphore, #tpu.memory_space<semaphore_mem>>
      %dma_start3A_135 = arith.constant 0 : i32
      %dma_start3A_136 = tpu.memref_slice %arg15[%dma_start3A_135] : memref<20480xf32, #tpu.memory_space<vmem>> -> memref<5120xf32, #tpu.memory_space<vmem>>
      %dma_start3A_137 = arith.constant 0 : i32
      %dma_start3A_138 = tpu.memref_slice %arg16[%dma_start3A_137] : memref<20480xi32, #tpu.memory_space<vmem>> -> memref<5120xi32, #tpu.memory_space<vmem>>
      %dma_start3A_139 = arith.constant 0 : i32
      %dma_start3A_140 = tpu.memref_slice %arg19[%dma_start3A_139] : memref<819200xf32, #tpu.memory_space<vmem_shared>> -> memref<819200xf32, #tpu.memory_space<vmem_shared>>
      tpu.enqueue_indirect_dma source(%dma_start3A_136 : memref<5120xf32, #tpu.memory_space<vmem>>) target(%dma_start3A_140 : memref<819200xf32, #tpu.memory_space<vmem_shared>>) offsets(%dma_start3A_138 : memref<5120xi32, #tpu.memory_space<vmem>>) semaphore(%run_scoped3A : memref<!tpu.dma_semaphore, #tpu.memory_space<semaphore_mem>>) {add = true}
      %dma_wait3A_141 = arith.constant 0 : i32
      %dma_wait3A_142 = tpu.memref_slice %arg15[%dma_wait3A_141] : memref<20480xf32, #tpu.memory_space<vmem>> -> memref<5120xf32, #tpu.memory_space<vmem>>
      %dma_wait3A_143 = arith.constant 0 : i32
      %dma_wait3A_144 = tpu.memref_slice %arg16[%dma_wait3A_143] : memref<20480xi32, #tpu.memory_space<vmem>> -> memref<5120xi32, #tpu.memory_space<vmem>>
      %dma_wait3A_145 = arith.constant 0 : i32
      %dma_wait3A_146 = tpu.memref_slice %arg19[%dma_wait3A_145] : memref<819200xf32, #tpu.memory_space<vmem_shared>> -> memref<819200xf32, #tpu.memory_space<vmem_shared>>
      tpu.wait_indirect_dma semaphore(%run_scoped3A : memref<!tpu.dma_semaphore, #tpu.memory_space<semaphore_mem>>) src(%dma_wait3A_142 : memref<5120xf32, #tpu.memory_space<vmem>>) dst(%dma_wait3A_146 : memref<819200xf32, #tpu.memory_space<vmem_shared>>)
      tpu.yield
    }) : () -> ()
    "tpu.region"() ({
      %run_scoped3A = tpu.sem_alloc : memref<!tpu.dma_semaphore, #tpu.memory_space<semaphore_mem>>
      %dma_start3A_135 = arith.constant 0 : i32
      %dma_start3A_136 = tpu.memref_slice %arg19[%dma_start3A_135] : memref<819200xf32, #tpu.memory_space<vmem_shared>> -> memref<819200xf32, #tpu.memory_space<vmem_shared>>
      tpu.enqueue_indirect_dma source(%arg17 : memref<128xf32, #tpu.memory_space<vmem>>) target(%dma_start3A_136 : memref<819200xf32, #tpu.memory_space<vmem_shared>>) offsets(%arg18 : memref<128xi32, #tpu.memory_space<vmem>>) semaphore(%run_scoped3A : memref<!tpu.dma_semaphore, #tpu.memory_space<semaphore_mem>>) {add = true}
      %dma_wait3A_137 = arith.constant 0 : i32
      %dma_wait3A_138 = tpu.memref_slice %arg19[%dma_wait3A_137] : memref<819200xf32, #tpu.memory_space<vmem_shared>> -> memref<819200xf32, #tpu.memory_space<vmem_shared>>
      tpu.wait_indirect_dma semaphore(%run_scoped3A : memref<!tpu.dma_semaphore, #tpu.memory_space<semaphore_mem>>) src(%arg17 : memref<128xf32, #tpu.memory_space<vmem>>) dst(%dma_wait3A_138 : memref<819200xf32, #tpu.memory_space<vmem_shared>>)
      tpu.yield
    }) : () -> ()
    "tpu.region"() ({
      %run_scoped3A = tpu.sem_alloc : memref<!tpu.dma_semaphore, #tpu.memory_space<semaphore_mem>>
      %dma_start3A_135 = arith.constant 0 : i32
      %dma_start3A_136 = tpu.memref_slice %arg19[%dma_start3A_135] : memref<819200xf32, #tpu.memory_space<vmem_shared>> -> memref<819200xf32, #tpu.memory_space<vmem_shared>>
      tpu.enqueue_indirect_dma source(%arg17 : memref<128xf32, #tpu.memory_space<vmem>>) target(%dma_start3A_136 : memref<819200xf32, #tpu.memory_space<vmem_shared>>) offsets(%arg18 : memref<128xi32, #tpu.memory_space<vmem>>) semaphore(%run_scoped3A : memref<!tpu.dma_semaphore, #tpu.memory_space<semaphore_mem>>) {add = true}
      %dma_wait3A_137 = arith.constant 0 : i32
      %dma_wait3A_138 = tpu.memref_slice %arg19[%dma_wait3A_137] : memref<819200xf32, #tpu.memory_space<vmem_shared>> -> memref<819200xf32, #tpu.memory_space<vmem_shared>>
      tpu.wait_indirect_dma semaphore(%run_scoped3A : memref<!tpu.dma_semaphore, #tpu.memory_space<semaphore_mem>>) src(%arg17 : memref<128xf32, #tpu.memory_space<vmem>>) dst(%dma_wait3A_138 : memref<819200xf32, #tpu.memory_space<vmem_shared>>)
      tpu.yield
    }) : () -> ()
    %barrier3A_37 = arith.constant 0 : index
    tpu.barrier barrier_id(%barrier3A_37)
    %mul3A_38 = arith.constant 51200 : i32
    %mul3A_39 = arith.muli %arg1, %mul3A_38 : i32
    %mul3A_40 = arith.constant 819200 : i32
    %mul3A_41 = arith.muli %add3A_20, %mul3A_40 : i32
    %mul3A_42 = arith.constant 51200 : i32
    %mul3A_43 = arith.muli %arg1, %mul3A_42 : i32
    %add3A_44 = arith.addi %mul3A_41, %mul3A_43 : i32
    "tpu.region"() ({
      %run_scoped3A = tpu.sem_alloc : memref<!tpu.dma_semaphore, #tpu.memory_space<semaphore_mem>>
      %dma_start3A_135 = tpu.memref_slice %arg8[%add3A_44] : memref<6553600xf32, #tpu.memory_space<hbm>> -> memref<51200xf32, #tpu.memory_space<hbm>>
      %dma_start3A_136 = tpu.memref_slice %arg19[%mul3A_39] : memref<819200xf32, #tpu.memory_space<vmem_shared>> -> memref<51200xf32, #tpu.memory_space<vmem_shared>>
      tpu.enqueue_dma source(%dma_start3A_136 : memref<51200xf32, #tpu.memory_space<vmem_shared>>) target(%dma_start3A_135 : memref<51200xf32, #tpu.memory_space<hbm>>) target_semaphore(%run_scoped3A : memref<!tpu.dma_semaphore, #tpu.memory_space<semaphore_mem>>)
      %dma_wait3A_137 = tpu.memref_slice %arg8[%add3A_44] : memref<6553600xf32, #tpu.memory_space<hbm>> -> memref<51200xf32, #tpu.memory_space<hbm>>
      %dma_wait3A_138 = tpu.memref_slice %arg19[%mul3A_39] : memref<819200xf32, #tpu.memory_space<vmem_shared>> -> memref<51200xf32, #tpu.memory_space<vmem_shared>>
      tpu.wait_dma2 semaphore(%run_scoped3A : memref<!tpu.dma_semaphore, #tpu.memory_space<semaphore_mem>>) src(%dma_wait3A_138 : memref<51200xf32, #tpu.memory_space<vmem_shared>>) dst(%dma_wait3A_137 : memref<51200xf32, #tpu.memory_space<hbm>>)
      tpu.yield
    }) : () -> ()
    %barrier3A_45 = arith.constant 0 : index
    tpu.barrier barrier_id(%barrier3A_45)
    %mul3A_46 = arith.constant 4 : i32
    %mul3A_47 = arith.muli %arg0, %mul3A_46 : i32
    %add3A_48 = arith.constant 1 : i32
    %add3A_49 = arith.addi %mul3A_47, %add3A_48 : i32
    %mul3A_50 = arith.constant 320 : i32
    %mul3A_51 = arith.muli %add3A_49, %mul3A_50 : i32
    %mul3A_52 = arith.constant 51200 : i32
    %mul3A_53 = arith.muli %arg1, %mul3A_52 : i32
    %mul3A_54 = arith.constant 51200 : i32
    %mul3A_55 = arith.muli %arg1, %mul3A_54 : i32
    %dma_start3A_56 = tpu.memref_slice %arg19[%mul3A_55] : memref<819200xf32, #tpu.memory_space<vmem_shared>> -> memref<51200xf32, #tpu.memory_space<vmem_shared>>
    %dma_start3A_57 = tpu.memref_slice %arg7[%mul3A_53] : memref<819200xf32, #tpu.memory_space<hbm>> -> memref<51200xf32, #tpu.memory_space<hbm>>
    tpu.enqueue_dma source(%dma_start3A_57 : memref<51200xf32, #tpu.memory_space<hbm>>) target(%dma_start3A_56 : memref<51200xf32, #tpu.memory_space<vmem_shared>>) target_semaphore(%arg20 : memref<!tpu.dma_semaphore, #tpu.memory_space<semaphore_mem>>)
    %scan3A_58 = arith.constant 0 : i32
    %scan3A_59 = arith.constant 0 : i32
    %scan3A_60 = arith.constant 320 : i32
    %scan3A_61 = arith.addi %scan3A_59, %scan3A_60 : i32
    %scan3A_62 = arith.constant 1 : i32
    scf.for %scan3A_135 = %scan3A_59 to %scan3A_61 step %scan3A_62  : i32 {
      %mul3A_136 = arith.constant 16 : i32
      %mul3A_137 = arith.muli %scan3A_135, %mul3A_136 : i32
      %add3A_138 = arith.constant 5120 : i32
      %add3A_139 = arith.addi %add3A_138, %mul3A_137 : i32
      %mul3A_140 = arith.constant 16 : i32
      %mul3A_141 = arith.muli %scan3A_135, %mul3A_140 : i32
      %get3A_142 = arith.index_cast %mul3A_141 : i32 to index
      %get3A_143 = tpu.vector_load %arg10[%get3A_142] {strides = array<i32>} : memref<5120xi32, #tpu.memory_space<vmem>>, vector<16xi32>,
      %get3A_144 = vector.shape_cast %get3A_143 : vector<16xi32> to vector<16xi32>
      %get3A_145 = arith.index_cast %mul3A_141 : i32 to index
      %get3A_146 = tpu.vector_load %arg11[%get3A_145] {strides = array<i32>} : memref<5120xi32, #tpu.memory_space<vmem>>, vector<16xi32>,
      %get3A_147 = vector.shape_cast %get3A_146 : vector<16xi32> to vector<16xi32>
      %get3A_148 = arith.index_cast %mul3A_141 : i32 to index
      %get3A_149 = tpu.vector_load %arg14[%get3A_148] {strides = array<i32>} : memref<5120xf32, #tpu.memory_space<vmem>>, vector<16xf32>,
      %get3A_150 = vector.shape_cast %get3A_149 : vector<16xf32> to vector<16xf32>
      %sub3A = vector.broadcast %mul3A_51 : i32 to vector<16xi32>
      %sub3A_151 = arith.subi %get3A_147, %sub3A : vector<16xi32>
      %ge3A = arith.constant 0 : i32
      %ge3A_152 = vector.broadcast %ge3A : i32 to vector<16xi32>
      %ge3A_153 = arith.cmpi sge, %sub3A_151, %ge3A_152 : vector<16xi32>
      %lt3A = arith.constant 320 : i32
      %lt3A_154 = vector.broadcast %lt3A : i32 to vector<16xi32>
      %lt3A_155 = arith.cmpi slt, %sub3A_151, %lt3A_154 : vector<16xi32>
      %and3A = arith.andi %ge3A_153, %lt3A_155 : vector<16xi1>
      %mul3A_156 = arith.constant 5120 : i32
      %mul3A_157 = arith.muli %arg1, %mul3A_156 : i32
      %mul3A_158 = arith.constant 16 : i32
      %mul3A_159 = arith.muli %scan3A_135, %mul3A_158 : i32
      %add3A_160 = arith.addi %mul3A_157, %mul3A_159 : i32
      %iota3A = tpu.iota {dimensions = array<i32: 0>} : vector<16xi32>
      %add3A_161 = vector.broadcast %add3A_160 : i32 to vector<16xi32>
      %add3A_162 = arith.addi %add3A_161, %iota3A : vector<16xi32>
      %jit3A = arith.constant 0.000000e+00 : f32
      %broadcast_in_dim3A = vector.broadcast %jit3A : f32 to vector<16xf32>
      %select_n3A = arith.select %and3A, %get3A_150, %broadcast_in_dim3A : vector<16xi1>, vector<16xf32>
      %swap3A = arith.index_cast %add3A_139 : i32 to index
      %swap3A_163 = tpu.vector_load %arg15[%swap3A] {strides = array<i32>} : memref<20480xf32, #tpu.memory_space<vmem>>, vector<16xf32>,
      %swap3A_164 = vector.shape_cast %swap3A_163 : vector<16xf32> to vector<16xf32>
      %swap3A_165 = vector.shape_cast %select_n3A : vector<16xf32> to vector<16xf32>
      tpu.vector_store %arg15[%swap3A], %swap3A_165 {strides = array<i32>} : memref<20480xf32, #tpu.memory_space<vmem>>, vector<16xf32>,
      %mul3A_166 = arith.constant 2560 : i32
      %mul3A_167 = vector.broadcast %mul3A_166 : i32 to vector<16xi32>
      %mul3A_168 = arith.muli %sub3A_151, %mul3A_167 : vector<16xi32>
      %add3A_169 = arith.addi %mul3A_168, %get3A_144 : vector<16xi32>
      %select_n3A_170 = arith.select %and3A, %add3A_169, %add3A_162 : vector<16xi1>, vector<16xi32>
      %swap3A_171 = arith.index_cast %add3A_139 : i32 to index
      %swap3A_172 = tpu.vector_load %arg16[%swap3A_171] {strides = array<i32>} : memref<20480xi32, #tpu.memory_space<vmem>>, vector<16xi32>,
      %swap3A_173 = vector.shape_cast %swap3A_172 : vector<16xi32> to vector<16xi32>
      %swap3A_174 = vector.shape_cast %select_n3A_170 : vector<16xi32> to vector<16xi32>
      tpu.vector_store %arg16[%swap3A_171], %swap3A_174 {strides = array<i32>} : memref<20480xi32, #tpu.memory_space<vmem>>, vector<16xi32>,
    }
    %scan3A_63 = arith.constant 320 : i32
    %dma_wait3A_64 = tpu.memref_slice %arg19[%mul3A_55] : memref<819200xf32, #tpu.memory_space<vmem_shared>> -> memref<51200xf32, #tpu.memory_space<vmem_shared>>
    %dma_wait3A_65 = tpu.memref_slice %arg7[%mul3A_53] : memref<819200xf32, #tpu.memory_space<hbm>> -> memref<51200xf32, #tpu.memory_space<hbm>>
    tpu.wait_dma2 semaphore(%arg20 : memref<!tpu.dma_semaphore, #tpu.memory_space<semaphore_mem>>) src(%dma_wait3A_65 : memref<51200xf32, #tpu.memory_space<hbm>>) dst(%dma_wait3A_64 : memref<51200xf32, #tpu.memory_space<vmem_shared>>)
    %barrier3A_66 = arith.constant 0 : index
    tpu.barrier barrier_id(%barrier3A_66)
    "tpu.region"() ({
      %run_scoped3A = tpu.sem_alloc : memref<!tpu.dma_semaphore, #tpu.memory_space<semaphore_mem>>
      %dma_start3A_135 = arith.constant 5120 : i32
      %dma_start3A_136 = tpu.memref_slice %arg15[%dma_start3A_135] : memref<20480xf32, #tpu.memory_space<vmem>> -> memref<5120xf32, #tpu.memory_space<vmem>>
      %dma_start3A_137 = arith.constant 5120 : i32
      %dma_start3A_138 = tpu.memref_slice %arg16[%dma_start3A_137] : memref<20480xi32, #tpu.memory_space<vmem>> -> memref<5120xi32, #tpu.memory_space<vmem>>
      %dma_start3A_139 = arith.constant 0 : i32
      %dma_start3A_140 = tpu.memref_slice %arg19[%dma_start3A_139] : memref<819200xf32, #tpu.memory_space<vmem_shared>> -> memref<819200xf32, #tpu.memory_space<vmem_shared>>
      tpu.enqueue_indirect_dma source(%dma_start3A_136 : memref<5120xf32, #tpu.memory_space<vmem>>) target(%dma_start3A_140 : memref<819200xf32, #tpu.memory_space<vmem_shared>>) offsets(%dma_start3A_138 : memref<5120xi32, #tpu.memory_space<vmem>>) semaphore(%run_scoped3A : memref<!tpu.dma_semaphore, #tpu.memory_space<semaphore_mem>>) {add = true}
      %dma_wait3A_141 = arith.constant 5120 : i32
      %dma_wait3A_142 = tpu.memref_slice %arg15[%dma_wait3A_141] : memref<20480xf32, #tpu.memory_space<vmem>> -> memref<5120xf32, #tpu.memory_space<vmem>>
      %dma_wait3A_143 = arith.constant 5120 : i32
      %dma_wait3A_144 = tpu.memref_slice %arg16[%dma_wait3A_143] : memref<20480xi32, #tpu.memory_space<vmem>> -> memref<5120xi32, #tpu.memory_space<vmem>>
      %dma_wait3A_145 = arith.constant 0 : i32
      %dma_wait3A_146 = tpu.memref_slice %arg19[%dma_wait3A_145] : memref<819200xf32, #tpu.memory_space<vmem_shared>> -> memref<819200xf32, #tpu.memory_space<vmem_shared>>
      tpu.wait_indirect_dma semaphore(%run_scoped3A : memref<!tpu.dma_semaphore, #tpu.memory_space<semaphore_mem>>) src(%dma_wait3A_142 : memref<5120xf32, #tpu.memory_space<vmem>>) dst(%dma_wait3A_146 : memref<819200xf32, #tpu.memory_space<vmem_shared>>)
      tpu.yield
    }) : () -> ()
    "tpu.region"() ({
      %run_scoped3A = tpu.sem_alloc : memref<!tpu.dma_semaphore, #tpu.memory_space<semaphore_mem>>
      %dma_start3A_135 = arith.constant 0 : i32
      %dma_start3A_136 = tpu.memref_slice %arg19[%dma_start3A_135] : memref<819200xf32, #tpu.memory_space<vmem_shared>> -> memref<819200xf32, #tpu.memory_space<vmem_shared>>
      tpu.enqueue_indirect_dma source(%arg17 : memref<128xf32, #tpu.memory_space<vmem>>) target(%dma_start3A_136 : memref<819200xf32, #tpu.memory_space<vmem_shared>>) offsets(%arg18 : memref<128xi32, #tpu.memory_space<vmem>>) semaphore(%run_scoped3A : memref<!tpu.dma_semaphore, #tpu.memory_space<semaphore_mem>>) {add = true}
      %dma_wait3A_137 = arith.constant 0 : i32
      %dma_wait3A_138 = tpu.memref_slice %arg19[%dma_wait3A_137] : memref<819200xf32, #tpu.memory_space<vmem_shared>> -> memref<819200xf32, #tpu.memory_space<vmem_shared>>
      tpu.wait_indirect_dma semaphore(%run_scoped3A : memref<!tpu.dma_semaphore, #tpu.memory_space<semaphore_mem>>) src(%arg17 : memref<128xf32, #tpu.memory_space<vmem>>) dst(%dma_wait3A_138 : memref<819200xf32, #tpu.memory_space<vmem_shared>>)
      tpu.yield
    }) : () -> ()
    "tpu.region"() ({
      %run_scoped3A = tpu.sem_alloc : memref<!tpu.dma_semaphore, #tpu.memory_space<semaphore_mem>>
      %dma_start3A_135 = arith.constant 0 : i32
      %dma_start3A_136 = tpu.memref_slice %arg19[%dma_start3A_135] : memref<819200xf32, #tpu.memory_space<vmem_shared>> -> memref<819200xf32, #tpu.memory_space<vmem_shared>>
      tpu.enqueue_indirect_dma source(%arg17 : memref<128xf32, #tpu.memory_space<vmem>>) target(%dma_start3A_136 : memref<819200xf32, #tpu.memory_space<vmem_shared>>) offsets(%arg18 : memref<128xi32, #tpu.memory_space<vmem>>) semaphore(%run_scoped3A : memref<!tpu.dma_semaphore, #tpu.memory_space<semaphore_mem>>) {add = true}
      %dma_wait3A_137 = arith.constant 0 : i32
      %dma_wait3A_138 = tpu.memref_slice %arg19[%dma_wait3A_137] : memref<819200xf32, #tpu.memory_space<vmem_shared>> -> memref<819200xf32, #tpu.memory_space<vmem_shared>>
      tpu.wait_indirect_dma semaphore(%run_scoped3A : memref<!tpu.dma_semaphore, #tpu.memory_space<semaphore_mem>>) src(%arg17 : memref<128xf32, #tpu.memory_space<vmem>>) dst(%dma_wait3A_138 : memref<819200xf32, #tpu.memory_space<vmem_shared>>)
      tpu.yield
    }) : () -> ()
    %barrier3A_67 = arith.constant 0 : index
    tpu.barrier barrier_id(%barrier3A_67)
    %mul3A_68 = arith.constant 51200 : i32
    %mul3A_69 = arith.muli %arg1, %mul3A_68 : i32
    %mul3A_70 = arith.constant 819200 : i32
    %mul3A_71 = arith.muli %add3A_49, %mul3A_70 : i32
    %mul3A_72 = arith.constant 51200 : i32
    %mul3A_73 = arith.muli %arg1, %mul3A_72 : i32
    %add3A_74 = arith.addi %mul3A_71, %mul3A_73 : i32
    "tpu.region"() ({
      %run_scoped3A = tpu.sem_alloc : memref<!tpu.dma_semaphore, #tpu.memory_space<semaphore_mem>>
      %dma_start3A_135 = tpu.memref_slice %arg8[%add3A_74] : memref<6553600xf32, #tpu.memory_space<hbm>> -> memref<51200xf32, #tpu.memory_space<hbm>>
      %dma_start3A_136 = tpu.memref_slice %arg19[%mul3A_69] : memref<819200xf32, #tpu.memory_space<vmem_shared>> -> memref<51200xf32, #tpu.memory_space<vmem_shared>>
      tpu.enqueue_dma source(%dma_start3A_136 : memref<51200xf32, #tpu.memory_space<vmem_shared>>) target(%dma_start3A_135 : memref<51200xf32, #tpu.memory_space<hbm>>) target_semaphore(%run_scoped3A : memref<!tpu.dma_semaphore, #tpu.memory_space<semaphore_mem>>)
      %dma_wait3A_137 = tpu.memref_slice %arg8[%add3A_74] : memref<6553600xf32, #tpu.memory_space<hbm>> -> memref<51200xf32, #tpu.memory_space<hbm>>
      %dma_wait3A_138 = tpu.memref_slice %arg19[%mul3A_69] : memref<819200xf32, #tpu.memory_space<vmem_shared>> -> memref<51200xf32, #tpu.memory_space<vmem_shared>>
      tpu.wait_dma2 semaphore(%run_scoped3A : memref<!tpu.dma_semaphore, #tpu.memory_space<semaphore_mem>>) src(%dma_wait3A_138 : memref<51200xf32, #tpu.memory_space<vmem_shared>>) dst(%dma_wait3A_137 : memref<51200xf32, #tpu.memory_space<hbm>>)
      tpu.yield
    }) : () -> ()
    %barrier3A_75 = arith.constant 0 : index
    tpu.barrier barrier_id(%barrier3A_75)
    %mul3A_76 = arith.constant 4 : i32
    %mul3A_77 = arith.muli %arg0, %mul3A_76 : i32
    %add3A_78 = arith.constant 2 : i32
    %add3A_79 = arith.addi %mul3A_77, %add3A_78 : i32
    %mul3A_80 = arith.constant 320 : i32
    %mul3A_81 = arith.muli %add3A_79, %mul3A_80 : i32
    %mul3A_82 = arith.constant 51200 : i32
    %mul3A_83 = arith.muli %arg1, %mul3A_82 : i32
    %mul3A_84 = arith.constant 51200 : i32
    %mul3A_85 = arith.muli %arg1, %mul3A_84 : i32
    %dma_start3A_86 = tpu.memref_slice %arg19[%mul3A_85] : memref<819200xf32, #tpu.memory_space<vmem_shared>> -> memref<51200xf32, #tpu.memory_space<vmem_shared>>
    %dma_start3A_87 = tpu.memref_slice %arg7[%mul3A_83] : memref<819200xf32, #tpu.memory_space<hbm>> -> memref<51200xf32, #tpu.memory_space<hbm>>
    tpu.enqueue_dma source(%dma_start3A_87 : memref<51200xf32, #tpu.memory_space<hbm>>) target(%dma_start3A_86 : memref<51200xf32, #tpu.memory_space<vmem_shared>>) target_semaphore(%arg20 : memref<!tpu.dma_semaphore, #tpu.memory_space<semaphore_mem>>)
    %scan3A_88 = arith.constant 0 : i32
    %scan3A_89 = arith.constant 0 : i32
    %scan3A_90 = arith.constant 320 : i32
    %scan3A_91 = arith.addi %scan3A_89, %scan3A_90 : i32
    %scan3A_92 = arith.constant 1 : i32
    scf.for %scan3A_135 = %scan3A_89 to %scan3A_91 step %scan3A_92  : i32 {
      %mul3A_136 = arith.constant 16 : i32
      %mul3A_137 = arith.muli %scan3A_135, %mul3A_136 : i32
      %add3A_138 = arith.constant 10240 : i32
      %add3A_139 = arith.addi %add3A_138, %mul3A_137 : i32
      %mul3A_140 = arith.constant 16 : i32
      %mul3A_141 = arith.muli %scan3A_135, %mul3A_140 : i32
      %get3A_142 = arith.index_cast %mul3A_141 : i32 to index
      %get3A_143 = tpu.vector_load %arg10[%get3A_142] {strides = array<i32>} : memref<5120xi32, #tpu.memory_space<vmem>>, vector<16xi32>,
      %get3A_144 = vector.shape_cast %get3A_143 : vector<16xi32> to vector<16xi32>
      %get3A_145 = arith.index_cast %mul3A_141 : i32 to index
      %get3A_146 = tpu.vector_load %arg11[%get3A_145] {strides = array<i32>} : memref<5120xi32, #tpu.memory_space<vmem>>, vector<16xi32>,
      %get3A_147 = vector.shape_cast %get3A_146 : vector<16xi32> to vector<16xi32>
      %get3A_148 = arith.index_cast %mul3A_141 : i32 to index
      %get3A_149 = tpu.vector_load %arg14[%get3A_148] {strides = array<i32>} : memref<5120xf32, #tpu.memory_space<vmem>>, vector<16xf32>,
      %get3A_150 = vector.shape_cast %get3A_149 : vector<16xf32> to vector<16xf32>
      %sub3A = vector.broadcast %mul3A_81 : i32 to vector<16xi32>
      %sub3A_151 = arith.subi %get3A_147, %sub3A : vector<16xi32>
      %ge3A = arith.constant 0 : i32
      %ge3A_152 = vector.broadcast %ge3A : i32 to vector<16xi32>
      %ge3A_153 = arith.cmpi sge, %sub3A_151, %ge3A_152 : vector<16xi32>
      %lt3A = arith.constant 320 : i32
      %lt3A_154 = vector.broadcast %lt3A : i32 to vector<16xi32>
      %lt3A_155 = arith.cmpi slt, %sub3A_151, %lt3A_154 : vector<16xi32>
      %and3A = arith.andi %ge3A_153, %lt3A_155 : vector<16xi1>
      %mul3A_156 = arith.constant 5120 : i32
      %mul3A_157 = arith.muli %arg1, %mul3A_156 : i32
      %mul3A_158 = arith.constant 16 : i32
      %mul3A_159 = arith.muli %scan3A_135, %mul3A_158 : i32
      %add3A_160 = arith.addi %mul3A_157, %mul3A_159 : i32
      %iota3A = tpu.iota {dimensions = array<i32: 0>} : vector<16xi32>
      %add3A_161 = vector.broadcast %add3A_160 : i32 to vector<16xi32>
      %add3A_162 = arith.addi %add3A_161, %iota3A : vector<16xi32>
      %jit3A = arith.constant 0.000000e+00 : f32
      %broadcast_in_dim3A = vector.broadcast %jit3A : f32 to vector<16xf32>
      %select_n3A = arith.select %and3A, %get3A_150, %broadcast_in_dim3A : vector<16xi1>, vector<16xf32>
      %swap3A = arith.index_cast %add3A_139 : i32 to index
      %swap3A_163 = tpu.vector_load %arg15[%swap3A] {strides = array<i32>} : memref<20480xf32, #tpu.memory_space<vmem>>, vector<16xf32>,
      %swap3A_164 = vector.shape_cast %swap3A_163 : vector<16xf32> to vector<16xf32>
      %swap3A_165 = vector.shape_cast %select_n3A : vector<16xf32> to vector<16xf32>
      tpu.vector_store %arg15[%swap3A], %swap3A_165 {strides = array<i32>} : memref<20480xf32, #tpu.memory_space<vmem>>, vector<16xf32>,
      %mul3A_166 = arith.constant 2560 : i32
      %mul3A_167 = vector.broadcast %mul3A_166 : i32 to vector<16xi32>
      %mul3A_168 = arith.muli %sub3A_151, %mul3A_167 : vector<16xi32>
      %add3A_169 = arith.addi %mul3A_168, %get3A_144 : vector<16xi32>
      %select_n3A_170 = arith.select %and3A, %add3A_169, %add3A_162 : vector<16xi1>, vector<16xi32>
      %swap3A_171 = arith.index_cast %add3A_139 : i32 to index
      %swap3A_172 = tpu.vector_load %arg16[%swap3A_171] {strides = array<i32>} : memref<20480xi32, #tpu.memory_space<vmem>>, vector<16xi32>,
      %swap3A_173 = vector.shape_cast %swap3A_172 : vector<16xi32> to vector<16xi32>
      %swap3A_174 = vector.shape_cast %select_n3A_170 : vector<16xi32> to vector<16xi32>
      tpu.vector_store %arg16[%swap3A_171], %swap3A_174 {strides = array<i32>} : memref<20480xi32, #tpu.memory_space<vmem>>, vector<16xi32>,
    }
    %scan3A_93 = arith.constant 320 : i32
    %dma_wait3A_94 = tpu.memref_slice %arg19[%mul3A_85] : memref<819200xf32, #tpu.memory_space<vmem_shared>> -> memref<51200xf32, #tpu.memory_space<vmem_shared>>
    %dma_wait3A_95 = tpu.memref_slice %arg7[%mul3A_83] : memref<819200xf32, #tpu.memory_space<hbm>> -> memref<51200xf32, #tpu.memory_space<hbm>>
    tpu.wait_dma2 semaphore(%arg20 : memref<!tpu.dma_semaphore, #tpu.memory_space<semaphore_mem>>) src(%dma_wait3A_95 : memref<51200xf32, #tpu.memory_space<hbm>>) dst(%dma_wait3A_94 : memref<51200xf32, #tpu.memory_space<vmem_shared>>)
    %barrier3A_96 = arith.constant 0 : index
    tpu.barrier barrier_id(%barrier3A_96)
    "tpu.region"() ({
      %run_scoped3A = tpu.sem_alloc : memref<!tpu.dma_semaphore, #tpu.memory_space<semaphore_mem>>
      %dma_start3A_135 = arith.constant 10240 : i32
      %dma_start3A_136 = tpu.memref_slice %arg15[%dma_start3A_135] : memref<20480xf32, #tpu.memory_space<vmem>> -> memref<5120xf32, #tpu.memory_space<vmem>>
      %dma_start3A_137 = arith.constant 10240 : i32
      %dma_start3A_138 = tpu.memref_slice %arg16[%dma_start3A_137] : memref<20480xi32, #tpu.memory_space<vmem>> -> memref<5120xi32, #tpu.memory_space<vmem>>
      %dma_start3A_139 = arith.constant 0 : i32
      %dma_start3A_140 = tpu.memref_slice %arg19[%dma_start3A_139] : memref<819200xf32, #tpu.memory_space<vmem_shared>> -> memref<819200xf32, #tpu.memory_space<vmem_shared>>
      tpu.enqueue_indirect_dma source(%dma_start3A_136 : memref<5120xf32, #tpu.memory_space<vmem>>) target(%dma_start3A_140 : memref<819200xf32, #tpu.memory_space<vmem_shared>>) offsets(%dma_start3A_138 : memref<5120xi32, #tpu.memory_space<vmem>>) semaphore(%run_scoped3A : memref<!tpu.dma_semaphore, #tpu.memory_space<semaphore_mem>>) {add = true}
      %dma_wait3A_141 = arith.constant 10240 : i32
      %dma_wait3A_142 = tpu.memref_slice %arg15[%dma_wait3A_141] : memref<20480xf32, #tpu.memory_space<vmem>> -> memref<5120xf32, #tpu.memory_space<vmem>>
      %dma_wait3A_143 = arith.constant 10240 : i32
      %dma_wait3A_144 = tpu.memref_slice %arg16[%dma_wait3A_143] : memref<20480xi32, #tpu.memory_space<vmem>> -> memref<5120xi32, #tpu.memory_space<vmem>>
      %dma_wait3A_145 = arith.constant 0 : i32
      %dma_wait3A_146 = tpu.memref_slice %arg19[%dma_wait3A_145] : memref<819200xf32, #tpu.memory_space<vmem_shared>> -> memref<819200xf32, #tpu.memory_space<vmem_shared>>
      tpu.wait_indirect_dma semaphore(%run_scoped3A : memref<!tpu.dma_semaphore, #tpu.memory_space<semaphore_mem>>) src(%dma_wait3A_142 : memref<5120xf32, #tpu.memory_space<vmem>>) dst(%dma_wait3A_146 : memref<819200xf32, #tpu.memory_space<vmem_shared>>)
      tpu.yield
    }) : () -> ()
    "tpu.region"() ({
      %run_scoped3A = tpu.sem_alloc : memref<!tpu.dma_semaphore, #tpu.memory_space<semaphore_mem>>
      %dma_start3A_135 = arith.constant 0 : i32
      %dma_start3A_136 = tpu.memref_slice %arg19[%dma_start3A_135] : memref<819200xf32, #tpu.memory_space<vmem_shared>> -> memref<819200xf32, #tpu.memory_space<vmem_shared>>
      tpu.enqueue_indirect_dma source(%arg17 : memref<128xf32, #tpu.memory_space<vmem>>) target(%dma_start3A_136 : memref<819200xf32, #tpu.memory_space<vmem_shared>>) offsets(%arg18 : memref<128xi32, #tpu.memory_space<vmem>>) semaphore(%run_scoped3A : memref<!tpu.dma_semaphore, #tpu.memory_space<semaphore_mem>>) {add = true}
      %dma_wait3A_137 = arith.constant 0 : i32
      %dma_wait3A_138 = tpu.memref_slice %arg19[%dma_wait3A_137] : memref<819200xf32, #tpu.memory_space<vmem_shared>> -> memref<819200xf32, #tpu.memory_space<vmem_shared>>
      tpu.wait_indirect_dma semaphore(%run_scoped3A : memref<!tpu.dma_semaphore, #tpu.memory_space<semaphore_mem>>) src(%arg17 : memref<128xf32, #tpu.memory_space<vmem>>) dst(%dma_wait3A_138 : memref<819200xf32, #tpu.memory_space<vmem_shared>>)
      tpu.yield
    }) : () -> ()
    "tpu.region"() ({
      %run_scoped3A = tpu.sem_alloc : memref<!tpu.dma_semaphore, #tpu.memory_space<semaphore_mem>>
      %dma_start3A_135 = arith.constant 0 : i32
      %dma_start3A_136 = tpu.memref_slice %arg19[%dma_start3A_135] : memref<819200xf32, #tpu.memory_space<vmem_shared>> -> memref<819200xf32, #tpu.memory_space<vmem_shared>>
      tpu.enqueue_indirect_dma source(%arg17 : memref<128xf32, #tpu.memory_space<vmem>>) target(%dma_start3A_136 : memref<819200xf32, #tpu.memory_space<vmem_shared>>) offsets(%arg18 : memref<128xi32, #tpu.memory_space<vmem>>) semaphore(%run_scoped3A : memref<!tpu.dma_semaphore, #tpu.memory_space<semaphore_mem>>) {add = true}
      %dma_wait3A_137 = arith.constant 0 : i32
      %dma_wait3A_138 = tpu.memref_slice %arg19[%dma_wait3A_137] : memref<819200xf32, #tpu.memory_space<vmem_shared>> -> memref<819200xf32, #tpu.memory_space<vmem_shared>>
      tpu.wait_indirect_dma semaphore(%run_scoped3A : memref<!tpu.dma_semaphore, #tpu.memory_space<semaphore_mem>>) src(%arg17 : memref<128xf32, #tpu.memory_space<vmem>>) dst(%dma_wait3A_138 : memref<819200xf32, #tpu.memory_space<vmem_shared>>)
      tpu.yield
    }) : () -> ()
    %barrier3A_97 = arith.constant 0 : index
    tpu.barrier barrier_id(%barrier3A_97)
    %mul3A_98 = arith.constant 51200 : i32
    %mul3A_99 = arith.muli %arg1, %mul3A_98 : i32
    %mul3A_100 = arith.constant 819200 : i32
    %mul3A_101 = arith.muli %add3A_79, %mul3A_100 : i32
    %mul3A_102 = arith.constant 51200 : i32
    %mul3A_103 = arith.muli %arg1, %mul3A_102 : i32
    %add3A_104 = arith.addi %mul3A_101, %mul3A_103 : i32
    "tpu.region"() ({
      %run_scoped3A = tpu.sem_alloc : memref<!tpu.dma_semaphore, #tpu.memory_space<semaphore_mem>>
      %dma_start3A_135 = tpu.memref_slice %arg8[%add3A_104] : memref<6553600xf32, #tpu.memory_space<hbm>> -> memref<51200xf32, #tpu.memory_space<hbm>>
      %dma_start3A_136 = tpu.memref_slice %arg19[%mul3A_99] : memref<819200xf32, #tpu.memory_space<vmem_shared>> -> memref<51200xf32, #tpu.memory_space<vmem_shared>>
      tpu.enqueue_dma source(%dma_start3A_136 : memref<51200xf32, #tpu.memory_space<vmem_shared>>) target(%dma_start3A_135 : memref<51200xf32, #tpu.memory_space<hbm>>) target_semaphore(%run_scoped3A : memref<!tpu.dma_semaphore, #tpu.memory_space<semaphore_mem>>)
      %dma_wait3A_137 = tpu.memref_slice %arg8[%add3A_104] : memref<6553600xf32, #tpu.memory_space<hbm>> -> memref<51200xf32, #tpu.memory_space<hbm>>
      %dma_wait3A_138 = tpu.memref_slice %arg19[%mul3A_99] : memref<819200xf32, #tpu.memory_space<vmem_shared>> -> memref<51200xf32, #tpu.memory_space<vmem_shared>>
      tpu.wait_dma2 semaphore(%run_scoped3A : memref<!tpu.dma_semaphore, #tpu.memory_space<semaphore_mem>>) src(%dma_wait3A_138 : memref<51200xf32, #tpu.memory_space<vmem_shared>>) dst(%dma_wait3A_137 : memref<51200xf32, #tpu.memory_space<hbm>>)
      tpu.yield
    }) : () -> ()
    %barrier3A_105 = arith.constant 0 : index
    tpu.barrier barrier_id(%barrier3A_105)
    %mul3A_106 = arith.constant 4 : i32
    %mul3A_107 = arith.muli %arg0, %mul3A_106 : i32
    %add3A_108 = arith.constant 3 : i32
    %add3A_109 = arith.addi %mul3A_107, %add3A_108 : i32
    %mul3A_110 = arith.constant 320 : i32
    %mul3A_111 = arith.muli %add3A_109, %mul3A_110 : i32
    %mul3A_112 = arith.constant 51200 : i32
    %mul3A_113 = arith.muli %arg1, %mul3A_112 : i32
    %mul3A_114 = arith.constant 51200 : i32
    %mul3A_115 = arith.muli %arg1, %mul3A_114 : i32
    %dma_start3A_116 = tpu.memref_slice %arg19[%mul3A_115] : memref<819200xf32, #tpu.memory_space<vmem_shared>> -> memref<51200xf32, #tpu.memory_space<vmem_shared>>
    %dma_start3A_117 = tpu.memref_slice %arg7[%mul3A_113] : memref<819200xf32, #tpu.memory_space<hbm>> -> memref<51200xf32, #tpu.memory_space<hbm>>
    tpu.enqueue_dma source(%dma_start3A_117 : memref<51200xf32, #tpu.memory_space<hbm>>) target(%dma_start3A_116 : memref<51200xf32, #tpu.memory_space<vmem_shared>>) target_semaphore(%arg20 : memref<!tpu.dma_semaphore, #tpu.memory_space<semaphore_mem>>)
    %scan3A_118 = arith.constant 0 : i32
    %scan3A_119 = arith.constant 0 : i32
    %scan3A_120 = arith.constant 320 : i32
    %scan3A_121 = arith.addi %scan3A_119, %scan3A_120 : i32
    %scan3A_122 = arith.constant 1 : i32
    scf.for %scan3A_135 = %scan3A_119 to %scan3A_121 step %scan3A_122  : i32 {
      %mul3A_136 = arith.constant 16 : i32
      %mul3A_137 = arith.muli %scan3A_135, %mul3A_136 : i32
      %add3A_138 = arith.constant 15360 : i32
      %add3A_139 = arith.addi %add3A_138, %mul3A_137 : i32
      %mul3A_140 = arith.constant 16 : i32
      %mul3A_141 = arith.muli %scan3A_135, %mul3A_140 : i32
      %get3A_142 = arith.index_cast %mul3A_141 : i32 to index
      %get3A_143 = tpu.vector_load %arg10[%get3A_142] {strides = array<i32>} : memref<5120xi32, #tpu.memory_space<vmem>>, vector<16xi32>,
      %get3A_144 = vector.shape_cast %get3A_143 : vector<16xi32> to vector<16xi32>
      %get3A_145 = arith.index_cast %mul3A_141 : i32 to index
      %get3A_146 = tpu.vector_load %arg11[%get3A_145] {strides = array<i32>} : memref<5120xi32, #tpu.memory_space<vmem>>, vector<16xi32>,
      %get3A_147 = vector.shape_cast %get3A_146 : vector<16xi32> to vector<16xi32>
      %get3A_148 = arith.index_cast %mul3A_141 : i32 to index
      %get3A_149 = tpu.vector_load %arg14[%get3A_148] {strides = array<i32>} : memref<5120xf32, #tpu.memory_space<vmem>>, vector<16xf32>,
      %get3A_150 = vector.shape_cast %get3A_149 : vector<16xf32> to vector<16xf32>
      %sub3A = vector.broadcast %mul3A_111 : i32 to vector<16xi32>
      %sub3A_151 = arith.subi %get3A_147, %sub3A : vector<16xi32>
      %ge3A = arith.constant 0 : i32
      %ge3A_152 = vector.broadcast %ge3A : i32 to vector<16xi32>
      %ge3A_153 = arith.cmpi sge, %sub3A_151, %ge3A_152 : vector<16xi32>
      %lt3A = arith.constant 320 : i32
      %lt3A_154 = vector.broadcast %lt3A : i32 to vector<16xi32>
      %lt3A_155 = arith.cmpi slt, %sub3A_151, %lt3A_154 : vector<16xi32>
      %and3A = arith.andi %ge3A_153, %lt3A_155 : vector<16xi1>
      %mul3A_156 = arith.constant 5120 : i32
      %mul3A_157 = arith.muli %arg1, %mul3A_156 : i32
      %mul3A_158 = arith.constant 16 : i32
      %mul3A_159 = arith.muli %scan3A_135, %mul3A_158 : i32
      %add3A_160 = arith.addi %mul3A_157, %mul3A_159 : i32
      %iota3A = tpu.iota {dimensions = array<i32: 0>} : vector<16xi32>
      %add3A_161 = vector.broadcast %add3A_160 : i32 to vector<16xi32>
      %add3A_162 = arith.addi %add3A_161, %iota3A : vector<16xi32>
      %jit3A = arith.constant 0.000000e+00 : f32
      %broadcast_in_dim3A = vector.broadcast %jit3A : f32 to vector<16xf32>
      %select_n3A = arith.select %and3A, %get3A_150, %broadcast_in_dim3A : vector<16xi1>, vector<16xf32>
      %swap3A = arith.index_cast %add3A_139 : i32 to index
      %swap3A_163 = tpu.vector_load %arg15[%swap3A] {strides = array<i32>} : memref<20480xf32, #tpu.memory_space<vmem>>, vector<16xf32>,
      %swap3A_164 = vector.shape_cast %swap3A_163 : vector<16xf32> to vector<16xf32>
      %swap3A_165 = vector.shape_cast %select_n3A : vector<16xf32> to vector<16xf32>
      tpu.vector_store %arg15[%swap3A], %swap3A_165 {strides = array<i32>} : memref<20480xf32, #tpu.memory_space<vmem>>, vector<16xf32>,
      %mul3A_166 = arith.constant 2560 : i32
      %mul3A_167 = vector.broadcast %mul3A_166 : i32 to vector<16xi32>
      %mul3A_168 = arith.muli %sub3A_151, %mul3A_167 : vector<16xi32>
      %add3A_169 = arith.addi %mul3A_168, %get3A_144 : vector<16xi32>
      %select_n3A_170 = arith.select %and3A, %add3A_169, %add3A_162 : vector<16xi1>, vector<16xi32>
      %swap3A_171 = arith.index_cast %add3A_139 : i32 to index
      %swap3A_172 = tpu.vector_load %arg16[%swap3A_171] {strides = array<i32>} : memref<20480xi32, #tpu.memory_space<vmem>>, vector<16xi32>,
      %swap3A_173 = vector.shape_cast %swap3A_172 : vector<16xi32> to vector<16xi32>
      %swap3A_174 = vector.shape_cast %select_n3A_170 : vector<16xi32> to vector<16xi32>
      tpu.vector_store %arg16[%swap3A_171], %swap3A_174 {strides = array<i32>} : memref<20480xi32, #tpu.memory_space<vmem>>, vector<16xi32>,
    }
    %scan3A_123 = arith.constant 320 : i32
    %dma_wait3A_124 = tpu.memref_slice %arg19[%mul3A_115] : memref<819200xf32, #tpu.memory_space<vmem_shared>> -> memref<51200xf32, #tpu.memory_space<vmem_shared>>
    %dma_wait3A_125 = tpu.memref_slice %arg7[%mul3A_113] : memref<819200xf32, #tpu.memory_space<hbm>> -> memref<51200xf32, #tpu.memory_space<hbm>>
    tpu.wait_dma2 semaphore(%arg20 : memref<!tpu.dma_semaphore, #tpu.memory_space<semaphore_mem>>) src(%dma_wait3A_125 : memref<51200xf32, #tpu.memory_space<hbm>>) dst(%dma_wait3A_124 : memref<51200xf32, #tpu.memory_space<vmem_shared>>)
    %barrier3A_126 = arith.constant 0 : index
    tpu.barrier barrier_id(%barrier3A_126)
    "tpu.region"() ({
      %run_scoped3A = tpu.sem_alloc : memref<!tpu.dma_semaphore, #tpu.memory_space<semaphore_mem>>
      %dma_start3A_135 = arith.constant 15360 : i32
      %dma_start3A_136 = tpu.memref_slice %arg15[%dma_start3A_135] : memref<20480xf32, #tpu.memory_space<vmem>> -> memref<5120xf32, #tpu.memory_space<vmem>>
      %dma_start3A_137 = arith.constant 15360 : i32
      %dma_start3A_138 = tpu.memref_slice %arg16[%dma_start3A_137] : memref<20480xi32, #tpu.memory_space<vmem>> -> memref<5120xi32, #tpu.memory_space<vmem>>
      %dma_start3A_139 = arith.constant 0 : i32
      %dma_start3A_140 = tpu.memref_slice %arg19[%dma_start3A_139] : memref<819200xf32, #tpu.memory_space<vmem_shared>> -> memref<819200xf32, #tpu.memory_space<vmem_shared>>
      tpu.enqueue_indirect_dma source(%dma_start3A_136 : memref<5120xf32, #tpu.memory_space<vmem>>) target(%dma_start3A_140 : memref<819200xf32, #tpu.memory_space<vmem_shared>>) offsets(%dma_start3A_138 : memref<5120xi32, #tpu.memory_space<vmem>>) semaphore(%run_scoped3A : memref<!tpu.dma_semaphore, #tpu.memory_space<semaphore_mem>>) {add = true}
      %dma_wait3A_141 = arith.constant 15360 : i32
      %dma_wait3A_142 = tpu.memref_slice %arg15[%dma_wait3A_141] : memref<20480xf32, #tpu.memory_space<vmem>> -> memref<5120xf32, #tpu.memory_space<vmem>>
      %dma_wait3A_143 = arith.constant 15360 : i32
      %dma_wait3A_144 = tpu.memref_slice %arg16[%dma_wait3A_143] : memref<20480xi32, #tpu.memory_space<vmem>> -> memref<5120xi32, #tpu.memory_space<vmem>>
      %dma_wait3A_145 = arith.constant 0 : i32
      %dma_wait3A_146 = tpu.memref_slice %arg19[%dma_wait3A_145] : memref<819200xf32, #tpu.memory_space<vmem_shared>> -> memref<819200xf32, #tpu.memory_space<vmem_shared>>
      tpu.wait_indirect_dma semaphore(%run_scoped3A : memref<!tpu.dma_semaphore, #tpu.memory_space<semaphore_mem>>) src(%dma_wait3A_142 : memref<5120xf32, #tpu.memory_space<vmem>>) dst(%dma_wait3A_146 : memref<819200xf32, #tpu.memory_space<vmem_shared>>)
      tpu.yield
    }) : () -> ()
    "tpu.region"() ({
      %run_scoped3A = tpu.sem_alloc : memref<!tpu.dma_semaphore, #tpu.memory_space<semaphore_mem>>
      %dma_start3A_135 = arith.constant 0 : i32
      %dma_start3A_136 = tpu.memref_slice %arg19[%dma_start3A_135] : memref<819200xf32, #tpu.memory_space<vmem_shared>> -> memref<819200xf32, #tpu.memory_space<vmem_shared>>
      tpu.enqueue_indirect_dma source(%arg17 : memref<128xf32, #tpu.memory_space<vmem>>) target(%dma_start3A_136 : memref<819200xf32, #tpu.memory_space<vmem_shared>>) offsets(%arg18 : memref<128xi32, #tpu.memory_space<vmem>>) semaphore(%run_scoped3A : memref<!tpu.dma_semaphore, #tpu.memory_space<semaphore_mem>>) {add = true}
      %dma_wait3A_137 = arith.constant 0 : i32
      %dma_wait3A_138 = tpu.memref_slice %arg19[%dma_wait3A_137] : memref<819200xf32, #tpu.memory_space<vmem_shared>> -> memref<819200xf32, #tpu.memory_space<vmem_shared>>
      tpu.wait_indirect_dma semaphore(%run_scoped3A : memref<!tpu.dma_semaphore, #tpu.memory_space<semaphore_mem>>) src(%arg17 : memref<128xf32, #tpu.memory_space<vmem>>) dst(%dma_wait3A_138 : memref<819200xf32, #tpu.memory_space<vmem_shared>>)
      tpu.yield
    }) : () -> ()
    "tpu.region"() ({
      %run_scoped3A = tpu.sem_alloc : memref<!tpu.dma_semaphore, #tpu.memory_space<semaphore_mem>>
      %dma_start3A_135 = arith.constant 0 : i32
      %dma_start3A_136 = tpu.memref_slice %arg19[%dma_start3A_135] : memref<819200xf32, #tpu.memory_space<vmem_shared>> -> memref<819200xf32, #tpu.memory_space<vmem_shared>>
      tpu.enqueue_indirect_dma source(%arg17 : memref<128xf32, #tpu.memory_space<vmem>>) target(%dma_start3A_136 : memref<819200xf32, #tpu.memory_space<vmem_shared>>) offsets(%arg18 : memref<128xi32, #tpu.memory_space<vmem>>) semaphore(%run_scoped3A : memref<!tpu.dma_semaphore, #tpu.memory_space<semaphore_mem>>) {add = true}
      %dma_wait3A_137 = arith.constant 0 : i32
      %dma_wait3A_138 = tpu.memref_slice %arg19[%dma_wait3A_137] : memref<819200xf32, #tpu.memory_space<vmem_shared>> -> memref<819200xf32, #tpu.memory_space<vmem_shared>>
      tpu.wait_indirect_dma semaphore(%run_scoped3A : memref<!tpu.dma_semaphore, #tpu.memory_space<semaphore_mem>>) src(%arg17 : memref<128xf32, #tpu.memory_space<vmem>>) dst(%dma_wait3A_138 : memref<819200xf32, #tpu.memory_space<vmem_shared>>)
      tpu.yield
    }) : () -> ()
    %barrier3A_127 = arith.constant 0 : index
    tpu.barrier barrier_id(%barrier3A_127)
    %mul3A_128 = arith.constant 51200 : i32
    %mul3A_129 = arith.muli %arg1, %mul3A_128 : i32
    %mul3A_130 = arith.constant 819200 : i32
    %mul3A_131 = arith.muli %add3A_109, %mul3A_130 : i32
    %mul3A_132 = arith.constant 51200 : i32
    %mul3A_133 = arith.muli %arg1, %mul3A_132 : i32
    %add3A_134 = arith.addi %mul3A_131, %mul3A_133 : i32
    "tpu.region"() ({
      %run_scoped3A = tpu.sem_alloc : memref<!tpu.dma_semaphore, #tpu.memory_space<semaphore_mem>>
      %dma_start3A_135 = tpu.memref_slice %arg8[%add3A_134] : memref<6553600xf32, #tpu.memory_space<hbm>> -> memref<51200xf32, #tpu.memory_space<hbm>>
      %dma_start3A_136 = tpu.memref_slice %arg19[%mul3A_129] : memref<819200xf32, #tpu.memory_space<vmem_shared>> -> memref<51200xf32, #tpu.memory_space<vmem_shared>>
      tpu.enqueue_dma source(%dma_start3A_136 : memref<51200xf32, #tpu.memory_space<vmem_shared>>) target(%dma_start3A_135 : memref<51200xf32, #tpu.memory_space<hbm>>) target_semaphore(%run_scoped3A : memref<!tpu.dma_semaphore, #tpu.memory_space<semaphore_mem>>)
      %dma_wait3A_137 = tpu.memref_slice %arg8[%add3A_134] : memref<6553600xf32, #tpu.memory_space<hbm>> -> memref<51200xf32, #tpu.memory_space<hbm>>
      %dma_wait3A_138 = tpu.memref_slice %arg19[%mul3A_129] : memref<819200xf32, #tpu.memory_space<vmem_shared>> -> memref<51200xf32, #tpu.memory_space<vmem_shared>>
      tpu.wait_dma2 semaphore(%run_scoped3A : memref<!tpu.dma_semaphore, #tpu.memory_space<semaphore_mem>>) src(%dma_wait3A_138 : memref<51200xf32, #tpu.memory_space<vmem_shared>>) dst(%dma_wait3A_137 : memref<51200xf32, #tpu.memory_space<hbm>>)
      tpu.yield
    }) : () -> ()
    return
  }
}

#map = affine_map<(d0, d1) -> (0, 0)>
#map1 = affine_map<(d0, d1) -> (0)>
module attributes {stable_mosaic.version = 14 : i64} {
  func.func @_sc_scatter_body(%arg0: i32, %arg1: i32, %arg2: memref<16x5120xi32, #tpu.memory_space<hbm>>, %arg3: memref<16x5120xi32, #tpu.memory_space<hbm>>, %arg4: memref<2560xf32, #tpu.memory_space<hbm>>, %arg5: memref<2560xf32, #tpu.memory_space<hbm>>, %arg6: memref<16xf32, #tpu.memory_space<hbm>>, %arg7: memref<819200xf32, #tpu.memory_space<hbm>>, %arg8: memref<6553600xf32, #tpu.memory_space<hbm>>, %arg9: memref<16xf32, #tpu.memory_space<vmem>>, %arg10: memref<5120xi32, #tpu.memory_space<vmem>>, %arg11: memref<5120xi32, #tpu.memory_space<vmem>>, %arg12: memref<5120xf32, #tpu.memory_space<vmem>>, %arg13: memref<5120xf32, #tpu.memory_space<vmem>>, %arg14: memref<5120xf32, #tpu.memory_space<vmem>>, %arg15: memref<20480xf32, #tpu.memory_space<vmem>>, %arg16: memref<20480xi32, #tpu.memory_space<vmem>>, %arg17: memref<128xf32, #tpu.memory_space<vmem>>, %arg18: memref<128xi32, #tpu.memory_space<vmem>>, %arg19: memref<819200xf32, #tpu.memory_space<vmem_shared>>, %arg20: memref<!tpu.dma_semaphore, #tpu.memory_space<semaphore_mem>>) attributes {dimension_semantics = [#tpu.dimension_semantics<core_parallel>, #tpu.dimension_semantics<subcore_parallel>], iteration_bounds = array<i64: 2, 16>, scalar_prefetch = 0 : i64, scratch_operands = 12 : i64, tpu.core_type = #tpu.core_type<sc_vector_subcore>, window_params = [{transform_indices = #map}, {transform_indices = #map}, {transform_indices = #map1}, {transform_indices = #map1}, {transform_indices = #map1}, {transform_indices = #map1}, {transform_indices = #map1}]} {
    "tpu.region"() ({
      %run_scoped3A = tpu.sem_alloc : memref<!tpu.dma_semaphore, #tpu.memory_space<semaphore_mem>>
      tpu.enqueue_dma source(%arg6 : memref<16xf32, #tpu.memory_space<hbm>>) target(%arg9 : memref<16xf32, #tpu.memory_space<vmem>>) target_semaphore(%run_scoped3A : memref<!tpu.dma_semaphore, #tpu.memory_space<semaphore_mem>>)
      tpu.wait_dma2 semaphore(%run_scoped3A : memref<!tpu.dma_semaphore, #tpu.memory_space<semaphore_mem>>) src(%arg6 : memref<16xf32, #tpu.memory_space<hbm>>) dst(%arg9 : memref<16xf32, #tpu.memory_space<vmem>>)
      tpu.yield
    }) : () -> ()
    "tpu.region"() ({
      %run_scoped3A = tpu.sem_alloc : memref<!tpu.dma_semaphore, #tpu.memory_space<semaphore_mem>>
      %dma_start3A_135 = arith.constant 0 : i32
      %dma_start3A_136 = tpu.memref_slice %arg2[%arg1, %dma_start3A_135] : memref<16x5120xi32, #tpu.memory_space<hbm>> -> memref<1x5120xi32, #tpu.memory_space<hbm>>
      %dma_start3A_137 = tpu.memref_squeeze %dma_start3A_136 : memref<1x5120xi32, #tpu.memory_space<hbm>> -> memref<5120xi32, #tpu.memory_space<hbm>>
      %dma_start3A_138 = arith.constant 0 : i32
      %dma_start3A_139 = tpu.memref_slice %arg2[%arg1, %dma_start3A_138] : memref<16x5120xi32, #tpu.memory_space<hbm>> -> memref<1x5120xi32, #tpu.memory_space<hbm>>
      %dma_start3A_140 = tpu.memref_squeeze %dma_start3A_139 : memref<1x5120xi32, #tpu.memory_space<hbm>> -> memref<5120xi32, #tpu.memory_space<hbm>>
      tpu.enqueue_dma source(%dma_start3A_140 : memref<5120xi32, #tpu.memory_space<hbm>>) target(%arg10 : memref<5120xi32, #tpu.memory_space<vmem>>) target_semaphore(%run_scoped3A : memref<!tpu.dma_semaphore, #tpu.memory_space<semaphore_mem>>)
      %dma_wait3A_141 = arith.constant 0 : i32
      %dma_wait3A_142 = tpu.memref_slice %arg2[%arg1, %dma_wait3A_141] : memref<16x5120xi32, #tpu.memory_space<hbm>> -> memref<1x5120xi32, #tpu.memory_space<hbm>>
      %dma_wait3A_143 = tpu.memref_squeeze %dma_wait3A_142 : memref<1x5120xi32, #tpu.memory_space<hbm>> -> memref<5120xi32, #tpu.memory_space<hbm>>
      %dma_wait3A_144 = arith.constant 0 : i32
      %dma_wait3A_145 = tpu.memref_slice %arg2[%arg1, %dma_wait3A_144] : memref<16x5120xi32, #tpu.memory_space<hbm>> -> memref<1x5120xi32, #tpu.memory_space<hbm>>
      %dma_wait3A_146 = tpu.memref_squeeze %dma_wait3A_145 : memref<1x5120xi32, #tpu.memory_space<hbm>> -> memref<5120xi32, #tpu.memory_space<hbm>>
      tpu.wait_dma2 semaphore(%run_scoped3A : memref<!tpu.dma_semaphore, #tpu.memory_space<semaphore_mem>>) src(%dma_wait3A_146 : memref<5120xi32, #tpu.memory_space<hbm>>) dst(%arg10 : memref<5120xi32, #tpu.memory_space<vmem>>)
      tpu.yield
    }) : () -> ()
    "tpu.region"() ({
      %run_scoped3A = tpu.sem_alloc : memref<!tpu.dma_semaphore, #tpu.memory_space<semaphore_mem>>
      %dma_start3A_135 = arith.constant 0 : i32
      %dma_start3A_136 = tpu.memref_slice %arg3[%arg1, %dma_start3A_135] : memref<16x5120xi32, #tpu.memory_space<hbm>> -> memref<1x5120xi32, #tpu.memory_space<hbm>>
      %dma_start3A_137 = tpu.memref_squeeze %dma_start3A_136 : memref<1x5120xi32, #tpu.memory_space<hbm>> -> memref<5120xi32, #tpu.memory_space<hbm>>
      %dma_start3A_138 = arith.constant 0 : i32
      %dma_start3A_139 = tpu.memref_slice %arg3[%arg1, %dma_start3A_138] : memref<16x5120xi32, #tpu.memory_space<hbm>> -> memref<1x5120xi32, #tpu.memory_space<hbm>>
      %dma_start3A_140 = tpu.memref_squeeze %dma_start3A_139 : memref<1x5120xi32, #tpu.memory_space<hbm>> -> memref<5120xi32, #tpu.memory_space<hbm>>
      tpu.enqueue_dma source(%dma_start3A_140 : memref<5120xi32, #tpu.memory_space<hbm>>) target(%arg11 : memref<5120xi32, #tpu.memory_space<vmem>>) target_semaphore(%run_scoped3A : memref<!tpu.dma_semaphore, #tpu.memory_space<semaphore_mem>>)
      %dma_wait3A_141 = arith.constant 0 : i32
      %dma_wait3A_142 = tpu.memref_slice %arg3[%arg1, %dma_wait3A_141] : memref<16x5120xi32, #tpu.memory_space<hbm>> -> memref<1x5120xi32, #tpu.memory_space<hbm>>
      %dma_wait3A_143 = tpu.memref_squeeze %dma_wait3A_142 : memref<1x5120xi32, #tpu.memory_space<hbm>> -> memref<5120xi32, #tpu.memory_space<hbm>>
      %dma_wait3A_144 = arith.constant 0 : i32
      %dma_wait3A_145 = tpu.memref_slice %arg3[%arg1, %dma_wait3A_144] : memref<16x5120xi32, #tpu.memory_space<hbm>> -> memref<1x5120xi32, #tpu.memory_space<hbm>>
      %dma_wait3A_146 = tpu.memref_squeeze %dma_wait3A_145 : memref<1x5120xi32, #tpu.memory_space<hbm>> -> memref<5120xi32, #tpu.memory_space<hbm>>
      tpu.wait_dma2 semaphore(%run_scoped3A : memref<!tpu.dma_semaphore, #tpu.memory_space<semaphore_mem>>) src(%dma_wait3A_146 : memref<5120xi32, #tpu.memory_space<hbm>>) dst(%arg11 : memref<5120xi32, #tpu.memory_space<vmem>>)
      tpu.yield
    }) : () -> ()
    %get3A = arith.constant 0 : index
    %get3A_0 = tpu.vector_load %arg9[%get3A] {strides = array<i32>} : memref<16xf32, #tpu.memory_space<vmem>>, vector<16xf32>,
    %get3A_1 = vector.shape_cast %get3A_0 : vector<16xf32> to vector<16xf32>
    %dma_start3A = arith.constant 0 : i32
    %dma_start3A_2 = tpu.memref_slice %arg4[%dma_start3A] : memref<2560xf32, #tpu.memory_space<hbm>> -> memref<2560xf32, #tpu.memory_space<hbm>>
    tpu.enqueue_indirect_dma source(%dma_start3A_2 : memref<2560xf32, #tpu.memory_space<hbm>>) target(%arg12 : memref<5120xf32, #tpu.memory_space<vmem>>) offsets(%arg10 : memref<5120xi32, #tpu.memory_space<vmem>>) semaphore(%arg20 : memref<!tpu.dma_semaphore, #tpu.memory_space<semaphore_mem>>)
    %dma_start3A_3 = arith.constant 0 : i32
    %dma_start3A_4 = tpu.memref_slice %arg5[%dma_start3A_3] : memref<2560xf32, #tpu.memory_space<hbm>> -> memref<2560xf32, #tpu.memory_space<hbm>>
    tpu.enqueue_indirect_dma source(%dma_start3A_4 : memref<2560xf32, #tpu.memory_space<hbm>>) target(%arg13 : memref<5120xf32, #tpu.memory_space<vmem>>) offsets(%arg11 : memref<5120xi32, #tpu.memory_space<vmem>>) semaphore(%arg20 : memref<!tpu.dma_semaphore, #tpu.memory_space<semaphore_mem>>)
    %dma_wait3A = arith.constant 0 : i32
    %dma_wait3A_5 = tpu.memref_slice %arg4[%dma_wait3A] : memref<2560xf32, #tpu.memory_space<hbm>> -> memref<2560xf32, #tpu.memory_space<hbm>>
    tpu.wait_indirect_dma semaphore(%arg20 : memref<!tpu.dma_semaphore, #tpu.memory_space<semaphore_mem>>) src(%dma_wait3A_5 : memref<2560xf32, #tpu.memory_space<hbm>>) dst(%arg12 : memref<5120xf32, #tpu.memory_space<vmem>>)
    %dma_wait3A_6 = arith.constant 0 : i32
    %dma_wait3A_7 = tpu.memref_slice %arg5[%dma_wait3A_6] : memref<2560xf32, #tpu.memory_space<hbm>> -> memref<2560xf32, #tpu.memory_space<hbm>>
    tpu.wait_indirect_dma semaphore(%arg20 : memref<!tpu.dma_semaphore, #tpu.memory_space<semaphore_mem>>) src(%dma_wait3A_7 : memref<2560xf32, #tpu.memory_space<hbm>>) dst(%arg13 : memref<5120xf32, #tpu.memory_space<vmem>>)
    %scan3A = arith.constant 0 : i32
    %scan3A_8 = arith.constant 0 : i32
    %scan3A_9 = arith.constant 320 : i32
    %scan3A_10 = arith.addi %scan3A_8, %scan3A_9 : i32
    %scan3A_11 = arith.constant 1 : i32
    scf.for %scan3A_135 = %scan3A_8 to %scan3A_10 step %scan3A_11  : i32 {
      %mul3A_136 = arith.constant 16 : i32
      %mul3A_137 = arith.muli %scan3A_135, %mul3A_136 : i32
      %get3A_138 = arith.index_cast %mul3A_137 : i32 to index
      %get3A_139 = tpu.vector_load %arg12[%get3A_138] {strides = array<i32>} : memref<5120xf32, #tpu.memory_space<vmem>>, vector<16xf32>,
      %get3A_140 = vector.shape_cast %get3A_139 : vector<16xf32> to vector<16xf32>
      %get3A_141 = arith.index_cast %mul3A_137 : i32 to index
      %get3A_142 = tpu.vector_load %arg13[%get3A_141] {strides = array<i32>} : memref<5120xf32, #tpu.memory_space<vmem>>, vector<16xf32>,
      %get3A_143 = vector.shape_cast %get3A_142 : vector<16xf32> to vector<16xf32>
      %add3A_144 = arith.addf %get3A_140, %get3A_143 : vector<16xf32>
      %mul3A_145 = arith.constant 2.000000e-01 : f32
      %mul3A_146 = vector.broadcast %mul3A_145 : f32 to vector<16xf32>
      %mul3A_147 = arith.mulf %mul3A_146, %add3A_144 : vector<16xf32>
      %max3A = arith.maximumf %add3A_144, %mul3A_147 : vector<16xf32>
      %add3A_148 = arith.addf %get3A_1, %get3A_143 : vector<16xf32>
      %mul3A_149 = arith.constant 2.000000e-01 : f32
      %mul3A_150 = vector.broadcast %mul3A_149 : f32 to vector<16xf32>
      %mul3A_151 = arith.mulf %mul3A_150, %add3A_148 : vector<16xf32>
      %max3A_152 = arith.maximumf %add3A_148, %mul3A_151 : vector<16xf32>
      %sub3A = arith.subf %max3A, %max3A_152 : vector<16xf32>
      %exp3A = math.exp %sub3A : vector<16xf32>
      %swap3A = arith.index_cast %mul3A_137 : i32 to index
      %swap3A_153 = tpu.vector_load %arg14[%swap3A] {strides = array<i32>} : memref<5120xf32, #tpu.memory_space<vmem>>, vector<16xf32>,
      %swap3A_154 = vector.shape_cast %swap3A_153 : vector<16xf32> to vector<16xf32>
      %swap3A_155 = vector.shape_cast %exp3A : vector<16xf32> to vector<16xf32>
      tpu.vector_store %arg14[%swap3A], %swap3A_155 {strides = array<i32>} : memref<5120xf32, #tpu.memory_space<vmem>>, vector<16xf32>,
    }
    %scan3A_12 = arith.constant 320 : i32
    %scan3A_13 = arith.constant 0 : i32
    %scan3A_14 = arith.constant 0 : i32
    %scan3A_15 = arith.constant 8 : i32
    %scan3A_16 = arith.addi %scan3A_14, %scan3A_15 : i32
    %scan3A_17 = arith.constant 1 : i32
    scf.for %scan3A_135 = %scan3A_14 to %scan3A_16 step %scan3A_17  : i32 {
      %mul3A_136 = arith.constant 16 : i32
      %mul3A_137 = arith.muli %scan3A_135, %mul3A_136 : i32
      %broadcast_in_dim3A = arith.constant 0.000000e+00 : f32
      %broadcast_in_dim3A_138 = vector.broadcast %broadcast_in_dim3A : f32 to vector<16xf32>
      %swap3A = arith.index_cast %mul3A_137 : i32 to index
      %swap3A_139 = tpu.vector_load %arg17[%swap3A] {strides = array<i32>} : memref<128xf32, #tpu.memory_space<vmem>>, vector<16xf32>,
      %swap3A_140 = vector.shape_cast %swap3A_139 : vector<16xf32> to vector<16xf32>
      %swap3A_141 = vector.shape_cast %broadcast_in_dim3A_138 : vector<16xf32> to vector<16xf32>
      tpu.vector_store %arg17[%swap3A], %swap3A_141 {strides = array<i32>} : memref<128xf32, #tpu.memory_space<vmem>>, vector<16xf32>,
      %broadcast_in_dim3A_142 = arith.constant 0 : i32
      %broadcast_in_dim3A_143 = vector.broadcast %broadcast_in_dim3A_142 : i32 to vector<16xi32>
      %swap3A_144 = arith.index_cast %mul3A_137 : i32 to index
      %swap3A_145 = tpu.vector_load %arg18[%swap3A_144] {strides = array<i32>} : memref<128xi32, #tpu.memory_space<vmem>>, vector<16xi32>,
      %swap3A_146 = vector.shape_cast %swap3A_145 : vector<16xi32> to vector<16xi32>
      %swap3A_147 = vector.shape_cast %broadcast_in_dim3A_143 : vector<16xi32> to vector<16xi32>
      tpu.vector_store %arg18[%swap3A_144], %swap3A_147 {strides = array<i32>} : memref<128xi32, #tpu.memory_space<vmem>>, vector<16xi32>,
    }
    %scan3A_18 = arith.constant 8 : i32
    %mul3A = arith.constant 4 : i32
    %mul3A_19 = arith.muli %arg0, %mul3A : i32
    %add3A = arith.constant 0 : i32
    %add3A_20 = arith.addi %mul3A_19, %add3A : i32
    %mul3A_21 = arith.constant 320 : i32
    %mul3A_22 = arith.muli %add3A_20, %mul3A_21 : i32
    %mul3A_23 = arith.constant 51200 : i32
    %mul3A_24 = arith.muli %arg1, %mul3A_23 : i32
    %mul3A_25 = arith.constant 51200 : i32
    %mul3A_26 = arith.muli %arg1, %mul3A_25 : i32
    %dma_start3A_27 = tpu.memref_slice %arg19[%mul3A_26] : memref<819200xf32, #tpu.memory_space<vmem_shared>> -> memref<51200xf32, #tpu.memory_space<vmem_shared>>
    %dma_start3A_28 = tpu.memref_slice %arg7[%mul3A_24] : memref<819200xf32, #tpu.memory_space<hbm>> -> memref<51200xf32, #tpu.memory_space<hbm>>
    tpu.enqueue_dma source(%dma_start3A_28 : memref<51200xf32, #tpu.memory_space<hbm>>) target(%dma_start3A_27 : memref<51200xf32, #tpu.memory_space<vmem_shared>>) target_semaphore(%arg20 : memref<!tpu.dma_semaphore, #tpu.memory_space<semaphore_mem>>)
    %scan3A_29 = arith.constant 0 : i32
    %scan3A_30 = arith.constant 0 : i32
    %scan3A_31 = arith.constant 320 : i32
    %scan3A_32 = arith.addi %scan3A_30, %scan3A_31 : i32
    %scan3A_33 = arith.constant 1 : i32
    scf.for %scan3A_135 = %scan3A_30 to %scan3A_32 step %scan3A_33  : i32 {
      %mul3A_136 = arith.constant 16 : i32
      %mul3A_137 = arith.muli %scan3A_135, %mul3A_136 : i32
      %add3A_138 = arith.constant 0 : i32
      %add3A_139 = arith.addi %add3A_138, %mul3A_137 : i32
      %mul3A_140 = arith.constant 16 : i32
      %mul3A_141 = arith.muli %scan3A_135, %mul3A_140 : i32
      %get3A_142 = arith.index_cast %mul3A_141 : i32 to index
      %get3A_143 = tpu.vector_load %arg10[%get3A_142] {strides = array<i32>} : memref<5120xi32, #tpu.memory_space<vmem>>, vector<16xi32>,
      %get3A_144 = vector.shape_cast %get3A_143 : vector<16xi32> to vector<16xi32>
      %get3A_145 = arith.index_cast %mul3A_141 : i32 to index
      %get3A_146 = tpu.vector_load %arg11[%get3A_145] {strides = array<i32>} : memref<5120xi32, #tpu.memory_space<vmem>>, vector<16xi32>,
      %get3A_147 = vector.shape_cast %get3A_146 : vector<16xi32> to vector<16xi32>
      %get3A_148 = arith.index_cast %mul3A_141 : i32 to index
      %get3A_149 = tpu.vector_load %arg14[%get3A_148] {strides = array<i32>} : memref<5120xf32, #tpu.memory_space<vmem>>, vector<16xf32>,
      %get3A_150 = vector.shape_cast %get3A_149 : vector<16xf32> to vector<16xf32>
      %sub3A = vector.broadcast %mul3A_22 : i32 to vector<16xi32>
      %sub3A_151 = arith.subi %get3A_147, %sub3A : vector<16xi32>
      %ge3A = arith.constant 0 : i32
      %ge3A_152 = vector.broadcast %ge3A : i32 to vector<16xi32>
      %ge3A_153 = arith.cmpi sge, %sub3A_151, %ge3A_152 : vector<16xi32>
      %lt3A = arith.constant 320 : i32
      %lt3A_154 = vector.broadcast %lt3A : i32 to vector<16xi32>
      %lt3A_155 = arith.cmpi slt, %sub3A_151, %lt3A_154 : vector<16xi32>
      %and3A = arith.andi %ge3A_153, %lt3A_155 : vector<16xi1>
      %mul3A_156 = arith.constant 5120 : i32
      %mul3A_157 = arith.muli %arg1, %mul3A_156 : i32
      %mul3A_158 = arith.constant 16 : i32
      %mul3A_159 = arith.muli %scan3A_135, %mul3A_158 : i32
      %add3A_160 = arith.addi %mul3A_157, %mul3A_159 : i32
      %iota3A = tpu.iota {dimensions = array<i32: 0>} : vector<16xi32>
      %add3A_161 = vector.broadcast %add3A_160 : i32 to vector<16xi32>
      %add3A_162 = arith.addi %add3A_161, %iota3A : vector<16xi32>
      %jit3A = arith.constant 0.000000e+00 : f32
      %broadcast_in_dim3A = vector.broadcast %jit3A : f32 to vector<16xf32>
      %select_n3A = arith.select %and3A, %get3A_150, %broadcast_in_dim3A : vector<16xi1>, vector<16xf32>
      %swap3A = arith.index_cast %add3A_139 : i32 to index
      %swap3A_163 = tpu.vector_load %arg15[%swap3A] {strides = array<i32>} : memref<20480xf32, #tpu.memory_space<vmem>>, vector<16xf32>,
      %swap3A_164 = vector.shape_cast %swap3A_163 : vector<16xf32> to vector<16xf32>
      %swap3A_165 = vector.shape_cast %select_n3A : vector<16xf32> to vector<16xf32>
      tpu.vector_store %arg15[%swap3A], %swap3A_165 {strides = array<i32>} : memref<20480xf32, #tpu.memory_space<vmem>>, vector<16xf32>,
      %mul3A_166 = arith.constant 2560 : i32
      %mul3A_167 = vector.broadcast %mul3A_166 : i32 to vector<16xi32>
      %mul3A_168 = arith.muli %sub3A_151, %mul3A_167 : vector<16xi32>
      %add3A_169 = arith.addi %mul3A_168, %get3A_144 : vector<16xi32>
      %select_n3A_170 = arith.select %and3A, %add3A_169, %add3A_162 : vector<16xi1>, vector<16xi32>
      %swap3A_171 = arith.index_cast %add3A_139 : i32 to index
      %swap3A_172 = tpu.vector_load %arg16[%swap3A_171] {strides = array<i32>} : memref<20480xi32, #tpu.memory_space<vmem>>, vector<16xi32>,
      %swap3A_173 = vector.shape_cast %swap3A_172 : vector<16xi32> to vector<16xi32>
      %swap3A_174 = vector.shape_cast %select_n3A_170 : vector<16xi32> to vector<16xi32>
      tpu.vector_store %arg16[%swap3A_171], %swap3A_174 {strides = array<i32>} : memref<20480xi32, #tpu.memory_space<vmem>>, vector<16xi32>,
    }
    %scan3A_34 = arith.constant 320 : i32
    %dma_wait3A_35 = tpu.memref_slice %arg19[%mul3A_26] : memref<819200xf32, #tpu.memory_space<vmem_shared>> -> memref<51200xf32, #tpu.memory_space<vmem_shared>>
    %dma_wait3A_36 = tpu.memref_slice %arg7[%mul3A_24] : memref<819200xf32, #tpu.memory_space<hbm>> -> memref<51200xf32, #tpu.memory_space<hbm>>
    tpu.wait_dma2 semaphore(%arg20 : memref<!tpu.dma_semaphore, #tpu.memory_space<semaphore_mem>>) src(%dma_wait3A_36 : memref<51200xf32, #tpu.memory_space<hbm>>) dst(%dma_wait3A_35 : memref<51200xf32, #tpu.memory_space<vmem_shared>>)
    %barrier3A = arith.constant 0 : index
    tpu.barrier barrier_id(%barrier3A)
    "tpu.region"() ({
      %run_scoped3A = tpu.sem_alloc : memref<!tpu.dma_semaphore, #tpu.memory_space<semaphore_mem>>
      %dma_start3A_135 = arith.constant 0 : i32
      %dma_start3A_136 = tpu.memref_slice %arg15[%dma_start3A_135] : memref<20480xf32, #tpu.memory_space<vmem>> -> memref<5120xf32, #tpu.memory_space<vmem>>
      %dma_start3A_137 = arith.constant 0 : i32
      %dma_start3A_138 = tpu.memref_slice %arg16[%dma_start3A_137] : memref<20480xi32, #tpu.memory_space<vmem>> -> memref<5120xi32, #tpu.memory_space<vmem>>
      %dma_start3A_139 = arith.constant 0 : i32
      %dma_start3A_140 = tpu.memref_slice %arg19[%dma_start3A_139] : memref<819200xf32, #tpu.memory_space<vmem_shared>> -> memref<819200xf32, #tpu.memory_space<vmem_shared>>
      tpu.enqueue_indirect_dma source(%dma_start3A_136 : memref<5120xf32, #tpu.memory_space<vmem>>) target(%dma_start3A_140 : memref<819200xf32, #tpu.memory_space<vmem_shared>>) offsets(%dma_start3A_138 : memref<5120xi32, #tpu.memory_space<vmem>>) semaphore(%run_scoped3A : memref<!tpu.dma_semaphore, #tpu.memory_space<semaphore_mem>>) {add = true}
      %dma_wait3A_141 = arith.constant 0 : i32
      %dma_wait3A_142 = tpu.memref_slice %arg15[%dma_wait3A_141] : memref<20480xf32, #tpu.memory_space<vmem>> -> memref<5120xf32, #tpu.memory_space<vmem>>
      %dma_wait3A_143 = arith.constant 0 : i32
      %dma_wait3A_144 = tpu.memref_slice %arg16[%dma_wait3A_143] : memref<20480xi32, #tpu.memory_space<vmem>> -> memref<5120xi32, #tpu.memory_space<vmem>>
      %dma_wait3A_145 = arith.constant 0 : i32
      %dma_wait3A_146 = tpu.memref_slice %arg19[%dma_wait3A_145] : memref<819200xf32, #tpu.memory_space<vmem_shared>> -> memref<819200xf32, #tpu.memory_space<vmem_shared>>
      tpu.wait_indirect_dma semaphore(%run_scoped3A : memref<!tpu.dma_semaphore, #tpu.memory_space<semaphore_mem>>) src(%dma_wait3A_142 : memref<5120xf32, #tpu.memory_space<vmem>>) dst(%dma_wait3A_146 : memref<819200xf32, #tpu.memory_space<vmem_shared>>)
      tpu.yield
    }) : () -> ()
    "tpu.region"() ({
      %run_scoped3A = tpu.sem_alloc : memref<!tpu.dma_semaphore, #tpu.memory_space<semaphore_mem>>
      %dma_start3A_135 = arith.constant 0 : i32
      %dma_start3A_136 = tpu.memref_slice %arg19[%dma_start3A_135] : memref<819200xf32, #tpu.memory_space<vmem_shared>> -> memref<819200xf32, #tpu.memory_space<vmem_shared>>
      tpu.enqueue_indirect_dma source(%arg17 : memref<128xf32, #tpu.memory_space<vmem>>) target(%dma_start3A_136 : memref<819200xf32, #tpu.memory_space<vmem_shared>>) offsets(%arg18 : memref<128xi32, #tpu.memory_space<vmem>>) semaphore(%run_scoped3A : memref<!tpu.dma_semaphore, #tpu.memory_space<semaphore_mem>>) {add = true}
      %dma_wait3A_137 = arith.constant 0 : i32
      %dma_wait3A_138 = tpu.memref_slice %arg19[%dma_wait3A_137] : memref<819200xf32, #tpu.memory_space<vmem_shared>> -> memref<819200xf32, #tpu.memory_space<vmem_shared>>
      tpu.wait_indirect_dma semaphore(%run_scoped3A : memref<!tpu.dma_semaphore, #tpu.memory_space<semaphore_mem>>) src(%arg17 : memref<128xf32, #tpu.memory_space<vmem>>) dst(%dma_wait3A_138 : memref<819200xf32, #tpu.memory_space<vmem_shared>>)
      tpu.yield
    }) : () -> ()
    "tpu.region"() ({
      %run_scoped3A = tpu.sem_alloc : memref<!tpu.dma_semaphore, #tpu.memory_space<semaphore_mem>>
      %dma_start3A_135 = arith.constant 0 : i32
      %dma_start3A_136 = tpu.memref_slice %arg19[%dma_start3A_135] : memref<819200xf32, #tpu.memory_space<vmem_shared>> -> memref<819200xf32, #tpu.memory_space<vmem_shared>>
      tpu.enqueue_indirect_dma source(%arg17 : memref<128xf32, #tpu.memory_space<vmem>>) target(%dma_start3A_136 : memref<819200xf32, #tpu.memory_space<vmem_shared>>) offsets(%arg18 : memref<128xi32, #tpu.memory_space<vmem>>) semaphore(%run_scoped3A : memref<!tpu.dma_semaphore, #tpu.memory_space<semaphore_mem>>) {add = true}
      %dma_wait3A_137 = arith.constant 0 : i32
      %dma_wait3A_138 = tpu.memref_slice %arg19[%dma_wait3A_137] : memref<819200xf32, #tpu.memory_space<vmem_shared>> -> memref<819200xf32, #tpu.memory_space<vmem_shared>>
      tpu.wait_indirect_dma semaphore(%run_scoped3A : memref<!tpu.dma_semaphore, #tpu.memory_space<semaphore_mem>>) src(%arg17 : memref<128xf32, #tpu.memory_space<vmem>>) dst(%dma_wait3A_138 : memref<819200xf32, #tpu.memory_space<vmem_shared>>)
      tpu.yield
    }) : () -> ()
    %barrier3A_37 = arith.constant 0 : index
    tpu.barrier barrier_id(%barrier3A_37)
    %mul3A_38 = arith.constant 51200 : i32
    %mul3A_39 = arith.muli %arg1, %mul3A_38 : i32
    %mul3A_40 = arith.constant 819200 : i32
    %mul3A_41 = arith.muli %add3A_20, %mul3A_40 : i32
    %mul3A_42 = arith.constant 51200 : i32
    %mul3A_43 = arith.muli %arg1, %mul3A_42 : i32
    %add3A_44 = arith.addi %mul3A_41, %mul3A_43 : i32
    "tpu.region"() ({
      %run_scoped3A = tpu.sem_alloc : memref<!tpu.dma_semaphore, #tpu.memory_space<semaphore_mem>>
      %dma_start3A_135 = tpu.memref_slice %arg8[%add3A_44] : memref<6553600xf32, #tpu.memory_space<hbm>> -> memref<51200xf32, #tpu.memory_space<hbm>>
      %dma_start3A_136 = tpu.memref_slice %arg19[%mul3A_39] : memref<819200xf32, #tpu.memory_space<vmem_shared>> -> memref<51200xf32, #tpu.memory_space<vmem_shared>>
      tpu.enqueue_dma source(%dma_start3A_136 : memref<51200xf32, #tpu.memory_space<vmem_shared>>) target(%dma_start3A_135 : memref<51200xf32, #tpu.memory_space<hbm>>) target_semaphore(%run_scoped3A : memref<!tpu.dma_semaphore, #tpu.memory_space<semaphore_mem>>)
      %dma_wait3A_137 = tpu.memref_slice %arg8[%add3A_44] : memref<6553600xf32, #tpu.memory_space<hbm>> -> memref<51200xf32, #tpu.memory_space<hbm>>
      %dma_wait3A_138 = tpu.memref_slice %arg19[%mul3A_39] : memref<819200xf32, #tpu.memory_space<vmem_shared>> -> memref<51200xf32, #tpu.memory_space<vmem_shared>>
      tpu.wait_dma2 semaphore(%run_scoped3A : memref<!tpu.dma_semaphore, #tpu.memory_space<semaphore_mem>>) src(%dma_wait3A_138 : memref<51200xf32, #tpu.memory_space<vmem_shared>>) dst(%dma_wait3A_137 : memref<51200xf32, #tpu.memory_space<hbm>>)
      tpu.yield
    }) : () -> ()
    %barrier3A_45 = arith.constant 0 : index
    tpu.barrier barrier_id(%barrier3A_45)
    %mul3A_46 = arith.constant 4 : i32
    %mul3A_47 = arith.muli %arg0, %mul3A_46 : i32
    %add3A_48 = arith.constant 1 : i32
    %add3A_49 = arith.addi %mul3A_47, %add3A_48 : i32
    %mul3A_50 = arith.constant 320 : i32
    %mul3A_51 = arith.muli %add3A_49, %mul3A_50 : i32
    %mul3A_52 = arith.constant 51200 : i32
    %mul3A_53 = arith.muli %arg1, %mul3A_52 : i32
    %mul3A_54 = arith.constant 51200 : i32
    %mul3A_55 = arith.muli %arg1, %mul3A_54 : i32
    %dma_start3A_56 = tpu.memref_slice %arg19[%mul3A_55] : memref<819200xf32, #tpu.memory_space<vmem_shared>> -> memref<51200xf32, #tpu.memory_space<vmem_shared>>
    %dma_start3A_57 = tpu.memref_slice %arg7[%mul3A_53] : memref<819200xf32, #tpu.memory_space<hbm>> -> memref<51200xf32, #tpu.memory_space<hbm>>
    tpu.enqueue_dma source(%dma_start3A_57 : memref<51200xf32, #tpu.memory_space<hbm>>) target(%dma_start3A_56 : memref<51200xf32, #tpu.memory_space<vmem_shared>>) target_semaphore(%arg20 : memref<!tpu.dma_semaphore, #tpu.memory_space<semaphore_mem>>)
    %scan3A_58 = arith.constant 0 : i32
    %scan3A_59 = arith.constant 0 : i32
    %scan3A_60 = arith.constant 320 : i32
    %scan3A_61 = arith.addi %scan3A_59, %scan3A_60 : i32
    %scan3A_62 = arith.constant 1 : i32
    scf.for %scan3A_135 = %scan3A_59 to %scan3A_61 step %scan3A_62  : i32 {
      %mul3A_136 = arith.constant 16 : i32
      %mul3A_137 = arith.muli %scan3A_135, %mul3A_136 : i32
      %add3A_138 = arith.constant 5120 : i32
      %add3A_139 = arith.addi %add3A_138, %mul3A_137 : i32
      %mul3A_140 = arith.constant 16 : i32
      %mul3A_141 = arith.muli %scan3A_135, %mul3A_140 : i32
      %get3A_142 = arith.index_cast %mul3A_141 : i32 to index
      %get3A_143 = tpu.vector_load %arg10[%get3A_142] {strides = array<i32>} : memref<5120xi32, #tpu.memory_space<vmem>>, vector<16xi32>,
      %get3A_144 = vector.shape_cast %get3A_143 : vector<16xi32> to vector<16xi32>
      %get3A_145 = arith.index_cast %mul3A_141 : i32 to index
      %get3A_146 = tpu.vector_load %arg11[%get3A_145] {strides = array<i32>} : memref<5120xi32, #tpu.memory_space<vmem>>, vector<16xi32>,
      %get3A_147 = vector.shape_cast %get3A_146 : vector<16xi32> to vector<16xi32>
      %get3A_148 = arith.index_cast %mul3A_141 : i32 to index
      %get3A_149 = tpu.vector_load %arg14[%get3A_148] {strides = array<i32>} : memref<5120xf32, #tpu.memory_space<vmem>>, vector<16xf32>,
      %get3A_150 = vector.shape_cast %get3A_149 : vector<16xf32> to vector<16xf32>
      %sub3A = vector.broadcast %mul3A_51 : i32 to vector<16xi32>
      %sub3A_151 = arith.subi %get3A_147, %sub3A : vector<16xi32>
      %ge3A = arith.constant 0 : i32
      %ge3A_152 = vector.broadcast %ge3A : i32 to vector<16xi32>
      %ge3A_153 = arith.cmpi sge, %sub3A_151, %ge3A_152 : vector<16xi32>
      %lt3A = arith.constant 320 : i32
      %lt3A_154 = vector.broadcast %lt3A : i32 to vector<16xi32>
      %lt3A_155 = arith.cmpi slt, %sub3A_151, %lt3A_154 : vector<16xi32>
      %and3A = arith.andi %ge3A_153, %lt3A_155 : vector<16xi1>
      %mul3A_156 = arith.constant 5120 : i32
      %mul3A_157 = arith.muli %arg1, %mul3A_156 : i32
      %mul3A_158 = arith.constant 16 : i32
      %mul3A_159 = arith.muli %scan3A_135, %mul3A_158 : i32
      %add3A_160 = arith.addi %mul3A_157, %mul3A_159 : i32
      %iota3A = tpu.iota {dimensions = array<i32: 0>} : vector<16xi32>
      %add3A_161 = vector.broadcast %add3A_160 : i32 to vector<16xi32>
      %add3A_162 = arith.addi %add3A_161, %iota3A : vector<16xi32>
      %jit3A = arith.constant 0.000000e+00 : f32
      %broadcast_in_dim3A = vector.broadcast %jit3A : f32 to vector<16xf32>
      %select_n3A = arith.select %and3A, %get3A_150, %broadcast_in_dim3A : vector<16xi1>, vector<16xf32>
      %swap3A = arith.index_cast %add3A_139 : i32 to index
      %swap3A_163 = tpu.vector_load %arg15[%swap3A] {strides = array<i32>} : memref<20480xf32, #tpu.memory_space<vmem>>, vector<16xf32>,
      %swap3A_164 = vector.shape_cast %swap3A_163 : vector<16xf32> to vector<16xf32>
      %swap3A_165 = vector.shape_cast %select_n3A : vector<16xf32> to vector<16xf32>
      tpu.vector_store %arg15[%swap3A], %swap3A_165 {strides = array<i32>} : memref<20480xf32, #tpu.memory_space<vmem>>, vector<16xf32>,
      %mul3A_166 = arith.constant 2560 : i32
      %mul3A_167 = vector.broadcast %mul3A_166 : i32 to vector<16xi32>
      %mul3A_168 = arith.muli %sub3A_151, %mul3A_167 : vector<16xi32>
      %add3A_169 = arith.addi %mul3A_168, %get3A_144 : vector<16xi32>
      %select_n3A_170 = arith.select %and3A, %add3A_169, %add3A_162 : vector<16xi1>, vector<16xi32>
      %swap3A_171 = arith.index_cast %add3A_139 : i32 to index
      %swap3A_172 = tpu.vector_load %arg16[%swap3A_171] {strides = array<i32>} : memref<20480xi32, #tpu.memory_space<vmem>>, vector<16xi32>,
      %swap3A_173 = vector.shape_cast %swap3A_172 : vector<16xi32> to vector<16xi32>
      %swap3A_174 = vector.shape_cast %select_n3A_170 : vector<16xi32> to vector<16xi32>
      tpu.vector_store %arg16[%swap3A_171], %swap3A_174 {strides = array<i32>} : memref<20480xi32, #tpu.memory_space<vmem>>, vector<16xi32>,
    }
    %scan3A_63 = arith.constant 320 : i32
    %dma_wait3A_64 = tpu.memref_slice %arg19[%mul3A_55] : memref<819200xf32, #tpu.memory_space<vmem_shared>> -> memref<51200xf32, #tpu.memory_space<vmem_shared>>
    %dma_wait3A_65 = tpu.memref_slice %arg7[%mul3A_53] : memref<819200xf32, #tpu.memory_space<hbm>> -> memref<51200xf32, #tpu.memory_space<hbm>>
    tpu.wait_dma2 semaphore(%arg20 : memref<!tpu.dma_semaphore, #tpu.memory_space<semaphore_mem>>) src(%dma_wait3A_65 : memref<51200xf32, #tpu.memory_space<hbm>>) dst(%dma_wait3A_64 : memref<51200xf32, #tpu.memory_space<vmem_shared>>)
    %barrier3A_66 = arith.constant 0 : index
    tpu.barrier barrier_id(%barrier3A_66)
    "tpu.region"() ({
      %run_scoped3A = tpu.sem_alloc : memref<!tpu.dma_semaphore, #tpu.memory_space<semaphore_mem>>
      %dma_start3A_135 = arith.constant 5120 : i32
      %dma_start3A_136 = tpu.memref_slice %arg15[%dma_start3A_135] : memref<20480xf32, #tpu.memory_space<vmem>> -> memref<5120xf32, #tpu.memory_space<vmem>>
      %dma_start3A_137 = arith.constant 5120 : i32
      %dma_start3A_138 = tpu.memref_slice %arg16[%dma_start3A_137] : memref<20480xi32, #tpu.memory_space<vmem>> -> memref<5120xi32, #tpu.memory_space<vmem>>
      %dma_start3A_139 = arith.constant 0 : i32
      %dma_start3A_140 = tpu.memref_slice %arg19[%dma_start3A_139] : memref<819200xf32, #tpu.memory_space<vmem_shared>> -> memref<819200xf32, #tpu.memory_space<vmem_shared>>
      tpu.enqueue_indirect_dma source(%dma_start3A_136 : memref<5120xf32, #tpu.memory_space<vmem>>) target(%dma_start3A_140 : memref<819200xf32, #tpu.memory_space<vmem_shared>>) offsets(%dma_start3A_138 : memref<5120xi32, #tpu.memory_space<vmem>>) semaphore(%run_scoped3A : memref<!tpu.dma_semaphore, #tpu.memory_space<semaphore_mem>>) {add = true}
      %dma_wait3A_141 = arith.constant 5120 : i32
      %dma_wait3A_142 = tpu.memref_slice %arg15[%dma_wait3A_141] : memref<20480xf32, #tpu.memory_space<vmem>> -> memref<5120xf32, #tpu.memory_space<vmem>>
      %dma_wait3A_143 = arith.constant 5120 : i32
      %dma_wait3A_144 = tpu.memref_slice %arg16[%dma_wait3A_143] : memref<20480xi32, #tpu.memory_space<vmem>> -> memref<5120xi32, #tpu.memory_space<vmem>>
      %dma_wait3A_145 = arith.constant 0 : i32
      %dma_wait3A_146 = tpu.memref_slice %arg19[%dma_wait3A_145] : memref<819200xf32, #tpu.memory_space<vmem_shared>> -> memref<819200xf32, #tpu.memory_space<vmem_shared>>
      tpu.wait_indirect_dma semaphore(%run_scoped3A : memref<!tpu.dma_semaphore, #tpu.memory_space<semaphore_mem>>) src(%dma_wait3A_142 : memref<5120xf32, #tpu.memory_space<vmem>>) dst(%dma_wait3A_146 : memref<819200xf32, #tpu.memory_space<vmem_shared>>)
      tpu.yield
    }) : () -> ()
    "tpu.region"() ({
      %run_scoped3A = tpu.sem_alloc : memref<!tpu.dma_semaphore, #tpu.memory_space<semaphore_mem>>
      %dma_start3A_135 = arith.constant 0 : i32
      %dma_start3A_136 = tpu.memref_slice %arg19[%dma_start3A_135] : memref<819200xf32, #tpu.memory_space<vmem_shared>> -> memref<819200xf32, #tpu.memory_space<vmem_shared>>
      tpu.enqueue_indirect_dma source(%arg17 : memref<128xf32, #tpu.memory_space<vmem>>) target(%dma_start3A_136 : memref<819200xf32, #tpu.memory_space<vmem_shared>>) offsets(%arg18 : memref<128xi32, #tpu.memory_space<vmem>>) semaphore(%run_scoped3A : memref<!tpu.dma_semaphore, #tpu.memory_space<semaphore_mem>>) {add = true}
      %dma_wait3A_137 = arith.constant 0 : i32
      %dma_wait3A_138 = tpu.memref_slice %arg19[%dma_wait3A_137] : memref<819200xf32, #tpu.memory_space<vmem_shared>> -> memref<819200xf32, #tpu.memory_space<vmem_shared>>
      tpu.wait_indirect_dma semaphore(%run_scoped3A : memref<!tpu.dma_semaphore, #tpu.memory_space<semaphore_mem>>) src(%arg17 : memref<128xf32, #tpu.memory_space<vmem>>) dst(%dma_wait3A_138 : memref<819200xf32, #tpu.memory_space<vmem_shared>>)
      tpu.yield
    }) : () -> ()
    "tpu.region"() ({
      %run_scoped3A = tpu.sem_alloc : memref<!tpu.dma_semaphore, #tpu.memory_space<semaphore_mem>>
      %dma_start3A_135 = arith.constant 0 : i32
      %dma_start3A_136 = tpu.memref_slice %arg19[%dma_start3A_135] : memref<819200xf32, #tpu.memory_space<vmem_shared>> -> memref<819200xf32, #tpu.memory_space<vmem_shared>>
      tpu.enqueue_indirect_dma source(%arg17 : memref<128xf32, #tpu.memory_space<vmem>>) target(%dma_start3A_136 : memref<819200xf32, #tpu.memory_space<vmem_shared>>) offsets(%arg18 : memref<128xi32, #tpu.memory_space<vmem>>) semaphore(%run_scoped3A : memref<!tpu.dma_semaphore, #tpu.memory_space<semaphore_mem>>) {add = true}
      %dma_wait3A_137 = arith.constant 0 : i32
      %dma_wait3A_138 = tpu.memref_slice %arg19[%dma_wait3A_137] : memref<819200xf32, #tpu.memory_space<vmem_shared>> -> memref<819200xf32, #tpu.memory_space<vmem_shared>>
      tpu.wait_indirect_dma semaphore(%run_scoped3A : memref<!tpu.dma_semaphore, #tpu.memory_space<semaphore_mem>>) src(%arg17 : memref<128xf32, #tpu.memory_space<vmem>>) dst(%dma_wait3A_138 : memref<819200xf32, #tpu.memory_space<vmem_shared>>)
      tpu.yield
    }) : () -> ()
    %barrier3A_67 = arith.constant 0 : index
    tpu.barrier barrier_id(%barrier3A_67)
    %mul3A_68 = arith.constant 51200 : i32
    %mul3A_69 = arith.muli %arg1, %mul3A_68 : i32
    %mul3A_70 = arith.constant 819200 : i32
    %mul3A_71 = arith.muli %add3A_49, %mul3A_70 : i32
    %mul3A_72 = arith.constant 51200 : i32
    %mul3A_73 = arith.muli %arg1, %mul3A_72 : i32
    %add3A_74 = arith.addi %mul3A_71, %mul3A_73 : i32
    "tpu.region"() ({
      %run_scoped3A = tpu.sem_alloc : memref<!tpu.dma_semaphore, #tpu.memory_space<semaphore_mem>>
      %dma_start3A_135 = tpu.memref_slice %arg8[%add3A_74] : memref<6553600xf32, #tpu.memory_space<hbm>> -> memref<51200xf32, #tpu.memory_space<hbm>>
      %dma_start3A_136 = tpu.memref_slice %arg19[%mul3A_69] : memref<819200xf32, #tpu.memory_space<vmem_shared>> -> memref<51200xf32, #tpu.memory_space<vmem_shared>>
      tpu.enqueue_dma source(%dma_start3A_136 : memref<51200xf32, #tpu.memory_space<vmem_shared>>) target(%dma_start3A_135 : memref<51200xf32, #tpu.memory_space<hbm>>) target_semaphore(%run_scoped3A : memref<!tpu.dma_semaphore, #tpu.memory_space<semaphore_mem>>)
      %dma_wait3A_137 = tpu.memref_slice %arg8[%add3A_74] : memref<6553600xf32, #tpu.memory_space<hbm>> -> memref<51200xf32, #tpu.memory_space<hbm>>
      %dma_wait3A_138 = tpu.memref_slice %arg19[%mul3A_69] : memref<819200xf32, #tpu.memory_space<vmem_shared>> -> memref<51200xf32, #tpu.memory_space<vmem_shared>>
      tpu.wait_dma2 semaphore(%run_scoped3A : memref<!tpu.dma_semaphore, #tpu.memory_space<semaphore_mem>>) src(%dma_wait3A_138 : memref<51200xf32, #tpu.memory_space<vmem_shared>>) dst(%dma_wait3A_137 : memref<51200xf32, #tpu.memory_space<hbm>>)
      tpu.yield
    }) : () -> ()
    %barrier3A_75 = arith.constant 0 : index
    tpu.barrier barrier_id(%barrier3A_75)
    %mul3A_76 = arith.constant 4 : i32
    %mul3A_77 = arith.muli %arg0, %mul3A_76 : i32
    %add3A_78 = arith.constant 2 : i32
    %add3A_79 = arith.addi %mul3A_77, %add3A_78 : i32
    %mul3A_80 = arith.constant 320 : i32
    %mul3A_81 = arith.muli %add3A_79, %mul3A_80 : i32
    %mul3A_82 = arith.constant 51200 : i32
    %mul3A_83 = arith.muli %arg1, %mul3A_82 : i32
    %mul3A_84 = arith.constant 51200 : i32
    %mul3A_85 = arith.muli %arg1, %mul3A_84 : i32
    %dma_start3A_86 = tpu.memref_slice %arg19[%mul3A_85] : memref<819200xf32, #tpu.memory_space<vmem_shared>> -> memref<51200xf32, #tpu.memory_space<vmem_shared>>
    %dma_start3A_87 = tpu.memref_slice %arg7[%mul3A_83] : memref<819200xf32, #tpu.memory_space<hbm>> -> memref<51200xf32, #tpu.memory_space<hbm>>
    tpu.enqueue_dma source(%dma_start3A_87 : memref<51200xf32, #tpu.memory_space<hbm>>) target(%dma_start3A_86 : memref<51200xf32, #tpu.memory_space<vmem_shared>>) target_semaphore(%arg20 : memref<!tpu.dma_semaphore, #tpu.memory_space<semaphore_mem>>)
    %scan3A_88 = arith.constant 0 : i32
    %scan3A_89 = arith.constant 0 : i32
    %scan3A_90 = arith.constant 320 : i32
    %scan3A_91 = arith.addi %scan3A_89, %scan3A_90 : i32
    %scan3A_92 = arith.constant 1 : i32
    scf.for %scan3A_135 = %scan3A_89 to %scan3A_91 step %scan3A_92  : i32 {
      %mul3A_136 = arith.constant 16 : i32
      %mul3A_137 = arith.muli %scan3A_135, %mul3A_136 : i32
      %add3A_138 = arith.constant 10240 : i32
      %add3A_139 = arith.addi %add3A_138, %mul3A_137 : i32
      %mul3A_140 = arith.constant 16 : i32
      %mul3A_141 = arith.muli %scan3A_135, %mul3A_140 : i32
      %get3A_142 = arith.index_cast %mul3A_141 : i32 to index
      %get3A_143 = tpu.vector_load %arg10[%get3A_142] {strides = array<i32>} : memref<5120xi32, #tpu.memory_space<vmem>>, vector<16xi32>,
      %get3A_144 = vector.shape_cast %get3A_143 : vector<16xi32> to vector<16xi32>
      %get3A_145 = arith.index_cast %mul3A_141 : i32 to index
      %get3A_146 = tpu.vector_load %arg11[%get3A_145] {strides = array<i32>} : memref<5120xi32, #tpu.memory_space<vmem>>, vector<16xi32>,
      %get3A_147 = vector.shape_cast %get3A_146 : vector<16xi32> to vector<16xi32>
      %get3A_148 = arith.index_cast %mul3A_141 : i32 to index
      %get3A_149 = tpu.vector_load %arg14[%get3A_148] {strides = array<i32>} : memref<5120xf32, #tpu.memory_space<vmem>>, vector<16xf32>,
      %get3A_150 = vector.shape_cast %get3A_149 : vector<16xf32> to vector<16xf32>
      %sub3A = vector.broadcast %mul3A_81 : i32 to vector<16xi32>
      %sub3A_151 = arith.subi %get3A_147, %sub3A : vector<16xi32>
      %ge3A = arith.constant 0 : i32
      %ge3A_152 = vector.broadcast %ge3A : i32 to vector<16xi32>
      %ge3A_153 = arith.cmpi sge, %sub3A_151, %ge3A_152 : vector<16xi32>
      %lt3A = arith.constant 320 : i32
      %lt3A_154 = vector.broadcast %lt3A : i32 to vector<16xi32>
      %lt3A_155 = arith.cmpi slt, %sub3A_151, %lt3A_154 : vector<16xi32>
      %and3A = arith.andi %ge3A_153, %lt3A_155 : vector<16xi1>
      %mul3A_156 = arith.constant 5120 : i32
      %mul3A_157 = arith.muli %arg1, %mul3A_156 : i32
      %mul3A_158 = arith.constant 16 : i32
      %mul3A_159 = arith.muli %scan3A_135, %mul3A_158 : i32
      %add3A_160 = arith.addi %mul3A_157, %mul3A_159 : i32
      %iota3A = tpu.iota {dimensions = array<i32: 0>} : vector<16xi32>
      %add3A_161 = vector.broadcast %add3A_160 : i32 to vector<16xi32>
      %add3A_162 = arith.addi %add3A_161, %iota3A : vector<16xi32>
      %jit3A = arith.constant 0.000000e+00 : f32
      %broadcast_in_dim3A = vector.broadcast %jit3A : f32 to vector<16xf32>
      %select_n3A = arith.select %and3A, %get3A_150, %broadcast_in_dim3A : vector<16xi1>, vector<16xf32>
      %swap3A = arith.index_cast %add3A_139 : i32 to index
      %swap3A_163 = tpu.vector_load %arg15[%swap3A] {strides = array<i32>} : memref<20480xf32, #tpu.memory_space<vmem>>, vector<16xf32>,
      %swap3A_164 = vector.shape_cast %swap3A_163 : vector<16xf32> to vector<16xf32>
      %swap3A_165 = vector.shape_cast %select_n3A : vector<16xf32> to vector<16xf32>
      tpu.vector_store %arg15[%swap3A], %swap3A_165 {strides = array<i32>} : memref<20480xf32, #tpu.memory_space<vmem>>, vector<16xf32>,
      %mul3A_166 = arith.constant 2560 : i32
      %mul3A_167 = vector.broadcast %mul3A_166 : i32 to vector<16xi32>
      %mul3A_168 = arith.muli %sub3A_151, %mul3A_167 : vector<16xi32>
      %add3A_169 = arith.addi %mul3A_168, %get3A_144 : vector<16xi32>
      %select_n3A_170 = arith.select %and3A, %add3A_169, %add3A_162 : vector<16xi1>, vector<16xi32>
      %swap3A_171 = arith.index_cast %add3A_139 : i32 to index
      %swap3A_172 = tpu.vector_load %arg16[%swap3A_171] {strides = array<i32>} : memref<20480xi32, #tpu.memory_space<vmem>>, vector<16xi32>,
      %swap3A_173 = vector.shape_cast %swap3A_172 : vector<16xi32> to vector<16xi32>
      %swap3A_174 = vector.shape_cast %select_n3A_170 : vector<16xi32> to vector<16xi32>
      tpu.vector_store %arg16[%swap3A_171], %swap3A_174 {strides = array<i32>} : memref<20480xi32, #tpu.memory_space<vmem>>, vector<16xi32>,
    }
    %scan3A_93 = arith.constant 320 : i32
    %dma_wait3A_94 = tpu.memref_slice %arg19[%mul3A_85] : memref<819200xf32, #tpu.memory_space<vmem_shared>> -> memref<51200xf32, #tpu.memory_space<vmem_shared>>
    %dma_wait3A_95 = tpu.memref_slice %arg7[%mul3A_83] : memref<819200xf32, #tpu.memory_space<hbm>> -> memref<51200xf32, #tpu.memory_space<hbm>>
    tpu.wait_dma2 semaphore(%arg20 : memref<!tpu.dma_semaphore, #tpu.memory_space<semaphore_mem>>) src(%dma_wait3A_95 : memref<51200xf32, #tpu.memory_space<hbm>>) dst(%dma_wait3A_94 : memref<51200xf32, #tpu.memory_space<vmem_shared>>)
    %barrier3A_96 = arith.constant 0 : index
    tpu.barrier barrier_id(%barrier3A_96)
    "tpu.region"() ({
      %run_scoped3A = tpu.sem_alloc : memref<!tpu.dma_semaphore, #tpu.memory_space<semaphore_mem>>
      %dma_start3A_135 = arith.constant 10240 : i32
      %dma_start3A_136 = tpu.memref_slice %arg15[%dma_start3A_135] : memref<20480xf32, #tpu.memory_space<vmem>> -> memref<5120xf32, #tpu.memory_space<vmem>>
      %dma_start3A_137 = arith.constant 10240 : i32
      %dma_start3A_138 = tpu.memref_slice %arg16[%dma_start3A_137] : memref<20480xi32, #tpu.memory_space<vmem>> -> memref<5120xi32, #tpu.memory_space<vmem>>
      %dma_start3A_139 = arith.constant 0 : i32
      %dma_start3A_140 = tpu.memref_slice %arg19[%dma_start3A_139] : memref<819200xf32, #tpu.memory_space<vmem_shared>> -> memref<819200xf32, #tpu.memory_space<vmem_shared>>
      tpu.enqueue_indirect_dma source(%dma_start3A_136 : memref<5120xf32, #tpu.memory_space<vmem>>) target(%dma_start3A_140 : memref<819200xf32, #tpu.memory_space<vmem_shared>>) offsets(%dma_start3A_138 : memref<5120xi32, #tpu.memory_space<vmem>>) semaphore(%run_scoped3A : memref<!tpu.dma_semaphore, #tpu.memory_space<semaphore_mem>>) {add = true}
      %dma_wait3A_141 = arith.constant 10240 : i32
      %dma_wait3A_142 = tpu.memref_slice %arg15[%dma_wait3A_141] : memref<20480xf32, #tpu.memory_space<vmem>> -> memref<5120xf32, #tpu.memory_space<vmem>>
      %dma_wait3A_143 = arith.constant 10240 : i32
      %dma_wait3A_144 = tpu.memref_slice %arg16[%dma_wait3A_143] : memref<20480xi32, #tpu.memory_space<vmem>> -> memref<5120xi32, #tpu.memory_space<vmem>>
      %dma_wait3A_145 = arith.constant 0 : i32
      %dma_wait3A_146 = tpu.memref_slice %arg19[%dma_wait3A_145] : memref<819200xf32, #tpu.memory_space<vmem_shared>> -> memref<819200xf32, #tpu.memory_space<vmem_shared>>
      tpu.wait_indirect_dma semaphore(%run_scoped3A : memref<!tpu.dma_semaphore, #tpu.memory_space<semaphore_mem>>) src(%dma_wait3A_142 : memref<5120xf32, #tpu.memory_space<vmem>>) dst(%dma_wait3A_146 : memref<819200xf32, #tpu.memory_space<vmem_shared>>)
      tpu.yield
    }) : () -> ()
    "tpu.region"() ({
      %run_scoped3A = tpu.sem_alloc : memref<!tpu.dma_semaphore, #tpu.memory_space<semaphore_mem>>
      %dma_start3A_135 = arith.constant 0 : i32
      %dma_start3A_136 = tpu.memref_slice %arg19[%dma_start3A_135] : memref<819200xf32, #tpu.memory_space<vmem_shared>> -> memref<819200xf32, #tpu.memory_space<vmem_shared>>
      tpu.enqueue_indirect_dma source(%arg17 : memref<128xf32, #tpu.memory_space<vmem>>) target(%dma_start3A_136 : memref<819200xf32, #tpu.memory_space<vmem_shared>>) offsets(%arg18 : memref<128xi32, #tpu.memory_space<vmem>>) semaphore(%run_scoped3A : memref<!tpu.dma_semaphore, #tpu.memory_space<semaphore_mem>>) {add = true}
      %dma_wait3A_137 = arith.constant 0 : i32
      %dma_wait3A_138 = tpu.memref_slice %arg19[%dma_wait3A_137] : memref<819200xf32, #tpu.memory_space<vmem_shared>> -> memref<819200xf32, #tpu.memory_space<vmem_shared>>
      tpu.wait_indirect_dma semaphore(%run_scoped3A : memref<!tpu.dma_semaphore, #tpu.memory_space<semaphore_mem>>) src(%arg17 : memref<128xf32, #tpu.memory_space<vmem>>) dst(%dma_wait3A_138 : memref<819200xf32, #tpu.memory_space<vmem_shared>>)
      tpu.yield
    }) : () -> ()
    "tpu.region"() ({
      %run_scoped3A = tpu.sem_alloc : memref<!tpu.dma_semaphore, #tpu.memory_space<semaphore_mem>>
      %dma_start3A_135 = arith.constant 0 : i32
      %dma_start3A_136 = tpu.memref_slice %arg19[%dma_start3A_135] : memref<819200xf32, #tpu.memory_space<vmem_shared>> -> memref<819200xf32, #tpu.memory_space<vmem_shared>>
      tpu.enqueue_indirect_dma source(%arg17 : memref<128xf32, #tpu.memory_space<vmem>>) target(%dma_start3A_136 : memref<819200xf32, #tpu.memory_space<vmem_shared>>) offsets(%arg18 : memref<128xi32, #tpu.memory_space<vmem>>) semaphore(%run_scoped3A : memref<!tpu.dma_semaphore, #tpu.memory_space<semaphore_mem>>) {add = true}
      %dma_wait3A_137 = arith.constant 0 : i32
      %dma_wait3A_138 = tpu.memref_slice %arg19[%dma_wait3A_137] : memref<819200xf32, #tpu.memory_space<vmem_shared>> -> memref<819200xf32, #tpu.memory_space<vmem_shared>>
      tpu.wait_indirect_dma semaphore(%run_scoped3A : memref<!tpu.dma_semaphore, #tpu.memory_space<semaphore_mem>>) src(%arg17 : memref<128xf32, #tpu.memory_space<vmem>>) dst(%dma_wait3A_138 : memref<819200xf32, #tpu.memory_space<vmem_shared>>)
      tpu.yield
    }) : () -> ()
    %barrier3A_97 = arith.constant 0 : index
    tpu.barrier barrier_id(%barrier3A_97)
    %mul3A_98 = arith.constant 51200 : i32
    %mul3A_99 = arith.muli %arg1, %mul3A_98 : i32
    %mul3A_100 = arith.constant 819200 : i32
    %mul3A_101 = arith.muli %add3A_79, %mul3A_100 : i32
    %mul3A_102 = arith.constant 51200 : i32
    %mul3A_103 = arith.muli %arg1, %mul3A_102 : i32
    %add3A_104 = arith.addi %mul3A_101, %mul3A_103 : i32
    "tpu.region"() ({
      %run_scoped3A = tpu.sem_alloc : memref<!tpu.dma_semaphore, #tpu.memory_space<semaphore_mem>>
      %dma_start3A_135 = tpu.memref_slice %arg8[%add3A_104] : memref<6553600xf32, #tpu.memory_space<hbm>> -> memref<51200xf32, #tpu.memory_space<hbm>>
      %dma_start3A_136 = tpu.memref_slice %arg19[%mul3A_99] : memref<819200xf32, #tpu.memory_space<vmem_shared>> -> memref<51200xf32, #tpu.memory_space<vmem_shared>>
      tpu.enqueue_dma source(%dma_start3A_136 : memref<51200xf32, #tpu.memory_space<vmem_shared>>) target(%dma_start3A_135 : memref<51200xf32, #tpu.memory_space<hbm>>) target_semaphore(%run_scoped3A : memref<!tpu.dma_semaphore, #tpu.memory_space<semaphore_mem>>)
      %dma_wait3A_137 = tpu.memref_slice %arg8[%add3A_104] : memref<6553600xf32, #tpu.memory_space<hbm>> -> memref<51200xf32, #tpu.memory_space<hbm>>
      %dma_wait3A_138 = tpu.memref_slice %arg19[%mul3A_99] : memref<819200xf32, #tpu.memory_space<vmem_shared>> -> memref<51200xf32, #tpu.memory_space<vmem_shared>>
      tpu.wait_dma2 semaphore(%run_scoped3A : memref<!tpu.dma_semaphore, #tpu.memory_space<semaphore_mem>>) src(%dma_wait3A_138 : memref<51200xf32, #tpu.memory_space<vmem_shared>>) dst(%dma_wait3A_137 : memref<51200xf32, #tpu.memory_space<hbm>>)
      tpu.yield
    }) : () -> ()
    %barrier3A_105 = arith.constant 0 : index
    tpu.barrier barrier_id(%barrier3A_105)
    %mul3A_106 = arith.constant 4 : i32
    %mul3A_107 = arith.muli %arg0, %mul3A_106 : i32
    %add3A_108 = arith.constant 3 : i32
    %add3A_109 = arith.addi %mul3A_107, %add3A_108 : i32
    %mul3A_110 = arith.constant 320 : i32
    %mul3A_111 = arith.muli %add3A_109, %mul3A_110 : i32
    %mul3A_112 = arith.constant 51200 : i32
    %mul3A_113 = arith.muli %arg1, %mul3A_112 : i32
    %mul3A_114 = arith.constant 51200 : i32
    %mul3A_115 = arith.muli %arg1, %mul3A_114 : i32
    %dma_start3A_116 = tpu.memref_slice %arg19[%mul3A_115] : memref<819200xf32, #tpu.memory_space<vmem_shared>> -> memref<51200xf32, #tpu.memory_space<vmem_shared>>
    %dma_start3A_117 = tpu.memref_slice %arg7[%mul3A_113] : memref<819200xf32, #tpu.memory_space<hbm>> -> memref<51200xf32, #tpu.memory_space<hbm>>
    tpu.enqueue_dma source(%dma_start3A_117 : memref<51200xf32, #tpu.memory_space<hbm>>) target(%dma_start3A_116 : memref<51200xf32, #tpu.memory_space<vmem_shared>>) target_semaphore(%arg20 : memref<!tpu.dma_semaphore, #tpu.memory_space<semaphore_mem>>)
    %scan3A_118 = arith.constant 0 : i32
    %scan3A_119 = arith.constant 0 : i32
    %scan3A_120 = arith.constant 320 : i32
    %scan3A_121 = arith.addi %scan3A_119, %scan3A_120 : i32
    %scan3A_122 = arith.constant 1 : i32
    scf.for %scan3A_135 = %scan3A_119 to %scan3A_121 step %scan3A_122  : i32 {
      %mul3A_136 = arith.constant 16 : i32
      %mul3A_137 = arith.muli %scan3A_135, %mul3A_136 : i32
      %add3A_138 = arith.constant 15360 : i32
      %add3A_139 = arith.addi %add3A_138, %mul3A_137 : i32
      %mul3A_140 = arith.constant 16 : i32
      %mul3A_141 = arith.muli %scan3A_135, %mul3A_140 : i32
      %get3A_142 = arith.index_cast %mul3A_141 : i32 to index
      %get3A_143 = tpu.vector_load %arg10[%get3A_142] {strides = array<i32>} : memref<5120xi32, #tpu.memory_space<vmem>>, vector<16xi32>,
      %get3A_144 = vector.shape_cast %get3A_143 : vector<16xi32> to vector<16xi32>
      %get3A_145 = arith.index_cast %mul3A_141 : i32 to index
      %get3A_146 = tpu.vector_load %arg11[%get3A_145] {strides = array<i32>} : memref<5120xi32, #tpu.memory_space<vmem>>, vector<16xi32>,
      %get3A_147 = vector.shape_cast %get3A_146 : vector<16xi32> to vector<16xi32>
      %get3A_148 = arith.index_cast %mul3A_141 : i32 to index
      %get3A_149 = tpu.vector_load %arg14[%get3A_148] {strides = array<i32>} : memref<5120xf32, #tpu.memory_space<vmem>>, vector<16xf32>,
      %get3A_150 = vector.shape_cast %get3A_149 : vector<16xf32> to vector<16xf32>
      %sub3A = vector.broadcast %mul3A_111 : i32 to vector<16xi32>
      %sub3A_151 = arith.subi %get3A_147, %sub3A : vector<16xi32>
      %ge3A = arith.constant 0 : i32
      %ge3A_152 = vector.broadcast %ge3A : i32 to vector<16xi32>
      %ge3A_153 = arith.cmpi sge, %sub3A_151, %ge3A_152 : vector<16xi32>
      %lt3A = arith.constant 320 : i32
      %lt3A_154 = vector.broadcast %lt3A : i32 to vector<16xi32>
      %lt3A_155 = arith.cmpi slt, %sub3A_151, %lt3A_154 : vector<16xi32>
      %and3A = arith.andi %ge3A_153, %lt3A_155 : vector<16xi1>
      %mul3A_156 = arith.constant 5120 : i32
      %mul3A_157 = arith.muli %arg1, %mul3A_156 : i32
      %mul3A_158 = arith.constant 16 : i32
      %mul3A_159 = arith.muli %scan3A_135, %mul3A_158 : i32
      %add3A_160 = arith.addi %mul3A_157, %mul3A_159 : i32
      %iota3A = tpu.iota {dimensions = array<i32: 0>} : vector<16xi32>
      %add3A_161 = vector.broadcast %add3A_160 : i32 to vector<16xi32>
      %add3A_162 = arith.addi %add3A_161, %iota3A : vector<16xi32>
      %jit3A = arith.constant 0.000000e+00 : f32
      %broadcast_in_dim3A = vector.broadcast %jit3A : f32 to vector<16xf32>
      %select_n3A = arith.select %and3A, %get3A_150, %broadcast_in_dim3A : vector<16xi1>, vector<16xf32>
      %swap3A = arith.index_cast %add3A_139 : i32 to index
      %swap3A_163 = tpu.vector_load %arg15[%swap3A] {strides = array<i32>} : memref<20480xf32, #tpu.memory_space<vmem>>, vector<16xf32>,
      %swap3A_164 = vector.shape_cast %swap3A_163 : vector<16xf32> to vector<16xf32>
      %swap3A_165 = vector.shape_cast %select_n3A : vector<16xf32> to vector<16xf32>
      tpu.vector_store %arg15[%swap3A], %swap3A_165 {strides = array<i32>} : memref<20480xf32, #tpu.memory_space<vmem>>, vector<16xf32>,
      %mul3A_166 = arith.constant 2560 : i32
      %mul3A_167 = vector.broadcast %mul3A_166 : i32 to vector<16xi32>
      %mul3A_168 = arith.muli %sub3A_151, %mul3A_167 : vector<16xi32>
      %add3A_169 = arith.addi %mul3A_168, %get3A_144 : vector<16xi32>
      %select_n3A_170 = arith.select %and3A, %add3A_169, %add3A_162 : vector<16xi1>, vector<16xi32>
      %swap3A_171 = arith.index_cast %add3A_139 : i32 to index
      %swap3A_172 = tpu.vector_load %arg16[%swap3A_171] {strides = array<i32>} : memref<20480xi32, #tpu.memory_space<vmem>>, vector<16xi32>,
      %swap3A_173 = vector.shape_cast %swap3A_172 : vector<16xi32> to vector<16xi32>
      %swap3A_174 = vector.shape_cast %select_n3A_170 : vector<16xi32> to vector<16xi32>
      tpu.vector_store %arg16[%swap3A_171], %swap3A_174 {strides = array<i32>} : memref<20480xi32, #tpu.memory_space<vmem>>, vector<16xi32>,
    }
    %scan3A_123 = arith.constant 320 : i32
    %dma_wait3A_124 = tpu.memref_slice %arg19[%mul3A_115] : memref<819200xf32, #tpu.memory_space<vmem_shared>> -> memref<51200xf32, #tpu.memory_space<vmem_shared>>
    %dma_wait3A_125 = tpu.memref_slice %arg7[%mul3A_113] : memref<819200xf32, #tpu.memory_space<hbm>> -> memref<51200xf32, #tpu.memory_space<hbm>>
    tpu.wait_dma2 semaphore(%arg20 : memref<!tpu.dma_semaphore, #tpu.memory_space<semaphore_mem>>) src(%dma_wait3A_125 : memref<51200xf32, #tpu.memory_space<hbm>>) dst(%dma_wait3A_124 : memref<51200xf32, #tpu.memory_space<vmem_shared>>)
    %barrier3A_126 = arith.constant 0 : index
    tpu.barrier barrier_id(%barrier3A_126)
    "tpu.region"() ({
      %run_scoped3A = tpu.sem_alloc : memref<!tpu.dma_semaphore, #tpu.memory_space<semaphore_mem>>
      %dma_start3A_135 = arith.constant 15360 : i32
      %dma_start3A_136 = tpu.memref_slice %arg15[%dma_start3A_135] : memref<20480xf32, #tpu.memory_space<vmem>> -> memref<5120xf32, #tpu.memory_space<vmem>>
      %dma_start3A_137 = arith.constant 15360 : i32
      %dma_start3A_138 = tpu.memref_slice %arg16[%dma_start3A_137] : memref<20480xi32, #tpu.memory_space<vmem>> -> memref<5120xi32, #tpu.memory_space<vmem>>
      %dma_start3A_139 = arith.constant 0 : i32
      %dma_start3A_140 = tpu.memref_slice %arg19[%dma_start3A_139] : memref<819200xf32, #tpu.memory_space<vmem_shared>> -> memref<819200xf32, #tpu.memory_space<vmem_shared>>
      tpu.enqueue_indirect_dma source(%dma_start3A_136 : memref<5120xf32, #tpu.memory_space<vmem>>) target(%dma_start3A_140 : memref<819200xf32, #tpu.memory_space<vmem_shared>>) offsets(%dma_start3A_138 : memref<5120xi32, #tpu.memory_space<vmem>>) semaphore(%run_scoped3A : memref<!tpu.dma_semaphore, #tpu.memory_space<semaphore_mem>>) {add = true}
      %dma_wait3A_141 = arith.constant 15360 : i32
      %dma_wait3A_142 = tpu.memref_slice %arg15[%dma_wait3A_141] : memref<20480xf32, #tpu.memory_space<vmem>> -> memref<5120xf32, #tpu.memory_space<vmem>>
      %dma_wait3A_143 = arith.constant 15360 : i32
      %dma_wait3A_144 = tpu.memref_slice %arg16[%dma_wait3A_143] : memref<20480xi32, #tpu.memory_space<vmem>> -> memref<5120xi32, #tpu.memory_space<vmem>>
      %dma_wait3A_145 = arith.constant 0 : i32
      %dma_wait3A_146 = tpu.memref_slice %arg19[%dma_wait3A_145] : memref<819200xf32, #tpu.memory_space<vmem_shared>> -> memref<819200xf32, #tpu.memory_space<vmem_shared>>
      tpu.wait_indirect_dma semaphore(%run_scoped3A : memref<!tpu.dma_semaphore, #tpu.memory_space<semaphore_mem>>) src(%dma_wait3A_142 : memref<5120xf32, #tpu.memory_space<vmem>>) dst(%dma_wait3A_146 : memref<819200xf32, #tpu.memory_space<vmem_shared>>)
      tpu.yield
    }) : () -> ()
    "tpu.region"() ({
      %run_scoped3A = tpu.sem_alloc : memref<!tpu.dma_semaphore, #tpu.memory_space<semaphore_mem>>
      %dma_start3A_135 = arith.constant 0 : i32
      %dma_start3A_136 = tpu.memref_slice %arg19[%dma_start3A_135] : memref<819200xf32, #tpu.memory_space<vmem_shared>> -> memref<819200xf32, #tpu.memory_space<vmem_shared>>
      tpu.enqueue_indirect_dma source(%arg17 : memref<128xf32, #tpu.memory_space<vmem>>) target(%dma_start3A_136 : memref<819200xf32, #tpu.memory_space<vmem_shared>>) offsets(%arg18 : memref<128xi32, #tpu.memory_space<vmem>>) semaphore(%run_scoped3A : memref<!tpu.dma_semaphore, #tpu.memory_space<semaphore_mem>>) {add = true}
      %dma_wait3A_137 = arith.constant 0 : i32
      %dma_wait3A_138 = tpu.memref_slice %arg19[%dma_wait3A_137] : memref<819200xf32, #tpu.memory_space<vmem_shared>> -> memref<819200xf32, #tpu.memory_space<vmem_shared>>
      tpu.wait_indirect_dma semaphore(%run_scoped3A : memref<!tpu.dma_semaphore, #tpu.memory_space<semaphore_mem>>) src(%arg17 : memref<128xf32, #tpu.memory_space<vmem>>) dst(%dma_wait3A_138 : memref<819200xf32, #tpu.memory_space<vmem_shared>>)
      tpu.yield
    }) : () -> ()
    "tpu.region"() ({
      %run_scoped3A = tpu.sem_alloc : memref<!tpu.dma_semaphore, #tpu.memory_space<semaphore_mem>>
      %dma_start3A_135 = arith.constant 0 : i32
      %dma_start3A_136 = tpu.memref_slice %arg19[%dma_start3A_135] : memref<819200xf32, #tpu.memory_space<vmem_shared>> -> memref<819200xf32, #tpu.memory_space<vmem_shared>>
      tpu.enqueue_indirect_dma source(%arg17 : memref<128xf32, #tpu.memory_space<vmem>>) target(%dma_start3A_136 : memref<819200xf32, #tpu.memory_space<vmem_shared>>) offsets(%arg18 : memref<128xi32, #tpu.memory_space<vmem>>) semaphore(%run_scoped3A : memref<!tpu.dma_semaphore, #tpu.memory_space<semaphore_mem>>) {add = true}
      %dma_wait3A_137 = arith.constant 0 : i32
      %dma_wait3A_138 = tpu.memref_slice %arg19[%dma_wait3A_137] : memref<819200xf32, #tpu.memory_space<vmem_shared>> -> memref<819200xf32, #tpu.memory_space<vmem_shared>>
      tpu.wait_indirect_dma semaphore(%run_scoped3A : memref<!tpu.dma_semaphore, #tpu.memory_space<semaphore_mem>>) src(%arg17 : memref<128xf32, #tpu.memory_space<vmem>>) dst(%dma_wait3A_138 : memref<819200xf32, #tpu.memory_space<vmem_shared>>)
      tpu.yield
    }) : () -> ()
    %barrier3A_127 = arith.constant 0 : index
    tpu.barrier barrier_id(%barrier3A_127)
    %mul3A_128 = arith.constant 51200 : i32
    %mul3A_129 = arith.muli %arg1, %mul3A_128 : i32
    %mul3A_130 = arith.constant 819200 : i32
    %mul3A_131 = arith.muli %add3A_109, %mul3A_130 : i32
    %mul3A_132 = arith.constant 51200 : i32
    %mul3A_133 = arith.muli %arg1, %mul3A_132 : i32
    %add3A_134 = arith.addi %mul3A_131, %mul3A_133 : i32
    "tpu.region"() ({
      %run_scoped3A = tpu.sem_alloc : memref<!tpu.dma_semaphore, #tpu.memory_space<semaphore_mem>>
      %dma_start3A_135 = tpu.memref_slice %arg8[%add3A_134] : memref<6553600xf32, #tpu.memory_space<hbm>> -> memref<51200xf32, #tpu.memory_space<hbm>>
      %dma_start3A_136 = tpu.memref_slice %arg19[%mul3A_129] : memref<819200xf32, #tpu.memory_space<vmem_shared>> -> memref<51200xf32, #tpu.memory_space<vmem_shared>>
      tpu.enqueue_dma source(%dma_start3A_136 : memref<51200xf32, #tpu.memory_space<vmem_shared>>) target(%dma_start3A_135 : memref<51200xf32, #tpu.memory_space<hbm>>) target_semaphore(%run_scoped3A : memref<!tpu.dma_semaphore, #tpu.memory_space<semaphore_mem>>)
      %dma_wait3A_137 = tpu.memref_slice %arg8[%add3A_134] : memref<6553600xf32, #tpu.memory_space<hbm>> -> memref<51200xf32, #tpu.memory_space<hbm>>
      %dma_wait3A_138 = tpu.memref_slice %arg19[%mul3A_129] : memref<819200xf32, #tpu.memory_space<vmem_shared>> -> memref<51200xf32, #tpu.memory_space<vmem_shared>>
      tpu.wait_dma2 semaphore(%run_scoped3A : memref<!tpu.dma_semaphore, #tpu.memory_space<semaphore_mem>>) src(%dma_wait3A_138 : memref<51200xf32, #tpu.memory_space<vmem_shared>>) dst(%dma_wait3A_137 : memref<51200xf32, #tpu.memory_space<hbm>>)
      tpu.yield
    }) : () -> ()
    return
  }
}

module attributes {stable_mosaic.version = 14 : i64} {
  func.func @_pre1_body(%arg0: memref<2560x128xf32, #tpu.memory_space<vmem>>, %arg1: memref<128x256xf32, #tpu.memory_space<vmem>>, %arg2: memref<256x1xf32, #tpu.memory_space<vmem>>, %arg3: memref<256x1xf32, #tpu.memory_space<vmem>>, %arg4: memref<2560x256xf32, #tpu.memory_space<vmem>>, %arg5: memref<2560x1xf32, #tpu.memory_space<vmem>>, %arg6: memref<2560x1xf32, #tpu.memory_space<vmem>>, %arg7: memref<1x1xf32, #tpu.memory_space<vmem>>, %arg8: memref<2560x1xf32, #tpu.memory_space<vmem>>) attributes {dimension_semantics = [], scalar_prefetch = 0 : i64, scratch_operands = 0 : i64, tpu.core_type = #tpu.core_type<tc>} {
    %get3A = arith.constant 0 : index
    %get3A_0 = arith.constant 0 : index
    %get3A_1 = vector.load %arg0[%get3A, %get3A_0] : memref<2560x128xf32, #tpu.memory_space<vmem>>, vector<2560x128xf32>
    %get3A_2 = arith.constant 0 : index
    %get3A_3 = arith.constant 0 : index
    %get3A_4 = vector.load %arg1[%get3A_2, %get3A_3] : memref<128x256xf32, #tpu.memory_space<vmem>>, vector<128x256xf32>
    %convert_element_type3A = arith.truncf %get3A_1 : vector<2560x128xf32> to vector<2560x128xbf16>
    %convert_element_type3A_5 = arith.truncf %get3A_4 : vector<128x256xf32> to vector<128x256xbf16>
    %dot_general3A = arith.constant dense<0.000000e+00> : vector<2560x256xf32>
    %dot_general3A_6 = tpu.matmul %convert_element_type3A, %convert_element_type3A_5, %dot_general3A {dimension_numbers = #tpu.dot_dimension_numbers<[1], [0], [0], [1], [0, 0, 1, 1], [], []>, transpose_lhs_hint = false} : vector<2560x128xbf16>, vector<128x256xbf16>, vector<2560x256xf32> -> vector<2560x256xf32>
    %swap3A = arith.constant 0 : index
    %swap3A_7 = arith.constant 0 : index
    %swap3A_8 = vector.load %arg4[%swap3A, %swap3A_7] : memref<2560x256xf32, #tpu.memory_space<vmem>>, vector<2560x256xf32>
    tpu.vector_store %arg4[%swap3A, %swap3A_7], %dot_general3A_6 {strides = array<i32>} : memref<2560x256xf32, #tpu.memory_space<vmem>>, vector<2560x256xf32>,
    %get3A_9 = arith.constant 0 : index
    %get3A_10 = arith.constant 0 : index
    %get3A_11 = vector.load %arg2[%get3A_9, %get3A_10] : memref<256x1xf32, #tpu.memory_space<vmem>>, vector<256x1xf32>
    %convert_element_type3A_12 = arith.truncf %dot_general3A_6 : vector<2560x256xf32> to vector<2560x256xbf16>
    %convert_element_type3A_13 = arith.extf %convert_element_type3A_12 : vector<2560x256xbf16> to vector<2560x256xf32>
    %sub3A = arith.subf %dot_general3A_6, %convert_element_type3A_13 : vector<2560x256xf32>
    %convert_element_type3A_14 = arith.truncf %sub3A : vector<2560x256xf32> to vector<2560x256xbf16>
    %convert_element_type3A_15 = arith.truncf %get3A_11 : vector<256x1xf32> to vector<256x1xbf16>
    %convert_element_type3A_16 = arith.extf %convert_element_type3A_15 : vector<256x1xbf16> to vector<256x1xf32>
    %sub3A_17 = arith.subf %get3A_11, %convert_element_type3A_16 : vector<256x1xf32>
    %convert_element_type3A_18 = arith.truncf %sub3A_17 : vector<256x1xf32> to vector<256x1xbf16>
    %dot_general3A_19 = arith.constant dense<0.000000e+00> : vector<2560x1xf32>
    %dot_general3A_20 = tpu.matmul %convert_element_type3A_12, %convert_element_type3A_15, %dot_general3A_19 {dimension_numbers = #tpu.dot_dimension_numbers<[1], [0], [0], [1], [0, 0, 1, 1], [], []>, transpose_lhs_hint = false} : vector<2560x256xbf16>, vector<256x1xbf16>, vector<2560x1xf32> -> vector<2560x1xf32>
    %dot_general3A_21 = arith.constant dense<0.000000e+00> : vector<2560x1xf32>
    %dot_general3A_22 = tpu.matmul %convert_element_type3A_12, %convert_element_type3A_18, %dot_general3A_21 {dimension_numbers = #tpu.dot_dimension_numbers<[1], [0], [0], [1], [0, 0, 1, 1], [], []>, transpose_lhs_hint = false} : vector<2560x256xbf16>, vector<256x1xbf16>, vector<2560x1xf32> -> vector<2560x1xf32>
    %dot_general3A_23 = arith.constant dense<0.000000e+00> : vector<2560x1xf32>
    %dot_general3A_24 = tpu.matmul %convert_element_type3A_14, %convert_element_type3A_15, %dot_general3A_23 {dimension_numbers = #tpu.dot_dimension_numbers<[1], [0], [0], [1], [0, 0, 1, 1], [], []>, transpose_lhs_hint = false} : vector<2560x256xbf16>, vector<256x1xbf16>, vector<2560x1xf32> -> vector<2560x1xf32>
    %add3A = arith.addf %dot_general3A_22, %dot_general3A_24 : vector<2560x1xf32>
    %add3A_25 = arith.addf %dot_general3A_20, %add3A : vector<2560x1xf32>
    %get3A_26 = arith.constant 0 : index
    %get3A_27 = arith.constant 0 : index
    %get3A_28 = vector.load %arg3[%get3A_26, %get3A_27] : memref<256x1xf32, #tpu.memory_space<vmem>>, vector<256x1xf32>
    %convert_element_type3A_29 = arith.truncf %dot_general3A_6 : vector<2560x256xf32> to vector<2560x256xbf16>
    %convert_element_type3A_30 = arith.extf %convert_element_type3A_29 : vector<2560x256xbf16> to vector<2560x256xf32>
    %sub3A_31 = arith.subf %dot_general3A_6, %convert_element_type3A_30 : vector<2560x256xf32>
    %convert_element_type3A_32 = arith.truncf %sub3A_31 : vector<2560x256xf32> to vector<2560x256xbf16>
    %convert_element_type3A_33 = arith.truncf %get3A_28 : vector<256x1xf32> to vector<256x1xbf16>
    %convert_element_type3A_34 = arith.extf %convert_element_type3A_33 : vector<256x1xbf16> to vector<256x1xf32>
    %sub3A_35 = arith.subf %get3A_28, %convert_element_type3A_34 : vector<256x1xf32>
    %convert_element_type3A_36 = arith.truncf %sub3A_35 : vector<256x1xf32> to vector<256x1xbf16>
    %dot_general3A_37 = arith.constant dense<0.000000e+00> : vector<2560x1xf32>
    %dot_general3A_38 = tpu.matmul %convert_element_type3A_29, %convert_element_type3A_33, %dot_general3A_37 {dimension_numbers = #tpu.dot_dimension_numbers<[1], [0], [0], [1], [0, 0, 1, 1], [], []>, transpose_lhs_hint = false} : vector<2560x256xbf16>, vector<256x1xbf16>, vector<2560x1xf32> -> vector<2560x1xf32>
    %dot_general3A_39 = arith.constant dense<0.000000e+00> : vector<2560x1xf32>
    %dot_general3A_40 = tpu.matmul %convert_element_type3A_29, %convert_element_type3A_36, %dot_general3A_39 {dimension_numbers = #tpu.dot_dimension_numbers<[1], [0], [0], [1], [0, 0, 1, 1], [], []>, transpose_lhs_hint = false} : vector<2560x256xbf16>, vector<256x1xbf16>, vector<2560x1xf32> -> vector<2560x1xf32>
    %dot_general3A_41 = arith.constant dense<0.000000e+00> : vector<2560x1xf32>
    %dot_general3A_42 = tpu.matmul %convert_element_type3A_32, %convert_element_type3A_33, %dot_general3A_41 {dimension_numbers = #tpu.dot_dimension_numbers<[1], [0], [0], [1], [0, 0, 1, 1], [], []>, transpose_lhs_hint = false} : vector<2560x256xbf16>, vector<256x1xbf16>, vector<2560x1xf32> -> vector<2560x1xf32>
    %add3A_43 = arith.addf %dot_general3A_40, %dot_general3A_42 : vector<2560x1xf32>
    %add3A_44 = arith.addf %dot_general3A_38, %add3A_43 : vector<2560x1xf32>
    %swap3A_45 = arith.constant 0 : index
    %swap3A_46 = arith.constant 0 : index
    %swap3A_47 = vector.load %arg5[%swap3A_45, %swap3A_46] : memref<2560x1xf32, #tpu.memory_space<vmem>>, vector<2560x1xf32>
    tpu.vector_store %arg5[%swap3A_45, %swap3A_46], %add3A_25 {strides = array<i32>} : memref<2560x1xf32, #tpu.memory_space<vmem>>, vector<2560x1xf32>,
    %swap3A_48 = arith.constant 0 : index
    %swap3A_49 = arith.constant 0 : index
    %swap3A_50 = vector.load %arg6[%swap3A_48, %swap3A_49] : memref<2560x1xf32, #tpu.memory_space<vmem>>, vector<2560x1xf32>
    tpu.vector_store %arg6[%swap3A_48, %swap3A_49], %add3A_44 {strides = array<i32>} : memref<2560x1xf32, #tpu.memory_space<vmem>>, vector<2560x1xf32>,
    %reduce_max3A = vector.shape_cast %add3A_25 : vector<2560x1xf32> to vector<1x2560x1xf32>
    %reduce_max3A_51 = arith.constant dense<0xFF800000> : vector<1xf32>
    %reduce_max3A_52 = vector.multi_reduction <maximumf>, %reduce_max3A, %reduce_max3A_51 [1, 2] : vector<1x2560x1xf32> to vector<1xf32>
    %reduce_max3A_53 = vector.shape_cast %reduce_max3A_52 : vector<1xf32> to vector<1x1x1xf32>
    %reduce_max3A_54 = vector.extract %reduce_max3A_53[0, 0, 0] : f32 from vector<1x1x1xf32>
    %broadcast_in_dim3A = vector.broadcast %reduce_max3A_54 : f32 to vector<1x1xf32>
    %swap3A_55 = arith.constant 0 : index
    %swap3A_56 = arith.constant 0 : index
    %swap3A_57 = vector.load %arg7[%swap3A_55, %swap3A_56] : memref<1x1xf32, #tpu.memory_space<vmem>>, vector<1x1xf32>
    tpu.vector_store %arg7[%swap3A_55, %swap3A_56], %broadcast_in_dim3A {strides = array<i32>} : memref<1x1xf32, #tpu.memory_space<vmem>>, vector<1x1xf32>,
    %add3A_58 = vector.broadcast %reduce_max3A_54 : f32 to vector<2560x1xf32>
    %add3A_59 = arith.addf %add3A_58, %add3A_44 : vector<2560x1xf32>
    %mul3A = arith.constant 2.000000e-01 : f32
    %mul3A_60 = vector.broadcast %mul3A : f32 to vector<2560x1xf32>
    %mul3A_61 = arith.mulf %mul3A_60, %add3A_59 : vector<2560x1xf32>
    %max3A = arith.maximumf %add3A_59, %mul3A_61 : vector<2560x1xf32>
    %add3A_62 = arith.addf %add3A_25, %add3A_44 : vector<2560x1xf32>
    %mul3A_63 = arith.constant 2.000000e-01 : f32
    %mul3A_64 = vector.broadcast %mul3A_63 : f32 to vector<2560x1xf32>
    %mul3A_65 = arith.mulf %mul3A_64, %add3A_62 : vector<2560x1xf32>
    %max3A_66 = arith.maximumf %add3A_62, %mul3A_65 : vector<2560x1xf32>
    %sub3A_67 = arith.subf %max3A_66, %max3A : vector<2560x1xf32>
    %exp3A = math.exp %sub3A_67 : vector<2560x1xf32>
    %swap3A_68 = arith.constant 0 : index
    %swap3A_69 = arith.constant 0 : index
    %swap3A_70 = vector.load %arg8[%swap3A_68, %swap3A_69] : memref<2560x1xf32, #tpu.memory_space<vmem>>, vector<2560x1xf32>
    tpu.vector_store %arg8[%swap3A_68, %swap3A_69], %exp3A {strides = array<i32>} : memref<2560x1xf32, #tpu.memory_space<vmem>>, vector<2560x1xf32>,
    return
  }
}

module attributes {stable_mosaic.version = 14 : i64} {
  func.func @_midpre_body(%arg0: i32, %arg1: memref<320x2560xf32, #tpu.memory_space<vmem>>, %arg2: memref<2560x256xf32, #tpu.memory_space<vmem>>, %arg3: memref<2560x1xf32, #tpu.memory_space<vmem>>, %arg4: memref<1x256xf32, #tpu.memory_space<vmem>>, %arg5: memref<1x256xf32, #tpu.memory_space<vmem>>, %arg6: memref<1x256xf32, #tpu.memory_space<vmem>>, %arg7: memref<256x256xf32, #tpu.memory_space<vmem>>, %arg8: memref<256x1xf32, #tpu.memory_space<vmem>>, %arg9: memref<256x1xf32, #tpu.memory_space<vmem>>, %arg10: memref<2560x256xf32, #tpu.memory_space<vmem>>, %arg11: memref<2560x1xf32, #tpu.memory_space<vmem>>, %arg12: memref<2560x1xf32, #tpu.memory_space<vmem>>, %arg13: memref<1x1xf32, #tpu.memory_space<vmem>>, %arg14: memref<2560x1xf32, #tpu.memory_space<vmem>>, %arg15: memref<2560x256xf32, #tpu.memory_space<vmem>>) attributes {dimension_semantics = [#tpu.dimension_semantics<arbitrary>], iteration_bounds = array<i64: 8>, scalar_prefetch = 0 : i64, scratch_operands = 1 : i64, tpu.core_type = #tpu.core_type<tc>, window_params = [{transform_indices = @transform_0, window_bounds = array<i64: 320, 2560>}, {pipeline_mode = #tpu.pipeline_mode<synchronous>, transform_indices = @transform_1, window_bounds = array<i64: 2560, 256>}, {pipeline_mode = #tpu.pipeline_mode<synchronous>, transform_indices = @transform_2, window_bounds = array<i64: 2560, 1>}, {pipeline_mode = #tpu.pipeline_mode<synchronous>, transform_indices = @transform_3, window_bounds = array<i64: 1, 256>}, {pipeline_mode = #tpu.pipeline_mode<synchronous>, transform_indices = @transform_4, window_bounds = array<i64: 1, 256>}, {pipeline_mode = #tpu.pipeline_mode<synchronous>, transform_indices = @transform_5, window_bounds = array<i64: 1, 256>}, {pipeline_mode = #tpu.pipeline_mode<synchronous>, transform_indices = @transform_6, window_bounds = array<i64: 256, 256>}, {pipeline_mode = #tpu.pipeline_mode<synchronous>, transform_indices = @transform_7, window_bounds = array<i64: 256, 1>}, {pipeline_mode = #tpu.pipeline_mode<synchronous>, transform_indices = @transform_8, window_bounds = array<i64: 256, 1>}, {pipeline_mode = #tpu.pipeline_mode<synchronous>, transform_indices = @transform_9, window_bounds = array<i64: 2560, 256>}, {pipeline_mode = #tpu.pipeline_mode<synchronous>, transform_indices = @transform_10, window_bounds = array<i64: 2560, 1>}, {pipeline_mode = #tpu.pipeline_mode<synchronous>, transform_indices = @transform_11, window_bounds = array<i64: 2560, 1>}, {pipeline_mode = #tpu.pipeline_mode<synchronous>, transform_indices = @transform_12, window_bounds = array<i64: 1, 1>}, {pipeline_mode = #tpu.pipeline_mode<synchronous>, transform_indices = @transform_13, window_bounds = array<i64: 2560, 1>}]} {
    %get3A = arith.constant 0 : index
    %get3A_0 = arith.constant 0 : index
    %get3A_1 = vector.load %arg1[%get3A, %get3A_0] : memref<320x2560xf32, #tpu.memory_space<vmem>>, vector<320x2560xf32>
    %get3A_2 = arith.constant 0 : index
    %get3A_3 = arith.constant 0 : index
    %get3A_4 = vector.load %arg2[%get3A_2, %get3A_3] : memref<2560x256xf32, #tpu.memory_space<vmem>>, vector<2560x256xf32>
    %convert_element_type3A = arith.truncf %get3A_1 : vector<320x2560xf32> to vector<320x2560xbf16>
    %convert_element_type3A_5 = arith.extf %convert_element_type3A : vector<320x2560xbf16> to vector<320x2560xf32>
    %sub3A = arith.subf %get3A_1, %convert_element_type3A_5 : vector<320x2560xf32>
    %convert_element_type3A_6 = arith.truncf %sub3A : vector<320x2560xf32> to vector<320x2560xbf16>
    %convert_element_type3A_7 = arith.truncf %get3A_4 : vector<2560x256xf32> to vector<2560x256xbf16>
    %convert_element_type3A_8 = arith.extf %convert_element_type3A_7 : vector<2560x256xbf16> to vector<2560x256xf32>
    %sub3A_9 = arith.subf %get3A_4, %convert_element_type3A_8 : vector<2560x256xf32>
    %convert_element_type3A_10 = arith.truncf %sub3A_9 : vector<2560x256xf32> to vector<2560x256xbf16>
    %dot_general3A = arith.constant dense<0.000000e+00> : vector<320x256xf32>
    %dot_general3A_11 = tpu.matmul %convert_element_type3A, %convert_element_type3A_7, %dot_general3A {dimension_numbers = #tpu.dot_dimension_numbers<[1], [0], [0], [1], [0, 0, 1, 1], [], []>, transpose_lhs_hint = false} : vector<320x2560xbf16>, vector<2560x256xbf16>, vector<320x256xf32> -> vector<320x256xf32>
    %dot_general3A_12 = arith.constant dense<0.000000e+00> : vector<320x256xf32>
    %dot_general3A_13 = tpu.matmul %convert_element_type3A, %convert_element_type3A_10, %dot_general3A_12 {dimension_numbers = #tpu.dot_dimension_numbers<[1], [0], [0], [1], [0, 0, 1, 1], [], []>, transpose_lhs_hint = false} : vector<320x2560xbf16>, vector<2560x256xbf16>, vector<320x256xf32> -> vector<320x256xf32>
    %dot_general3A_14 = arith.constant dense<0.000000e+00> : vector<320x256xf32>
    %dot_general3A_15 = tpu.matmul %convert_element_type3A_6, %convert_element_type3A_7, %dot_general3A_14 {dimension_numbers = #tpu.dot_dimension_numbers<[1], [0], [0], [1], [0, 0, 1, 1], [], []>, transpose_lhs_hint = false} : vector<320x2560xbf16>, vector<2560x256xbf16>, vector<320x256xf32> -> vector<320x256xf32>
    %add3A = arith.addf %dot_general3A_13, %dot_general3A_15 : vector<320x256xf32>
    %add3A_16 = arith.addf %dot_general3A_11, %add3A : vector<320x256xf32>
    %mul3A = arith.constant 320 : i32
    %mul3A_17 = arith.muli %arg0, %mul3A : i32
    %get3A_18 = arith.index_cast %mul3A_17 : i32 to index
    %get3A_19 = arith.constant 0 : index
    %get3A_20 = vector.load %arg3[%get3A_18, %get3A_19] : memref<2560x1xf32, #tpu.memory_space<vmem>>, vector<320x1xf32>
    %reduce_sum3A = arith.constant dense<0.000000e+00> : vector<320xf32>
    %reduce_sum3A_21 = vector.multi_reduction <add>, %get3A_1, %reduce_sum3A [1] : vector<320x2560xf32> to vector<320xf32>
    %broadcast_in_dim3A = vector.shape_cast %reduce_sum3A_21 : vector<320xf32> to vector<320x1xf32>
    %add3A_22 = arith.addf %broadcast_in_dim3A, %get3A_20 : vector<320x1xf32>
    %add3A_23 = arith.constant 1.000000e-16 : f32
    %add3A_24 = vector.broadcast %add3A_23 : f32 to vector<320x1xf32>
    %add3A_25 = arith.addf %add3A_22, %add3A_24 : vector<320x1xf32>
    %get3A_26 = arith.index_cast %mul3A_17 : i32 to index
    %get3A_27 = arith.constant 0 : index
    %get3A_28 = vector.load %arg2[%get3A_26, %get3A_27] : memref<2560x256xf32, #tpu.memory_space<vmem>>, vector<320x256xf32>
    %mul3A_29 = vector.broadcast %get3A_20 : vector<320x1xf32> to vector<320x256xf32>
    %mul3A_30 = arith.mulf %mul3A_29, %get3A_28 : vector<320x256xf32>
    %add3A_31 = arith.addf %add3A_16, %mul3A_30 : vector<320x256xf32>
    %div3A = vector.broadcast %add3A_25 : vector<320x1xf32> to vector<320x256xf32>
    %div3A_32 = arith.divf %add3A_31, %div3A : vector<320x256xf32>
    %get3A_33 = arith.constant 0 : index
    %get3A_34 = arith.constant 0 : index
    %get3A_35 = vector.load %arg4[%get3A_33, %get3A_34] : memref<1x256xf32, #tpu.memory_space<vmem>>, vector<1x256xf32>
    %add3A_36 = vector.broadcast %get3A_35 : vector<1x256xf32> to vector<320x256xf32>
    %add3A_37 = arith.addf %div3A_32, %add3A_36 : vector<320x256xf32>
    %swap3A = arith.index_cast %mul3A_17 : i32 to index
    %swap3A_38 = arith.constant 0 : index
    %swap3A_39 = vector.load %arg15[%swap3A, %swap3A_38] : memref<2560x256xf32, #tpu.memory_space<vmem>>, vector<320x256xf32>
    tpu.vector_store %arg15[%swap3A, %swap3A_38], %add3A_37 {strides = array<i32>} : memref<2560x256xf32, #tpu.memory_space<vmem>>, vector<320x256xf32>,
    %eq3A = arith.constant 7 : i32
    %eq3A_40 = arith.cmpi eq, %arg0, %eq3A : i32
    %convert_element_type3A_41 = arith.extui %eq3A_40 : i1 to i32
    %cond3A = arith.constant 0 : i32
    %cond3A_42 = arith.cmpi ne, %convert_element_type3A_41, %cond3A : i32
    scf.if %cond3A_42 {
      %get3A_43 = arith.constant 0 : index
      %get3A_44 = arith.constant 0 : index
      %get3A_45 = vector.load %arg15[%get3A_43, %get3A_44] : memref<2560x256xf32, #tpu.memory_space<vmem>>, vector<2560x256xf32>
      %get3A_46 = arith.constant 0 : index
      %get3A_47 = arith.constant 0 : index
      %get3A_48 = vector.load %arg5[%get3A_46, %get3A_47] : memref<1x256xf32, #tpu.memory_space<vmem>>, vector<1x256xf32>
      %get3A_49 = arith.constant 0 : index
      %get3A_50 = arith.constant 0 : index
      %get3A_51 = vector.load %arg6[%get3A_49, %get3A_50] : memref<1x256xf32, #tpu.memory_space<vmem>>, vector<1x256xf32>
      %reduce_sum3A_52 = arith.constant dense<0.000000e+00> : vector<256xf32>
      %reduce_sum3A_53 = vector.multi_reduction <add>, %get3A_45, %reduce_sum3A_52 [0] : vector<2560x256xf32> to vector<256xf32>
      %broadcast_in_dim3A_54 = vector.shape_cast %reduce_sum3A_53 : vector<256xf32> to vector<1x256xf32>
      %div3A_55 = arith.constant 2.560000e+03 : f32
      %div3A_56 = vector.broadcast %div3A_55 : f32 to vector<1x256xf32>
      %div3A_57 = arith.divf %broadcast_in_dim3A_54, %div3A_56 : vector<1x256xf32>
      %sub3A_58 = vector.broadcast %div3A_57 : vector<1x256xf32> to vector<2560x256xf32>
      %sub3A_59 = arith.subf %get3A_45, %sub3A_58 : vector<2560x256xf32>
      %mul3A_60 = arith.mulf %sub3A_59, %sub3A_59 : vector<2560x256xf32>
      %reduce_sum3A_61 = arith.constant dense<0.000000e+00> : vector<256xf32>
      %reduce_sum3A_62 = vector.multi_reduction <add>, %mul3A_60, %reduce_sum3A_61 [0] : vector<2560x256xf32> to vector<256xf32>
      %broadcast_in_dim3A_63 = vector.shape_cast %reduce_sum3A_62 : vector<256xf32> to vector<1x256xf32>
      %div3A_64 = arith.constant 2.560000e+03 : f32
      %div3A_65 = vector.broadcast %div3A_64 : f32 to vector<1x256xf32>
      %div3A_66 = arith.divf %broadcast_in_dim3A_63, %div3A_65 : vector<1x256xf32>
      %add3A_67 = arith.constant 9.99999974E-6 : f32
      %add3A_68 = vector.broadcast %add3A_67 : f32 to vector<1x256xf32>
      %add3A_69 = arith.addf %div3A_66, %add3A_68 : vector<1x256xf32>
      %rsqrt3A = math.rsqrt %add3A_69 : vector<1x256xf32>
      %mul3A_70 = vector.broadcast %rsqrt3A : vector<1x256xf32> to vector<2560x256xf32>
      %mul3A_71 = arith.mulf %sub3A_59, %mul3A_70 : vector<2560x256xf32>
      %mul3A_72 = vector.broadcast %get3A_48 : vector<1x256xf32> to vector<2560x256xf32>
      %mul3A_73 = arith.mulf %mul3A_71, %mul3A_72 : vector<2560x256xf32>
      %add3A_74 = vector.broadcast %get3A_51 : vector<1x256xf32> to vector<2560x256xf32>
      %add3A_75 = arith.addf %mul3A_73, %add3A_74 : vector<2560x256xf32>
      %max3A = arith.constant 0.000000e+00 : f32
      %max3A_76 = vector.broadcast %max3A : f32 to vector<2560x256xf32>
      %max3A_77 = arith.maximumf %add3A_75, %max3A_76 : vector<2560x256xf32>
      %get3A_78 = arith.constant 0 : index
      %get3A_79 = arith.constant 0 : index
      %get3A_80 = vector.load %arg7[%get3A_78, %get3A_79] : memref<256x256xf32, #tpu.memory_space<vmem>>, vector<256x256xf32>
      %convert_element_type3A_81 = arith.truncf %max3A_77 : vector<2560x256xf32> to vector<2560x256xbf16>
      %convert_element_type3A_82 = arith.truncf %get3A_80 : vector<256x256xf32> to vector<256x256xbf16>
      %dot_general3A_83 = arith.constant dense<0.000000e+00> : vector<2560x256xf32>
      %dot_general3A_84 = tpu.matmul %convert_element_type3A_81, %convert_element_type3A_82, %dot_general3A_83 {dimension_numbers = #tpu.dot_dimension_numbers<[1], [0], [0], [1], [0, 0, 1, 1], [], []>, transpose_lhs_hint = false} : vector<2560x256xbf16>, vector<256x256xbf16>, vector<2560x256xf32> -> vector<2560x256xf32>
      %swap3A_85 = arith.constant 0 : index
      %swap3A_86 = arith.constant 0 : index
      %swap3A_87 = vector.load %arg10[%swap3A_85, %swap3A_86] : memref<2560x256xf32, #tpu.memory_space<vmem>>, vector<2560x256xf32>
      tpu.vector_store %arg10[%swap3A_85, %swap3A_86], %dot_general3A_84 {strides = array<i32>} : memref<2560x256xf32, #tpu.memory_space<vmem>>, vector<2560x256xf32>,
      %get3A_88 = arith.constant 0 : index
      %get3A_89 = arith.constant 0 : index
      %get3A_90 = vector.load %arg8[%get3A_88, %get3A_89] : memref<256x1xf32, #tpu.memory_space<vmem>>, vector<256x1xf32>
      %convert_element_type3A_91 = arith.truncf %dot_general3A_84 : vector<2560x256xf32> to vector<2560x256xbf16>
      %convert_element_type3A_92 = arith.extf %convert_element_type3A_91 : vector<2560x256xbf16> to vector<2560x256xf32>
      %sub3A_93 = arith.subf %dot_general3A_84, %convert_element_type3A_92 : vector<2560x256xf32>
      %convert_element_type3A_94 = arith.truncf %sub3A_93 : vector<2560x256xf32> to vector<2560x256xbf16>
      %convert_element_type3A_95 = arith.truncf %get3A_90 : vector<256x1xf32> to vector<256x1xbf16>
      %convert_element_type3A_96 = arith.extf %convert_element_type3A_95 : vector<256x1xbf16> to vector<256x1xf32>
      %sub3A_97 = arith.subf %get3A_90, %convert_element_type3A_96 : vector<256x1xf32>
      %convert_element_type3A_98 = arith.truncf %sub3A_97 : vector<256x1xf32> to vector<256x1xbf16>
      %dot_general3A_99 = arith.constant dense<0.000000e+00> : vector<2560x1xf32>
      %dot_general3A_100 = tpu.matmul %convert_element_type3A_91, %convert_element_type3A_95, %dot_general3A_99 {dimension_numbers = #tpu.dot_dimension_numbers<[1], [0], [0], [1], [0, 0, 1, 1], [], []>, transpose_lhs_hint = false} : vector<2560x256xbf16>, vector<256x1xbf16>, vector<2560x1xf32> -> vector<2560x1xf32>
      %dot_general3A_101 = arith.constant dense<0.000000e+00> : vector<2560x1xf32>
      %dot_general3A_102 = tpu.matmul %convert_element_type3A_91, %convert_element_type3A_98, %dot_general3A_101 {dimension_numbers = #tpu.dot_dimension_numbers<[1], [0], [0], [1], [0, 0, 1, 1], [], []>, transpose_lhs_hint = false} : vector<2560x256xbf16>, vector<256x1xbf16>, vector<2560x1xf32> -> vector<2560x1xf32>
      %dot_general3A_103 = arith.constant dense<0.000000e+00> : vector<2560x1xf32>
      %dot_general3A_104 = tpu.matmul %convert_element_type3A_94, %convert_element_type3A_95, %dot_general3A_103 {dimension_numbers = #tpu.dot_dimension_numbers<[1], [0], [0], [1], [0, 0, 1, 1], [], []>, transpose_lhs_hint = false} : vector<2560x256xbf16>, vector<256x1xbf16>, vector<2560x1xf32> -> vector<2560x1xf32>
      %add3A_105 = arith.addf %dot_general3A_102, %dot_general3A_104 : vector<2560x1xf32>
      %add3A_106 = arith.addf %dot_general3A_100, %add3A_105 : vector<2560x1xf32>
      %get3A_107 = arith.constant 0 : index
      %get3A_108 = arith.constant 0 : index
      %get3A_109 = vector.load %arg9[%get3A_107, %get3A_108] : memref<256x1xf32, #tpu.memory_space<vmem>>, vector<256x1xf32>
      %convert_element_type3A_110 = arith.truncf %dot_general3A_84 : vector<2560x256xf32> to vector<2560x256xbf16>
      %convert_element_type3A_111 = arith.extf %convert_element_type3A_110 : vector<2560x256xbf16> to vector<2560x256xf32>
      %sub3A_112 = arith.subf %dot_general3A_84, %convert_element_type3A_111 : vector<2560x256xf32>
      %convert_element_type3A_113 = arith.truncf %sub3A_112 : vector<2560x256xf32> to vector<2560x256xbf16>
      %convert_element_type3A_114 = arith.truncf %get3A_109 : vector<256x1xf32> to vector<256x1xbf16>
      %convert_element_type3A_115 = arith.extf %convert_element_type3A_114 : vector<256x1xbf16> to vector<256x1xf32>
      %sub3A_116 = arith.subf %get3A_109, %convert_element_type3A_115 : vector<256x1xf32>
      %convert_element_type3A_117 = arith.truncf %sub3A_116 : vector<256x1xf32> to vector<256x1xbf16>
      %dot_general3A_118 = arith.constant dense<0.000000e+00> : vector<2560x1xf32>
      %dot_general3A_119 = tpu.matmul %convert_element_type3A_110, %convert_element_type3A_114, %dot_general3A_118 {dimension_numbers = #tpu.dot_dimension_numbers<[1], [0], [0], [1], [0, 0, 1, 1], [], []>, transpose_lhs_hint = false} : vector<2560x256xbf16>, vector<256x1xbf16>, vector<2560x1xf32> -> vector<2560x1xf32>
      %dot_general3A_120 = arith.constant dense<0.000000e+00> : vector<2560x1xf32>
      %dot_general3A_121 = tpu.matmul %convert_element_type3A_110, %convert_element_type3A_117, %dot_general3A_120 {dimension_numbers = #tpu.dot_dimension_numbers<[1], [0], [0], [1], [0, 0, 1, 1], [], []>, transpose_lhs_hint = false} : vector<2560x256xbf16>, vector<256x1xbf16>, vector<2560x1xf32> -> vector<2560x1xf32>
      %dot_general3A_122 = arith.constant dense<0.000000e+00> : vector<2560x1xf32>
      %dot_general3A_123 = tpu.matmul %convert_element_type3A_113, %convert_element_type3A_114, %dot_general3A_122 {dimension_numbers = #tpu.dot_dimension_numbers<[1], [0], [0], [1], [0, 0, 1, 1], [], []>, transpose_lhs_hint = false} : vector<2560x256xbf16>, vector<256x1xbf16>, vector<2560x1xf32> -> vector<2560x1xf32>
      %add3A_124 = arith.addf %dot_general3A_121, %dot_general3A_123 : vector<2560x1xf32>
      %add3A_125 = arith.addf %dot_general3A_119, %add3A_124 : vector<2560x1xf32>
      %swap3A_126 = arith.constant 0 : index
      %swap3A_127 = arith.constant 0 : index
      %swap3A_128 = vector.load %arg11[%swap3A_126, %swap3A_127] : memref<2560x1xf32, #tpu.memory_space<vmem>>, vector<2560x1xf32>
      tpu.vector_store %arg11[%swap3A_126, %swap3A_127], %add3A_106 {strides = array<i32>} : memref<2560x1xf32, #tpu.memory_space<vmem>>, vector<2560x1xf32>,
      %swap3A_129 = arith.constant 0 : index
      %swap3A_130 = arith.constant 0 : index
      %swap3A_131 = vector.load %arg12[%swap3A_129, %swap3A_130] : memref<2560x1xf32, #tpu.memory_space<vmem>>, vector<2560x1xf32>
      tpu.vector_store %arg12[%swap3A_129, %swap3A_130], %add3A_125 {strides = array<i32>} : memref<2560x1xf32, #tpu.memory_space<vmem>>, vector<2560x1xf32>,
      %reduce_max3A = vector.shape_cast %add3A_106 : vector<2560x1xf32> to vector<1x2560x1xf32>
      %reduce_max3A_132 = arith.constant dense<0xFF800000> : vector<1xf32>
      %reduce_max3A_133 = vector.multi_reduction <maximumf>, %reduce_max3A, %reduce_max3A_132 [1, 2] : vector<1x2560x1xf32> to vector<1xf32>
      %reduce_max3A_134 = vector.shape_cast %reduce_max3A_133 : vector<1xf32> to vector<1x1x1xf32>
      %reduce_max3A_135 = vector.extract %reduce_max3A_134[0, 0, 0] : f32 from vector<1x1x1xf32>
      %broadcast_in_dim3A_136 = vector.broadcast %reduce_max3A_135 : f32 to vector<1x1xf32>
      %swap3A_137 = arith.constant 0 : index
      %swap3A_138 = arith.constant 0 : index
      %swap3A_139 = vector.load %arg13[%swap3A_137, %swap3A_138] : memref<1x1xf32, #tpu.memory_space<vmem>>, vector<1x1xf32>
      tpu.vector_store %arg13[%swap3A_137, %swap3A_138], %broadcast_in_dim3A_136 {strides = array<i32>} : memref<1x1xf32, #tpu.memory_space<vmem>>, vector<1x1xf32>,
      %add3A_140 = vector.broadcast %reduce_max3A_135 : f32 to vector<2560x1xf32>
      %add3A_141 = arith.addf %add3A_140, %add3A_125 : vector<2560x1xf32>
      %mul3A_142 = arith.constant 2.000000e-01 : f32
      %mul3A_143 = vector.broadcast %mul3A_142 : f32 to vector<2560x1xf32>
      %mul3A_144 = arith.mulf %mul3A_143, %add3A_141 : vector<2560x1xf32>
      %max3A_145 = arith.maximumf %add3A_141, %mul3A_144 : vector<2560x1xf32>
      %add3A_146 = arith.addf %add3A_106, %add3A_125 : vector<2560x1xf32>
      %mul3A_147 = arith.constant 2.000000e-01 : f32
      %mul3A_148 = vector.broadcast %mul3A_147 : f32 to vector<2560x1xf32>
      %mul3A_149 = arith.mulf %mul3A_148, %add3A_146 : vector<2560x1xf32>
      %max3A_150 = arith.maximumf %add3A_146, %mul3A_149 : vector<2560x1xf32>
      %sub3A_151 = arith.subf %max3A_150, %max3A_145 : vector<2560x1xf32>
      %exp3A = math.exp %sub3A_151 : vector<2560x1xf32>
      %swap3A_152 = arith.constant 0 : index
      %swap3A_153 = arith.constant 0 : index
      %swap3A_154 = vector.load %arg14[%swap3A_152, %swap3A_153] : memref<2560x1xf32, #tpu.memory_space<vmem>>, vector<2560x1xf32>
      tpu.vector_store %arg14[%swap3A_152, %swap3A_153], %exp3A {strides = array<i32>} : memref<2560x1xf32, #tpu.memory_space<vmem>>, vector<2560x1xf32>,
    } else {
    }
    return
  }
  func.func @transform_0(%arg0: i32) -> (i32, i32) {
    %c0_i32 = arith.constant 0 : i32
    %c0_i32_0 = arith.constant 0 : i32
    return %arg0, %c0_i32 : i32, i32
  }
  func.func @transform_1(%arg0: i32) -> (i32, i32) {
    %c0_i32 = arith.constant 0 : i32
    %c0_i32_0 = arith.constant 0 : i32
    %c0_i32_1 = arith.constant 0 : i32
    return %c0_i32, %c0_i32_0 : i32, i32
  }
  func.func @transform_2(%arg0: i32) -> (i32, i32) {
    %c0_i32 = arith.constant 0 : i32
    %c0_i32_0 = arith.constant 0 : i32
    %c0_i32_1 = arith.constant 0 : i32
    return %c0_i32, %c0_i32_0 : i32, i32
  }
  func.func @transform_3(%arg0: i32) -> (i32, i32) {
    %c0_i32 = arith.constant 0 : i32
    %c0_i32_0 = arith.constant 0 : i32
    %c0_i32_1 = arith.constant 0 : i32
    return %c0_i32, %c0_i32_0 : i32, i32
  }
  func.func @transform_4(%arg0: i32) -> (i32, i32) {
    %c0_i32 = arith.constant 0 : i32
    %c0_i32_0 = arith.constant 0 : i32
    %c0_i32_1 = arith.constant 0 : i32
    return %c0_i32, %c0_i32_0 : i32, i32
  }
  func.func @transform_5(%arg0: i32) -> (i32, i32) {
    %c0_i32 = arith.constant 0 : i32
    %c0_i32_0 = arith.constant 0 : i32
    %c0_i32_1 = arith.constant 0 : i32
    return %c0_i32, %c0_i32_0 : i32, i32
  }
  func.func @transform_6(%arg0: i32) -> (i32, i32) {
    %c0_i32 = arith.constant 0 : i32
    %c0_i32_0 = arith.constant 0 : i32
    %c0_i32_1 = arith.constant 0 : i32
    return %c0_i32, %c0_i32_0 : i32, i32
  }
  func.func @transform_7(%arg0: i32) -> (i32, i32) {
    %c0_i32 = arith.constant 0 : i32
    %c0_i32_0 = arith.constant 0 : i32
    %c0_i32_1 = arith.constant 0 : i32
    return %c0_i32, %c0_i32_0 : i32, i32
  }
  func.func @transform_8(%arg0: i32) -> (i32, i32) {
    %c0_i32 = arith.constant 0 : i32
    %c0_i32_0 = arith.constant 0 : i32
    %c0_i32_1 = arith.constant 0 : i32
    return %c0_i32, %c0_i32_0 : i32, i32
  }
  func.func @transform_9(%arg0: i32) -> (i32, i32) {
    %c0_i32 = arith.constant 0 : i32
    %c0_i32_0 = arith.constant 0 : i32
    %c0_i32_1 = arith.constant 0 : i32
    return %c0_i32, %c0_i32_0 : i32, i32
  }
  func.func @transform_10(%arg0: i32) -> (i32, i32) {
    %c0_i32 = arith.constant 0 : i32
    %c0_i32_0 = arith.constant 0 : i32
    %c0_i32_1 = arith.constant 0 : i32
    return %c0_i32, %c0_i32_0 : i32, i32
  }
  func.func @transform_11(%arg0: i32) -> (i32, i32) {
    %c0_i32 = arith.constant 0 : i32
    %c0_i32_0 = arith.constant 0 : i32
    %c0_i32_1 = arith.constant 0 : i32
    return %c0_i32, %c0_i32_0 : i32, i32
  }
  func.func @transform_12(%arg0: i32) -> (i32, i32) {
    %c0_i32 = arith.constant 0 : i32
    %c0_i32_0 = arith.constant 0 : i32
    %c0_i32_1 = arith.constant 0 : i32
    return %c0_i32, %c0_i32_0 : i32, i32
  }
  func.func @transform_13(%arg0: i32) -> (i32, i32) {
    %c0_i32 = arith.constant 0 : i32
    %c0_i32_0 = arith.constant 0 : i32
    %c0_i32_1 = arith.constant 0 : i32
    return %c0_i32, %c0_i32_0 : i32, i32
  }
}

module attributes {stable_mosaic.version = 14 : i64} {
  func.func @_midpost_body(%arg0: i32, %arg1: memref<320x2560xf32, #tpu.memory_space<vmem>>, %arg2: memref<2560x256xf32, #tpu.memory_space<vmem>>, %arg3: memref<2560x1xf32, #tpu.memory_space<vmem>>, %arg4: memref<1x256xf32, #tpu.memory_space<vmem>>, %arg5: memref<1x256xf32, #tpu.memory_space<vmem>>, %arg6: memref<1x256xf32, #tpu.memory_space<vmem>>, %arg7: memref<256x2xf32, #tpu.memory_space<vmem>>, %arg8: memref<1x2xf32, #tpu.memory_space<vmem>>, %arg9: memref<2560x1xf32, #tpu.memory_space<vmem>>, %arg10: memref<2560x2xf32, #tpu.memory_space<vmem>>, %arg11: memref<2560x256xf32, #tpu.memory_space<vmem>>) attributes {dimension_semantics = [#tpu.dimension_semantics<arbitrary>], iteration_bounds = array<i64: 8>, scalar_prefetch = 0 : i64, scratch_operands = 1 : i64, tpu.core_type = #tpu.core_type<tc>, window_params = [{transform_indices = @transform_0, window_bounds = array<i64: 320, 2560>}, {pipeline_mode = #tpu.pipeline_mode<synchronous>, transform_indices = @transform_1, window_bounds = array<i64: 2560, 256>}, {pipeline_mode = #tpu.pipeline_mode<synchronous>, transform_indices = @transform_2, window_bounds = array<i64: 2560, 1>}, {pipeline_mode = #tpu.pipeline_mode<synchronous>, transform_indices = @transform_3, window_bounds = array<i64: 1, 256>}, {pipeline_mode = #tpu.pipeline_mode<synchronous>, transform_indices = @transform_4, window_bounds = array<i64: 1, 256>}, {pipeline_mode = #tpu.pipeline_mode<synchronous>, transform_indices = @transform_5, window_bounds = array<i64: 1, 256>}, {pipeline_mode = #tpu.pipeline_mode<synchronous>, transform_indices = @transform_6, window_bounds = array<i64: 256, 2>}, {pipeline_mode = #tpu.pipeline_mode<synchronous>, transform_indices = @transform_7, window_bounds = array<i64: 1, 2>}, {pipeline_mode = #tpu.pipeline_mode<synchronous>, transform_indices = @transform_8, window_bounds = array<i64: 2560, 1>}, {pipeline_mode = #tpu.pipeline_mode<synchronous>, transform_indices = @transform_9, window_bounds = array<i64: 2560, 2>}]} {
    %get3A = arith.constant 0 : index
    %get3A_0 = arith.constant 0 : index
    %get3A_1 = vector.load %arg1[%get3A, %get3A_0] : memref<320x2560xf32, #tpu.memory_space<vmem>>, vector<320x2560xf32>
    %get3A_2 = arith.constant 0 : index
    %get3A_3 = arith.constant 0 : index
    %get3A_4 = vector.load %arg2[%get3A_2, %get3A_3] : memref<2560x256xf32, #tpu.memory_space<vmem>>, vector<2560x256xf32>
    %convert_element_type3A = arith.truncf %get3A_1 : vector<320x2560xf32> to vector<320x2560xbf16>
    %convert_element_type3A_5 = arith.extf %convert_element_type3A : vector<320x2560xbf16> to vector<320x2560xf32>
    %sub3A = arith.subf %get3A_1, %convert_element_type3A_5 : vector<320x2560xf32>
    %convert_element_type3A_6 = arith.truncf %sub3A : vector<320x2560xf32> to vector<320x2560xbf16>
    %convert_element_type3A_7 = arith.truncf %get3A_4 : vector<2560x256xf32> to vector<2560x256xbf16>
    %convert_element_type3A_8 = arith.extf %convert_element_type3A_7 : vector<2560x256xbf16> to vector<2560x256xf32>
    %sub3A_9 = arith.subf %get3A_4, %convert_element_type3A_8 : vector<2560x256xf32>
    %convert_element_type3A_10 = arith.truncf %sub3A_9 : vector<2560x256xf32> to vector<2560x256xbf16>
    %dot_general3A = arith.constant dense<0.000000e+00> : vector<320x256xf32>
    %dot_general3A_11 = tpu.matmul %convert_element_type3A, %convert_element_type3A_7, %dot_general3A {dimension_numbers = #tpu.dot_dimension_numbers<[1], [0], [0], [1], [0, 0, 1, 1], [], []>, transpose_lhs_hint = false} : vector<320x2560xbf16>, vector<2560x256xbf16>, vector<320x256xf32> -> vector<320x256xf32>
    %dot_general3A_12 = arith.constant dense<0.000000e+00> : vector<320x256xf32>
    %dot_general3A_13 = tpu.matmul %convert_element_type3A, %convert_element_type3A_10, %dot_general3A_12 {dimension_numbers = #tpu.dot_dimension_numbers<[1], [0], [0], [1], [0, 0, 1, 1], [], []>, transpose_lhs_hint = false} : vector<320x2560xbf16>, vector<2560x256xbf16>, vector<320x256xf32> -> vector<320x256xf32>
    %dot_general3A_14 = arith.constant dense<0.000000e+00> : vector<320x256xf32>
    %dot_general3A_15 = tpu.matmul %convert_element_type3A_6, %convert_element_type3A_7, %dot_general3A_14 {dimension_numbers = #tpu.dot_dimension_numbers<[1], [0], [0], [1], [0, 0, 1, 1], [], []>, transpose_lhs_hint = false} : vector<320x2560xbf16>, vector<2560x256xbf16>, vector<320x256xf32> -> vector<320x256xf32>
    %add3A = arith.addf %dot_general3A_13, %dot_general3A_15 : vector<320x256xf32>
    %add3A_16 = arith.addf %dot_general3A_11, %add3A : vector<320x256xf32>
    %mul3A = arith.constant 320 : i32
    %mul3A_17 = arith.muli %arg0, %mul3A : i32
    %get3A_18 = arith.index_cast %mul3A_17 : i32 to index
    %get3A_19 = arith.constant 0 : index
    %get3A_20 = vector.load %arg3[%get3A_18, %get3A_19] : memref<2560x1xf32, #tpu.memory_space<vmem>>, vector<320x1xf32>
    %reduce_sum3A = arith.constant dense<0.000000e+00> : vector<320xf32>
    %reduce_sum3A_21 = vector.multi_reduction <add>, %get3A_1, %reduce_sum3A [1] : vector<320x2560xf32> to vector<320xf32>
    %broadcast_in_dim3A = vector.shape_cast %reduce_sum3A_21 : vector<320xf32> to vector<320x1xf32>
    %add3A_22 = arith.addf %broadcast_in_dim3A, %get3A_20 : vector<320x1xf32>
    %add3A_23 = arith.constant 1.000000e-16 : f32
    %add3A_24 = vector.broadcast %add3A_23 : f32 to vector<320x1xf32>
    %add3A_25 = arith.addf %add3A_22, %add3A_24 : vector<320x1xf32>
    %get3A_26 = arith.index_cast %mul3A_17 : i32 to index
    %get3A_27 = arith.constant 0 : index
    %get3A_28 = vector.load %arg2[%get3A_26, %get3A_27] : memref<2560x256xf32, #tpu.memory_space<vmem>>, vector<320x256xf32>
    %mul3A_29 = vector.broadcast %get3A_20 : vector<320x1xf32> to vector<320x256xf32>
    %mul3A_30 = arith.mulf %mul3A_29, %get3A_28 : vector<320x256xf32>
    %add3A_31 = arith.addf %add3A_16, %mul3A_30 : vector<320x256xf32>
    %div3A = vector.broadcast %add3A_25 : vector<320x1xf32> to vector<320x256xf32>
    %div3A_32 = arith.divf %add3A_31, %div3A : vector<320x256xf32>
    %get3A_33 = arith.constant 0 : index
    %get3A_34 = arith.constant 0 : index
    %get3A_35 = vector.load %arg4[%get3A_33, %get3A_34] : memref<1x256xf32, #tpu.memory_space<vmem>>, vector<1x256xf32>
    %add3A_36 = vector.broadcast %get3A_35 : vector<1x256xf32> to vector<320x256xf32>
    %add3A_37 = arith.addf %div3A_32, %add3A_36 : vector<320x256xf32>
    %swap3A = arith.index_cast %mul3A_17 : i32 to index
    %swap3A_38 = arith.constant 0 : index
    %swap3A_39 = vector.load %arg11[%swap3A, %swap3A_38] : memref<2560x256xf32, #tpu.memory_space<vmem>>, vector<320x256xf32>
    tpu.vector_store %arg11[%swap3A, %swap3A_38], %add3A_37 {strides = array<i32>} : memref<2560x256xf32, #tpu.memory_space<vmem>>, vector<320x256xf32>,
    %eq3A = arith.constant 7 : i32
    %eq3A_40 = arith.cmpi eq, %arg0, %eq3A : i32
    %convert_element_type3A_41 = arith.extui %eq3A_40 : i1 to i32
    %cond3A = arith.constant 0 : i32
    %cond3A_42 = arith.cmpi ne, %convert_element_type3A_41, %cond3A : i32
    scf.if %cond3A_42 {
      %get3A_43 = arith.constant 0 : index
      %get3A_44 = arith.constant 0 : index
      %get3A_45 = vector.load %arg11[%get3A_43, %get3A_44] : memref<2560x256xf32, #tpu.memory_space<vmem>>, vector<2560x256xf32>
      %get3A_46 = arith.constant 0 : index
      %get3A_47 = arith.constant 0 : index
      %get3A_48 = vector.load %arg5[%get3A_46, %get3A_47] : memref<1x256xf32, #tpu.memory_space<vmem>>, vector<1x256xf32>
      %get3A_49 = arith.constant 0 : index
      %get3A_50 = arith.constant 0 : index
      %get3A_51 = vector.load %arg6[%get3A_49, %get3A_50] : memref<1x256xf32, #tpu.memory_space<vmem>>, vector<1x256xf32>
      %reduce_sum3A_52 = arith.constant dense<0.000000e+00> : vector<256xf32>
      %reduce_sum3A_53 = vector.multi_reduction <add>, %get3A_45, %reduce_sum3A_52 [0] : vector<2560x256xf32> to vector<256xf32>
      %broadcast_in_dim3A_54 = vector.shape_cast %reduce_sum3A_53 : vector<256xf32> to vector<1x256xf32>
      %div3A_55 = arith.constant 2.560000e+03 : f32
      %div3A_56 = vector.broadcast %div3A_55 : f32 to vector<1x256xf32>
      %div3A_57 = arith.divf %broadcast_in_dim3A_54, %div3A_56 : vector<1x256xf32>
      %sub3A_58 = vector.broadcast %div3A_57 : vector<1x256xf32> to vector<2560x256xf32>
      %sub3A_59 = arith.subf %get3A_45, %sub3A_58 : vector<2560x256xf32>
      %mul3A_60 = arith.mulf %sub3A_59, %sub3A_59 : vector<2560x256xf32>
      %reduce_sum3A_61 = arith.constant dense<0.000000e+00> : vector<256xf32>
      %reduce_sum3A_62 = vector.multi_reduction <add>, %mul3A_60, %reduce_sum3A_61 [0] : vector<2560x256xf32> to vector<256xf32>
      %broadcast_in_dim3A_63 = vector.shape_cast %reduce_sum3A_62 : vector<256xf32> to vector<1x256xf32>
      %div3A_64 = arith.constant 2.560000e+03 : f32
      %div3A_65 = vector.broadcast %div3A_64 : f32 to vector<1x256xf32>
      %div3A_66 = arith.divf %broadcast_in_dim3A_63, %div3A_65 : vector<1x256xf32>
      %add3A_67 = arith.constant 9.99999974E-6 : f32
      %add3A_68 = vector.broadcast %add3A_67 : f32 to vector<1x256xf32>
      %add3A_69 = arith.addf %div3A_66, %add3A_68 : vector<1x256xf32>
      %rsqrt3A = math.rsqrt %add3A_69 : vector<1x256xf32>
      %mul3A_70 = vector.broadcast %rsqrt3A : vector<1x256xf32> to vector<2560x256xf32>
      %mul3A_71 = arith.mulf %sub3A_59, %mul3A_70 : vector<2560x256xf32>
      %mul3A_72 = vector.broadcast %get3A_48 : vector<1x256xf32> to vector<2560x256xf32>
      %mul3A_73 = arith.mulf %mul3A_71, %mul3A_72 : vector<2560x256xf32>
      %add3A_74 = vector.broadcast %get3A_51 : vector<1x256xf32> to vector<2560x256xf32>
      %add3A_75 = arith.addf %mul3A_73, %add3A_74 : vector<2560x256xf32>
      %max3A = arith.constant 0.000000e+00 : f32
      %max3A_76 = vector.broadcast %max3A : f32 to vector<2560x256xf32>
      %max3A_77 = arith.maximumf %add3A_75, %max3A_76 : vector<2560x256xf32>
      %get3A_78 = arith.constant 0 : index
      %get3A_79 = arith.constant 0 : index
      %get3A_80 = vector.load %arg7[%get3A_78, %get3A_79] : memref<256x2xf32, #tpu.memory_space<vmem>>, vector<256x2xf32>
      %convert_element_type3A_81 = arith.truncf %max3A_77 : vector<2560x256xf32> to vector<2560x256xbf16>
      %convert_element_type3A_82 = arith.truncf %get3A_80 : vector<256x2xf32> to vector<256x2xbf16>
      %dot_general3A_83 = arith.constant dense<0.000000e+00> : vector<2560x2xf32>
      %dot_general3A_84 = tpu.matmul %convert_element_type3A_81, %convert_element_type3A_82, %dot_general3A_83 {dimension_numbers = #tpu.dot_dimension_numbers<[1], [0], [0], [1], [0, 0, 1, 1], [], []>, transpose_lhs_hint = false} : vector<2560x256xbf16>, vector<256x2xbf16>, vector<2560x2xf32> -> vector<2560x2xf32>
      %get3A_85 = arith.constant 0 : index
      %get3A_86 = arith.constant 0 : index
      %get3A_87 = vector.load %arg8[%get3A_85, %get3A_86] : memref<1x2xf32, #tpu.memory_space<vmem>>, vector<1x2xf32>
      %add3A_88 = vector.broadcast %get3A_87 : vector<1x2xf32> to vector<2560x2xf32>
      %add3A_89 = arith.addf %dot_general3A_84, %add3A_88 : vector<2560x2xf32>
      %get3A_90 = arith.constant 0 : index
      %get3A_91 = arith.constant 0 : index
      %get3A_92 = vector.load %arg9[%get3A_90, %get3A_91] : memref<2560x1xf32, #tpu.memory_space<vmem>>, vector<2560x1xf32>
      %mul3A_93 = vector.broadcast %get3A_92 : vector<2560x1xf32> to vector<2560x2xf32>
      %mul3A_94 = arith.mulf %add3A_89, %mul3A_93 : vector<2560x2xf32>
      %swap3A_95 = arith.constant 0 : index
      %swap3A_96 = arith.constant 0 : index
      %swap3A_97 = vector.load %arg10[%swap3A_95, %swap3A_96] : memref<2560x2xf32, #tpu.memory_space<vmem>>, vector<2560x2xf32>
      tpu.vector_store %arg10[%swap3A_95, %swap3A_96], %mul3A_94 {strides = array<i32>} : memref<2560x2xf32, #tpu.memory_space<vmem>>, vector<2560x2xf32>,
    } else {
    }
    return
  }
  func.func @transform_0(%arg0: i32) -> (i32, i32) {
    %c0_i32 = arith.constant 0 : i32
    %c0_i32_0 = arith.constant 0 : i32
    return %arg0, %c0_i32 : i32, i32
  }
  func.func @transform_1(%arg0: i32) -> (i32, i32) {
    %c0_i32 = arith.constant 0 : i32
    %c0_i32_0 = arith.constant 0 : i32
    %c0_i32_1 = arith.constant 0 : i32
    return %c0_i32, %c0_i32_0 : i32, i32
  }
  func.func @transform_2(%arg0: i32) -> (i32, i32) {
    %c0_i32 = arith.constant 0 : i32
    %c0_i32_0 = arith.constant 0 : i32
    %c0_i32_1 = arith.constant 0 : i32
    return %c0_i32, %c0_i32_0 : i32, i32
  }
  func.func @transform_3(%arg0: i32) -> (i32, i32) {
    %c0_i32 = arith.constant 0 : i32
    %c0_i32_0 = arith.constant 0 : i32
    %c0_i32_1 = arith.constant 0 : i32
    return %c0_i32, %c0_i32_0 : i32, i32
  }
  func.func @transform_4(%arg0: i32) -> (i32, i32) {
    %c0_i32 = arith.constant 0 : i32
    %c0_i32_0 = arith.constant 0 : i32
    %c0_i32_1 = arith.constant 0 : i32
    return %c0_i32, %c0_i32_0 : i32, i32
  }
  func.func @transform_5(%arg0: i32) -> (i32, i32) {
    %c0_i32 = arith.constant 0 : i32
    %c0_i32_0 = arith.constant 0 : i32
    %c0_i32_1 = arith.constant 0 : i32
    return %c0_i32, %c0_i32_0 : i32, i32
  }
  func.func @transform_6(%arg0: i32) -> (i32, i32) {
    %c0_i32 = arith.constant 0 : i32
    %c0_i32_0 = arith.constant 0 : i32
    %c0_i32_1 = arith.constant 0 : i32
    return %c0_i32, %c0_i32_0 : i32, i32
  }
  func.func @transform_7(%arg0: i32) -> (i32, i32) {
    %c0_i32 = arith.constant 0 : i32
    %c0_i32_0 = arith.constant 0 : i32
    %c0_i32_1 = arith.constant 0 : i32
    return %c0_i32, %c0_i32_0 : i32, i32
  }
  func.func @transform_8(%arg0: i32) -> (i32, i32) {
    %c0_i32 = arith.constant 0 : i32
    %c0_i32_0 = arith.constant 0 : i32
    %c0_i32_1 = arith.constant 0 : i32
    return %c0_i32, %c0_i32_0 : i32, i32
  }
  func.func @transform_9(%arg0: i32) -> (i32, i32) {
    %c0_i32 = arith.constant 0 : i32
    %c0_i32_0 = arith.constant 0 : i32
    %c0_i32_1 = arith.constant 0 : i32
    return %c0_i32, %c0_i32_0 : i32, i32
  }
}

</mosaic_0001>

<sc_bundles>
// kernel: kernel.10.cloned.1.call-start
scs
__scs_entry_jumppad:
0x0: {  	(pc) =	sbr.rel $0x88, $3  }
0x1: {  	(tag) =	ssettag $0x0;
	lr =	simm.s32 $0x1  }
0x2: {  	[smem:$0x3F90] =	sst lr;
	_ =	strace $0xD0000000  }
0x3: {  	_ = 	snop  }
0x4: {  	_ = 	snop  }
0x5: {  	_ = 	snop  }
0x6: {  	_ = 	snop  }
0x7: {  	_ = 	snop  }
__scs_overlays_trampoline_lowered:
0x8: {  	[smem:$0x3F9F] =	sst s0  }
0x9: {  	[smem:$0x3FA0] =	sst s1  }
0xa: {  	[smem:$0x3FA1] =	sst s2  }
0xb: {  	[smem:$0x3FA2] =	sst s3  }
0xc: {  	[smem:$0x3FA3] =	sst s4  }
0xd: {  	[smem:$0x3FA4] =	sst s5  }
0xe: {  	[smem:$0x3FA5] =	sst s6  }
0xf: {  	[smem:$0x3FA6] =	sst s7  }
0x10: {  	[smem:$0x3FA7] =	sst s8  }
0x11: {  	[smem:$0x3FA8] =	sst s9;
	s0 =	simm.s32 @!p0 $0x0  }
0x12: {  	s1 =	sld [smem:$0x3F8E];
	s0 =	simm.s32 @p0 $0x1  }
0x13: {  	[smem:$0x3FA9] =	sst s0;
	s0 =	simm.s32 @!p1 $0x0  }
0x14: {  	s2 =	sld [smem:$0x3F8D];
	s0 =	simm.s32 @p1 $0x1  }
0x15: {  	[smem:$0x3FAA] =	sst s0;
	s0 =	simm.s32 @!p2 $0x0  }
0x16: {  	s3 =	sld [smem:$0x3FDB];
	s0 =	simm.s32 @p2 $0x1  }
0x17: {  	s4 =	simm.s32 $0x1BF5;
	[smem:$0x3FAC] =	sst s0  }
0x18: {  	s0 =	sld [smem:$0x3F8F];
	_ =	swait.ge [sflag:s4], $0x0  }
0x19: {  	s7 =	sld [smem:$0x3F90]  }
0x1a: {  	s8 =	sadd.s32 $0xFFFFE003, lr  }
0x1b: {  	s9 =	sadd.s32 $0xFFFFFEF7, lr;
	s5 =	simm.s32 $0xFFFFFFFF;
	p2 =	slt.u32 s8, $0xFFFFF086  }
0x1c: {  	p1 =	slt.u32 s9, $0xF7A;
	s5 =	simm.s32 @!p2 $0x0  }
0x1d: {  	s5 =	simm.s32 @p1 $0x1;
	p0 =	seq.s32 s7, s2  }
0x1e: {  	s7 =	smul.u32 @!p0 $0xF7A, s2;
	p2 =	seq.s32 @!p0 s5, $0x0  }
0x1f: {  	s9 =	smul.u32 $0xF7A, s1;
	s8 =	simm.s32 @!p0 $0x1BF5;
	p2 =	por !p2, p0  }
0x20: {  	[sflag:s8] =	ssyncset.s32 @!p0 $0xFFFFF086;
	s6 =	sadd.s32 @!p0 s3, s7;
	s7 =	simm.s32 @!p0 $0x108  }
0x21: {  	s3 =	sadd.s32 s3, s9;
	s6 =	sadd.s32 @!p0 $0x88, s6;
	s7 =	simm.s32 @p2 $0x1082  }
0x22: {  	[simem:s7], [sflag:s8] =	dma.local @!p0 [hbm:s6], $0xF7A  }
0x23: {  	s9 =	sor.u32 $0xD0000000, s2;
	s6 =	simm.s32 $0x108;
	_ =	swait.ge @!p0 [sflag:s8], $0x0  }
0x24: {  	s3 =	sadd.s32 $0x88, s3;
	s6 =	simm.s32 @!p1 $0x1082;
	[sflag:s4] =	ssyncset.s32 $0xFFFFF086  }
0x25: {  	[simem:s6], [sflag:s4] =	dma.local [hbm:s3], $0xF7A  }
0x26: {  	[smem:$0x3F90] =	sst s1;
	(tag) =	ssettag s2;
	_ =	strace s9  }
0x27: {  	s1 =	sld [smem:$0x3FA0]  }
0x28: {  	s2 =	sld [smem:$0x3FA1]  }
0x29: {  	s4 =	sld [smem:$0x3FA3]  }
0x2a: {  	p0 =	seq.s32 s5, $0x0;
	s5 =	sld [smem:$0x3FA4]  }
0x2b: {  	s6 =	sld [smem:$0x3FA5]  }
0x2c: {  	s7 =	sld [smem:$0x3FA6]  }
0x2d: {  	s3 =	simm.s32 $0x108;
	s8 =	sld [smem:$0x3FA7]  }
0x2e: {  	s3 =	simm.s32 @!p0 $0x1082;
	s9 =	sld [smem:$0x3FA8]  }
0x2f: {  	lr =	sadd.s32 s0, s3;
	s0 =	sld [smem:$0x3F9F]  }
0x30: {  	s3 =	sld [smem:$0x3FA2]  }
0x31: {  	[smem:$0x3FAB] =	sst s10  }
0x32: {  	s10 =	sld [smem:$0x3FA9];
	_ =	sdelay $0x3  }
0x33: {  	p0 =	seq.s32 s10, $0x1;
	s10 =	sld [smem:$0x3FAB];
	_ =	sdelay $0x3  }
0x34: {  	[smem:$0x3FAB] =	sst s10  }
0x35: {  	s10 =	sld [smem:$0x3FAA];
	_ =	sdelay $0x3  }
0x36: {  	p1 =	seq.s32 s10, $0x1;
	s10 =	sld [smem:$0x3FAB];
	_ =	sdelay $0x3  }
0x37: {  	[smem:$0x3FAB] =	sst s10  }
0x38: {  	s10 =	sld [smem:$0x3FAC]  }
0x39: {  	_ = 	snop;
	(pc) =	sbr.ind lr, $3  }
0x3a: {  	_ = 	snop  }
0x3b: {  	_ = 	snop  }
0x3c: {  	p2 =	seq.s32 s10, $0x1;
	s10 =	sld [smem:$0x3FAB]  }
0x3d: {  	_ =	shalt  }
0x3e: {  	_ =	shalt  }
0x3f: {  	_ =	shalt  }
0x40: {  	_ =	shalt  }
0x41: {  	_ =	shalt  }
0x42: {  	_ =	shalt  }
0x43: {  	_ =	shalt  }
0x44: {  	_ =	shalt  }
0x45: {  	_ =	shalt  }
0x46: {  	_ =	shalt  }
0x47: {  	_ =	shalt  }
0x48: {  	_ =	shalt  }
0x49: {  	_ =	shalt  }
0x4a: {  	_ =	shalt  }
0x4b: {  	_ =	shalt  }
0x4c: {  	_ =	shalt  }
0x4d: {  	_ =	shalt  }
0x4e: {  	_ =	shalt  }
0x4f: {  	_ =	shalt  }
0x50: {  	_ =	shalt  }
0x51: {  	_ =	shalt  }
0x52: {  	_ =	shalt  }
0x53: {  	_ =	shalt  }
0x54: {  	_ =	shalt  }
0x55: {  	_ =	shalt  }
0x56: {  	_ =	shalt  }
0x57: {  	_ =	shalt  }
0x58: {  	_ =	shalt  }
0x59: {  	_ =	shalt  }
0x5a: {  	_ =	shalt  }
0x5b: {  	_ =	shalt  }
0x5c: {  	_ =	shalt  }
0x5d: {  	_ =	shalt  }
0x5e: {  	_ =	shalt  }
0x5f: {  	_ =	shalt  }
0x60: {  	_ =	shalt  }
0x61: {  	_ =	shalt  }
0x62: {  	_ =	shalt  }
0x63: {  	_ =	shalt  }
0x64: {  	_ =	shalt  }
0x65: {  	_ =	shalt  }
0x66: {  	_ =	shalt  }
0x67: {  	_ =	shalt  }
0x68: {  	_ =	shalt  }
0x69: {  	_ =	shalt  }
0x6a: {  	_ =	shalt  }
0x6b: {  	_ =	shalt  }
0x6c: {  	_ =	shalt  }
0x6d: {  	_ =	shalt  }
0x6e: {  	_ =	shalt  }
0x6f: {  	_ =	shalt  }
0x70: {  	_ =	shalt  }
0x71: {  	_ =	shalt  }
0x72: {  	_ =	shalt  }
0x73: {  	_ =	shalt  }
0x74: {  	_ =	shalt  }
0x75: {  	_ =	shalt  }
0x76: {  	_ =	shalt  }
0x77: {  	_ =	shalt  }
0x78: {  	_ =	shalt  }
0x79: {  	_ =	shalt  }
0x7a: {  	_ =	shalt  }
0x7b: {  	_ =	shalt  }
0x7c: {  	_ =	shalt  }
0x7d: {  	_ =	shalt  }
0x7e: {  	_ =	shalt  }
0x7f: {  	_ =	shalt  }
0x80: {  	_ =	shalt  }
0x81: {  	_ =	shalt  }
0x82: {  	_ =	shalt  }
0x83: {  	_ =	shalt  }
0x84: {  	_ =	shalt  }
0x85: {  	_ =	shalt  }
0x86: {  	_ =	shalt  }
0x87: {  	_ =	shalt  }
.Lfunc_end0:
.L_simem_size_0:
called_computation.1_lowered:
.L_overlay_start_0:
0x88: {  	s2 =	sld [smem:$0x3FD9]  }
0x89: {  	s3 =	sld [smem:$0x3FFE];
	_ =	sdelay $0x1  }
0x8a: {  	s1 =	srdreg.scid  }
0x8b: {  	s0 =	sand.u32 $0x1, s1  }
0x8c: {  	s17 =	sshll.u32 s0, $0xA;
	s2 =	sadd.s32 s3, s2  }
0x8d: {  	s2 =	sadd.s32 s2, s17  }
0x8e: {  	[smem:$0x3FB7] =	sst s2  }
0x8f: {  	_ = 	snop  }
0x90: {  	s2 =	sld [smem:$0x3FD0];
	(tm) =	ssettm $0x1  }
0x91: {  	s18 =	sld [smem:$0x3FFB];
	_ =	sdelay $0x3  }
0x92: {  	_ =	strace s18  }
0x93: {  	s3 =	sld [smem:$0x3FFC];
	_ =	sdelay $0x3  }
0x94: {  	_ =	strace s3  }
0x95: {  	s3 =	sld [smem:$0x3FFD];
	_ =	sdelay $0x3  }
0x96: {  	_ =	strace s3  }
0x97: {  	_ =	strace $0x8FFFFFFF  }
0x98: {  	s19 =	sld [smem:$0x3FDB];
	_ =	sdelay $0x1  }
0x99: {  	s4 =	simm.s32 $_scs_section_size  }
0x9a: {  	s5 =	simm.s32 $_size__tile_overlayer_lowered;
	s6 =	simm.s32 $_tile_overlayer_lowered  }
0x9b: {  	s22 =	simm.s32 $0x1BFF;
	s21 =	sshll.u32 s6, $0x1;
	s3 =	sadd.s32 s4, s19  }
0x9c: {  	s7 =	simm.s32 $0x0;
	s20 =	sshll.u32 s5, $0x1;
	s5 =	sadd.s32 s21, s3  }
0x9d: {  	[timem:s7], [sflag:s22] =	dma.local [hbm:s5], s20  }
0x9e: {  	_ =	swait.ge [sflag:s22], s20  }
0x9f: {  	s4 =	ssub.s32 $0x0, s20;
	[sflag:s22] =	ssyncset.done $0x0  }
0xa0: {  	[sflag:s22] =	ssyncadd.s32 s4;
	_ =	sdelay $0x1  }
0xa1: {  	s23 =	simm.s32 $0x1B8B  }
0xa2: {  	_ =	swait.ge [sflag:s23], $0x1  }
0xa3: {  	[sflag:s23] =	ssyncset.done $0x0  }
0xa4: {  	s25 =	simm.s32 $0x1B8E;
	s24 =	sld [smem:$0x3FFE];
	[sflag:s23] =	ssyncadd.s32 $0xFFFFFFFF  }
0xa5: {  	s26 =	simm.s32 $execute0_lowered;
	[smem:$0x3FD2] =	sst s25  }
0xa6: {  	s5 =	sshll.u32 s26, $0x1;
	_ =	strace $0x80000049;
	[dreg:$0x1] =	wrdreg $0xFFFFFFFF  }
0xa7: {  	s28 =	simm.s32 $_size_execute0_lowered;
	s3 =	sadd.s32 s3, s5;
	[dreg:$0x0] =	wrdreg $0x0  }
0xa8: {  	s5 =	sshll.u32 s28, $0x1;
	[dreg:$0x2] =	wrdreg s3  }
0xa9: {  	[dreg:$0x3] =	wrdreg s5  }
0xaa: {  	[dreg:$0x4] =	wrdreg $0xC0  }
0xab: {  	_ =	task [dreg:s7], $0x5FFFF  }
0xac: {  	[dreg:$0x1] =	wrdreg $0xFFFFFFFF  }
0xad: {  	[dreg:$0x0] =	wrdreg $0x60  }
0xae: {  	[dreg:$0x2] =	wrdreg s24  }
0xaf: {  	[dreg:$0x3] =	wrdreg s2  }
0xb0: {  	[dreg:$0x4] =	wrdreg $0x105800  }
0xb1: {  	[dreg:$0x5] =	wrdreg $0x9  }
0xb2: {  	_ =	task.clear_ibuf [dreg:s7], $0x6FFFF;
	_ =	strace $0x90000049  }
0xb3: {  	s29 =	simm.s32 $0x9;
	_ =	strace $0x8000004B  }
0xb4: {  	_ =	swait.ge [sflag:s29], $0x1  }
0xb5: {  	[sflag:s29] =	ssyncadd.s32 $0xFFFFFFFF  }
0xb6: {  	_ =	strace $0x9000004B  }
0xb7: {  	_ =	sfence  }
0xb8: {  	s30 =	sld [smem:$0x0];
	_ =	sdelay $0x2  }
0xb9: {  	s31 =	sshll.u32 s1, $0xD;
	s1 =	sshrl.u32 s1, $0x2  }
0xba: {  	s3 =	sand.u32 $0x4000, s31;
	s1 =	sadd.s32 s1, s30  }
0xbb: {  	s0 =	sor.u32 s3, s0;
	s1 =	sshll.u32 s1, $0x11  }
0xbc: {  	s0 =	sor.u32 s1, s0  }
0xbd: {  	s0 =	sadd.s32 $0x8F2B, s0  }
0xbe: {  	[sflag:s0] =	ssyncadd.remote.s32 $0x1  }
0xbf: {  	_ =	sfence.sel $0xFFFF  }
0xc0: {  	[dreg:$0x0] =	wrdreg $0xFFFFFFFF;
	(pc) =	sbr.abs _section_cstart, $3  }
0xc1: {  	[dreg:$0x1] =	wrdreg $0xFFFFFFFF  }
0xc2: {  	_ =	task.clear_ibuf [dreg:s7], $0x2FFFF;
	_ =	strace $0x9FFFFFFF  }
0xc3: {  	(tm) =	ssettm $0x7FFFFFFF  }
tec
execute0_lowered:
.L_overlay_start_1:
0x0: {  	(tag) =	ssettag $0x1  }
0x1: {  	s0 =	rddreg [dreg:$0x0]  }
0x2: {  	s11 =	stileid.u32;
	s3 =	rddreg [dreg:$0x2]  }
0x3: {  	s4 =	simm.s32 $0x0;
	s22 =	srdreg.scid;
	s18 =	simm.s32 $0x400  }
0x4: {  	s19 =	simm.s32 $0x80;
	s20 =	simm.s32 $0x1480;
	s28 =	simm.s32 $0x10500  }
0x5: {  	s29 =	simm.s32 $0x10480;
	s1 =	sshrl.u32 s11, $0x3;
	s21 =	smul.u32 $0xC800, s11  }
0x6: {  	s2 =	sshll.u32 s11, $0x7;
	[smem:$0x7FF] =	sst s4;
	s11 =	smul.u32 $0x1400, s11  }
0x7: {  	s4 =	sand.u32 $0x1, s22;
	s5 =	sadd.s32 $0xA00, s0;
	s1 =	smul.u32 $0xA000, s1  }
0x8: {  	s6 =	sadd.s32 $0xC00, s0;
	s8 =	ssub.s32 $0x2, s4;
	s24 =	smul.u32 $0x320000, s4  }
0x9: {  	s12 =	sshll.u32 s4, $0x2;
	s22 =	smul.u32 $0xFFFFFB00, s4;
	s4 =	sshllo.u32 s4, $0x2  }
0xa: {  	s2 =	sand.u32 $0x380, s2;
	_ =	strace $0x8000004A;
	s26 =	smul.u32 $0xC8000, s4  }
0xb: {  	s7 =	sshrl.u32 s21, $0x3;
	s13 =	sor.u32 $0x1, s12;
	s31 =	smul.u32 $0xFFFFFEC0, s4  }
0xc: {  	s23 =	sshrl.u32 s8, $0x1;
	s15 =	sor.u32 $0x2, s12;
	s14 =	smul.u32 $0xC8000, s13  }
0xd: {  	s9 =	sadd.s32 s21, s3;
	s1 =	sor.u32 s2, s1;
	s17 =	smul.u32 $0xC8000, s15  }
0xe: {  	s10 =	sadd.s32 s7, s0;
	s16 =	ssub.s32 s8, s23;
	s23 =	smul.u32 $0xFFFFFEC0, s13  }
0xf: {  	s1 =	sshrl.u32 s1, $0x3;
	s10 =	sadd.s32 $0x6000, s10;
	s2 =	sadd.s32 s21, s26  }
0x10: {  	s16 =	smax.u32 s16, $0x1;
	s1 =	sadd.s32 s1, s0;
	s0 =	sadd.s32 $0x1F000, s0  }
0x11: {  	s14 =	sadd.s32 s21, s14;
	s30 =	sadd.s32 s21, s17;
	s2 =	sshrl.u32 s2, $0x3  }
0x12: {  	s17 =	simm.s32 $0x2;
	v1 =	vmov s23;
	s23 =	simm.s32 $0x0;
	s7 =	sadd.s32 $0xE00, s1  }
0x13: {  	s8 =	sadd.s32 $0x3600, s1;
	s1 =	sadd.s32 s21, s24;
	s25 =	sshrl.u32 s14, $0x3  }
0x14: {  	s1 =	sshrl.u32 s1, $0x3;
	s13 =	sadd.s32 s0, s25;
	s25 =	smul.u32 $0xFFFFFEC0, s15  }
0x15: {  	v4 =	vimm.f32 $0.0e+00;
	v5 =	vimm.s32 $0x0;
	v6 =	vlaneseq.u32;
	s21 =	simm.s32 $0x1400;
	s12 =	sadd.s32 s0, s1;
	s1 =	sshrl.u32 s30, $0x3  }
0x16: {  	v0 =	vmov s22;
	v3 =	vmov s31;
	s24 =	simm.s32 $0x1;
	s15 =	sadd.s32 s0, s2;
	s14 =	sadd.s32 s0, s1;
	v2 =	vmov s25  }
.LBB2_1:
0x17: {  	s0 =	simm.s32 $0x0  }
0x18: {  	[tilespmem:s0], [sflag:$0x2] =	stream.linear.gather [hbm4b:s6+s0], $0x80, $0x38;
	[tilespmem:$0x1CD80] =	vst v63  }
0x19: {  	_ =	swait.ge [sflag:s17], $0x80  }
0x1a: {  	[sflag:s17] =	ssyncset.done $0x0  }
0x1b: {  	[sflag:s17] =	ssyncadd.s32 $0xFFFFFF80  }
0x1c: {  	[tilespmem:s19], [sflag:$0x2] =	stream.strided.gather [hbm4b:s7+s19], $0x1400, s18, s19, $0x38;
	[tilespmem:$0x1CD80] =	vst v63  }
0x1d: {  	_ =	swait.ge [sflag:s17], $0x1400  }
0x1e: {  	[sflag:s17] =	ssyncset.done $0x0  }
0x1f: {  	[sflag:s17] =	ssyncadd.s32 $0xFFFFEC00  }
0x20: {  	[tilespmem:s20], [sflag:$0x2] =	stream.strided.gather [hbm4b:s8+s19], $0x1400, s18, s19, $0x38;
	[tilespmem:$0x1CD80] =	vst v63  }
0x21: {  	_ =	swait.ge [sflag:s17], $0x1400  }
0x22: {  	[sflag:s17] =	ssyncset.done $0x0  }
0x23: {  	[sflag:s17] =	ssyncadd.s32 $0xFFFFEC00  }
0x24: {  	s1 =	simm.s32 $0x2880;
	s26 =	rddreg [dreg:$0x1]  }
0x25: {  	v7 =	vld [tilespmem:$0x0];
	[tilespmem:s1], [sflag:$0x1] =	stream.indirect.gather [hbm4b:s26+s21], $0x1, s19, s21, $0xb8  }
0x26: {  	s31 =	simm.s32 $0x3C80  }
0x27: {  	[tilespmem:s31], [sflag:$0x1] =	stream.indirect.gather [hbm4b:s5+s21], $0x1, s20, s21, $0xb8;
	[tilespmem:$0x1CD80] =	vst v63  }
0x28: {  	_ =	swait.ge [sflag:s24], $0x1400  }
0x29: {  	[sflag:s24] =	ssyncset.done $0x0  }
0x2a: {  	[sflag:s24] =	ssyncadd.s32 $0xFFFFEC00  }
0x2b: {  	_ =	swait.ge [sflag:s24], $0x1400  }
0x2c: {  	[sflag:s24] =	ssyncset.done $0x0  }
0x2d: {  	s25 =	simm.s32 $0x0;
	[sflag:s24] =	ssyncadd.s32 $0xFFFFEC00  }
0x2e: {  	v8 =	vld [tilespmem:s25+$0x2880]  }
0x2f: {  	v9 =	vld [tilespmem:s25+$0x3C80]  }
0x30: {  	s26 =	simm.s32 $0x10  }
0x31: {  	v10 =	vld [tilespmem:s26+$0x2880]  }
0x32: {  	v11 =	vld [tilespmem:s26+$0x3C80];
	_ =	sdelay $0x1  }
0x33: {  	v8 =	vadd.f32 v9, v8;
	v9 =	vadd.f32 v9, v7;
	_ =	sdelay $0x1  }
0x34: {  	v13 =	vmul.f32 $2.000000030e-01, v8;
	v14 =	vmul.f32 $2.000000030e-01, v9  }
0x35: {  	v10 =	vadd.f32 v11, v10  }
0x36: {  	v11 =	vadd.f32 v11, v7;
	v8 =	vmax.f32 v8, v13;
	v9 =	vmax.f32 v9, v14  }
0x37: {  	s30 =	simm.s32 $0x20;
	v8 =	vsub.f32 v8, v9  }
0x38: {  	v12 =	vld [tilespmem:s30+$0x2880];
	v16 =	vmul.f32 $2.000000030e-01, v10;
	v17 =	vmul.f32 $2.000000030e-01, v11  }
0x39: {  	v15 =	vld [tilespmem:s30+$0x3C80];
	v8 =	vmul.f32 $1.442695020e+00, v8  }
0x3a: {  	v10 =	vmax.f32 v10, v16;
	v11 =	vmax.f32 v11, v17  }
0x3b: {  	v9 =	vsub.f32 v10, v11;
	(erf) = vpow2.f32 v8;
	_ =	sdelay $0x1  }
0x3c: {  	s0 =	simm.s32 $0x30;
	v61 =	vmul.f32 $1.442695020e+00, v9  }
0x3d: {  	v10 =	vadd.f32 v15, v12;
	v11 =	vadd.f32 v15, v7;
	v9 =	vld [tilespmem:s0+$0x3C80]  }
0x3e: {  	v8 =	vld [tilespmem:s0+$0x2880];
	(erf) = vpow2.f32 v61  }
0x3f: {  	v62 =	vmul.f32 $2.000000030e-01, v10;
	v63 =	vmul.f32 $2.000000030e-01, v11;
	_ =	sdelay $0x1  }
0x40: {  	s1 =	simm.s32 $0x100;
	v10 =	vmax.f32 v10, v62;
	v11 =	vmax.f32 v11, v63  }
.LBB2_2:
0x41: {  	s2 =	sshra.s32 s1, $0x2;
	v10 =	vsub.f32 v10, v11;
	p0 =	sne.s32 s1, $0x4FC0  }
.Ltmp0:
0x42: {  	s1 =	sadd.s32 $0x40, s1;
	v11 =	vadd.f32 v9, v8;
	v8 =	vld [tilespmem:s2+$0x2880];
	v12 =	vadd.f32 v9, v7;
	v13 =	vpop (erf);
	(pc) =	sbr.rel @p0 .LBB2_2-.Ltmp0, $4  }
0x43: {  	v9 =	vld [tilespmem:s2+$0x3C80];
	v10 =	vmul.f32 $1.442695020e+00, v10;
	[tilespmem:s25+$0x5080] =	vst v13;
	s25 =	smov.u32 s26;
	s26 =	smov.u32 s30;
	s30 =	smov.u32 s0  }
0x44: {  	s0 =	smov.u32 s2;
	v13 =	vmul.f32 $2.000000030e-01, v11;
	v14 =	vmul.f32 $2.000000030e-01, v12  }
0x45: {  	(erf) = vpow2.f32 v10  }
0x46: {  	v10 =	vmax.f32 v11, v13;
	v11 =	vmax.f32 v12, v14  }
0x47: {  	_ = 	snop  }
0x48: {  	v8 =	vadd.f32 v9, v8;
	v7 =	vadd.f32 v9, v7;
	_ =	sdelay $0x1  }
0x49: {  	v9 =	vmul.f32 $2.000000030e-01, v8;
	v12 =	vmul.f32 $2.000000030e-01, v7;
	_ =	sdelay $0x1  }
0x4a: {  	v10 =	vsub.f32 v10, v11;
	v8 =	vmax.f32 v8, v9;
	v7 =	vmax.f32 v7, v12  }
0x4b: {  	v7 =	vsub.f32 v8, v7  }
0x4c: {  	v8 =	vmul.f32 $1.442695020e+00, v10  }
0x4d: {  	v7 =	vmul.f32 $1.442695020e+00, v7  }
0x4e: {  	(erf) = vpow2.f32 v8  }
0x4f: {  	(erf) = vpow2.f32 v7;
	_ =	sdelay $0x5  }
0x50: {  	v7 =	vpop (erf)  }
0x51: {  	v8 =	vpop (erf);
	[tilespmem:s25+$0x5080] =	vst v7  }
0x52: {  	[tilespmem:s26+$0x5080] =	vst v8;
	v7 =	vpop (erf)  }
0x53: {  	[tilespmem:s30+$0x5080] =	vst v7;
	v7 =	vpop (erf)  }
0x54: {  	[tilespmem:s0+$0x5080] =	vst v7  }
0x55: {  	[tilespmem:$0x10480] =	vst v4  }
0x56: {  	[tilespmem:$0x10500] =	vst v5  }
0x57: {  	[tilespmem:$0x10490] =	vst v4  }
0x58: {  	[tilespmem:$0x10510] =	vst v5  }
0x59: {  	[tilespmem:$0x104A0] =	vst v4  }
0x5a: {  	[tilespmem:$0x10520] =	vst v5  }
0x5b: {  	[tilespmem:$0x104B0] =	vst v4  }
0x5c: {  	[tilespmem:$0x10530] =	vst v5  }
0x5d: {  	[tilespmem:$0x104C0] =	vst v4  }
0x5e: {  	[tilespmem:$0x10540] =	vst v5  }
0x5f: {  	[tilespmem:$0x104D0] =	vst v4  }
0x60: {  	[tilespmem:$0x10550] =	vst v5  }
0x61: {  	[tilespmem:$0x104E0] =	vst v4  }
0x62: {  	s26 =	stileid.u32;
	[tilespmem:$0x10560] =	vst v5  }
0x63: {  	s30 =	sshll.u32 s26, $0x6;
	[tilespmem:$0x104F0] =	vst v4  }
0x64: {  	s31 =	simm.s32 $0x0;
	s25 =	sshrl.u32 s9, $0x3;
	s26 =	sor.u32 $0x1C01, s30;
	[tilespmem:$0x10570] =	vst v5  }
0x65: {  	[spmem:s25], [sflag:s26] =	dma.local [hbm:s10], $0x1900  }
0x66: {  	v7 =	vld [tilespmem:s31+$0x1480];
	_ =	sdelay $0x2  }
0x67: {  	v9 =	vld [tilespmem:s31+$0x80];
	_ =	sdelay $0x1  }
0x68: {  	s0 =	simm.s32 $0x10;
	v10 =	vld [tilespmem:s31+$0x5080];
	v11 =	vadd.s32 v0, v7  }
0x69: {  	v8 =	vld [tilespmem:s0+$0x1480];
	v63 =	vmul.u32 $0xA00, v11  }
0x6a: {  	v7 =	vld [tilespmem:s0+$0x5080]  }
0x6b: {  	vm0 =	vlt.u32 v11, $0x140;
	v11 =	vor.u32 s11, v6;
	v12 =	vadd.s32 v9, v63  }
0x6c: {  	v9 =	vld [tilespmem:s0+$0x80];
	v11 =	vsel vm0, v12, v11  }
0x6d: {  	s2 =	simm.s32 $0x80;
	s1 =	smov.u32 s11;
	v10 =	vnsel vm0, $0x0, v10;
	[tilespmem:s31+$0xB480] =	vst v11  }
.LBB2_4:
0x6e: {  	s4 =	sshra.s32 s2, $0x2;
	p0 =	sne.s32 s2, $0x4FC0;
	s2 =	sadd.s32 $0x40, s2;
	v11 =	vadd.s32 v0, v8;
	[tilespmem:s31+$0x6480] =	vst v10  }
.Ltmp1:
0x6f: {  	s31 =	smov.u32 s0;
	v8 =	vld [tilespmem:s4+$0x1480];
	v10 =	vmul.u32 $0xA00, v11;
	v12 =	vmov v7;
	s0 =	smov.u32 s4;
	(pc) =	sbr.rel @p0 .LBB2_4-.Ltmp1, $4  }
0x70: {  	s1 =	sadd.s32 $0x10, s1;
	v7 =	vld [tilespmem:s0+$0x5080]  }
0x71: {  	vm0 =	vlt.u32 v11, $0x140;
	v11 =	vor.u32 s1, v6;
	v13 =	vadd.s32 v9, v10  }
0x72: {  	v10 =	vnsel vm0, $0x0, v12;
	v9 =	vld [tilespmem:s0+$0x80];
	v11 =	vsel vm0, v13, v11  }
0x73: {  	[tilespmem:s31+$0xB480] =	vst v11  }
0x74: {  	v8 =	vadd.s32 v0, v8  }
0x75: {  	v11 =	vmul.u32 $0xA00, v8  }
0x76: {  	s1 =	sadd.s32 $0x10, s1;
	vm0 =	vlt.u32 v8, $0x140  }
0x77: {  	[tilespmem:s31+$0x6480] =	vst v10;
	v7 =	vnsel vm0, $0x0, v7;
	v8 =	vadd.s32 v9, v11;
	v9 =	vor.u32 s1, v6  }
0x78: {  	[tilespmem:s0+$0x6480] =	vst v7;
	v8 =	vsel vm0, v8, v9  }
0x79: {  	[tilespmem:s0+$0xB480] =	vst v8  }
0x7a: {  	_ =	swait.ge [sflag:s24], $0x1900  }
0x7b: {  	[sflag:s24] =	ssyncset.done $0x0  }
0x7c: {  	[sflag:s24] =	ssyncadd.s32 $0xFFFFE700  }
0x7d: {  	s4 =	simm.s32 $0xB480;
	s22 =	simm.s32 $0x6480;
	[bflag:$0x0] =	sbarrier.arrive $0xFFFF  }
0x7e: {  	[spmem:s3] =	stream.indirect.scatter.add.f32 [tilespmem:s22], [sflag:$0x2], $0x1, s4, s21, $0xb8;
	[tilespmem:$0x1CD80] =	vst v63  }
0x7f: {  	_ =	swait.ge [sflag:s17], $0x1400  }
0x80: {  	[sflag:s17] =	ssyncset.done $0x0  }
0x81: {  	s0 =	simm.s32 $0x80;
	[sflag:s17] =	ssyncadd.s32 $0xFFFFEC00  }
0x82: {  	[spmem:s3] =	stream.indirect.scatter.add.f32 [tilespmem:s29], [sflag:$0x2], $0x1, s28, s0, $0xb8;
	[tilespmem:$0x1CD80] =	vst v63  }
0x83: {  	_ =	swait.ge [sflag:s17], $0x80  }
0x84: {  	[sflag:s17] =	ssyncset.done $0x0  }
0x85: {  	[sflag:s17] =	ssyncadd.s32 $0xFFFFFF80  }
0x86: {  	[spmem:s3] =	stream.indirect.scatter.add.f32 [tilespmem:s29], [sflag:$0x2], $0x1, s28, s0, $0xb8;
	[tilespmem:$0x1CD80] =	vst v63  }
0x87: {  	_ =	swait.ge [sflag:s17], $0x80  }
0x88: {  	[sflag:s17] =	ssyncset.done $0x0  }
0x89: {  	[sflag:s17] =	ssyncadd.s32 $0xFFFFFF80  }
0x8a: {  	s30 =	sor.u32 $0x1C02, s30;
	[bflag:$0x0] =	sbarrier.arrive $0xFFFF  }
0x8b: {  	[hbm:s12], [sflag:s30] =	dma.local [spmem:s25], $0x1900  }
0x8c: {  	_ =	swait.ge [sflag:s17], $0x1900  }
0x8d: {  	[sflag:s17] =	ssyncset.done $0x0  }
0x8e: {  	[sflag:s17] =	ssyncadd.s32 $0xFFFFE700  }
0x8f: {  	s31 =	simm.s32 $0x1480;
	[bflag:$0x0] =	sbarrier.arrive $0xFFFF  }
0x90: {  	[spmem:s25], [sflag:s26] =	dma.local [hbm:s10], $0x1900  }
0x91: {  	v7 =	vld [tilespmem:s31+$0x0];
	_ =	sdelay $0x1  }
0x92: {  	s1 =	simm.s32 $0x5080;
	v9 =	vld [tilespmem:s0+$0x0]  }
0x93: {  	v8 =	vld [tilespmem:s1+$0x0];
	_ =	sdelay $0x1  }
0x94: {  	v7 =	vadd.s32 v1, v7  }
0x95: {  	v10 =	vmul.u32 $0xA00, v7  }
0x96: {  	s4 =	simm.s32 $0x0;
	s22 =	sadd.s32 $0x0, s11;
	vm0 =	vlt.u32 v7, $0x140  }
0x97: {  	s2 =	simm.s32 $0x10;
	s4 =	sand.u32 $0x1FF0, s4;
	v7 =	vor.u32 s22, v6;
	v8 =	vnsel vm0, $0x0, v8;
	v9 =	vadd.s32 v9, v10  }
.LBB2_6:
0x98: {  	[tilespmem:s4+$0x7880] =	vst v8;
	v7 =	vsel vm0, v9, v7;
	s0 =	sadd.s32 $0x10, s0;
	s31 =	sadd.s32 $0x10, s31;
	s1 =	sadd.s32 $0x10, s1  }
0x99: {  	p0 =	sne.s32 s2, $0x13F0;
	[tilespmem:s4+$0xC880] =	vst v7;
	s4 =	smov.u32 s2;
	s2 =	sadd.s32 $0x10, s2  }
0x9a: {  	v7 =	vld [tilespmem:s31+$0x0];
	_ =	sdelay $0x1  }
0x9b: {  	v9 =	vld [tilespmem:s0+$0x0]  }
0x9c: {  	v8 =	vld [tilespmem:s1+$0x0]  }
.Ltmp2:
0x9d: {  	(pc) =	sbr.rel @p0 .LBB2_6-.Ltmp2, $4  }
0x9e: {  	v7 =	vadd.s32 v1, v7  }
0x9f: {  	v10 =	vmul.u32 $0xA00, v7  }
0xa0: {  	s22 =	sadd.s32 s4, s11;
	vm0 =	vlt.u32 v7, $0x140  }
0xa1: {  	s4 =	sand.u32 $0x1FF0, s4;
	v7 =	vor.u32 s22, v6;
	v8 =	vnsel vm0, $0x0, v8;
	v9 =	vadd.s32 v9, v10  }
0xa2: {  	[tilespmem:s4+$0x7880] =	vst v8;
	v7 =	vsel vm0, v9, v7  }
0xa3: {  	[tilespmem:s4+$0xC880] =	vst v7  }
0xa4: {  	_ =	swait.ge [sflag:s24], $0x1900  }
0xa5: {  	[sflag:s24] =	ssyncset.done $0x0  }
0xa6: {  	[sflag:s24] =	ssyncadd.s32 $0xFFFFE700  }
0xa7: {  	s0 =	simm.s32 $0xC880;
	s1 =	simm.s32 $0x7880;
	[bflag:$0x0] =	sbarrier.arrive $0xFFFF  }
0xa8: {  	[spmem:s3] =	stream.indirect.scatter.add.f32 [tilespmem:s1], [sflag:$0x2], $0x1, s0, s21, $0xb8;
	[tilespmem:$0x1CD80] =	vst v63  }
0xa9: {  	_ =	swait.ge [sflag:s17], $0x1400  }
0xaa: {  	[sflag:s17] =	ssyncset.done $0x0  }
0xab: {  	s0 =	simm.s32 $0x80;
	[sflag:s17] =	ssyncadd.s32 $0xFFFFEC00  }
0xac: {  	[spmem:s3] =	stream.indirect.scatter.add.f32 [tilespmem:s29], [sflag:$0x2], $0x1, s28, s0, $0xb8;
	[tilespmem:$0x1CD80] =	vst v63  }
0xad: {  	_ =	swait.ge [sflag:s17], $0x80  }
0xae: {  	[sflag:s17] =	ssyncset.done $0x0  }
0xaf: {  	[sflag:s17] =	ssyncadd.s32 $0xFFFFFF80  }
0xb0: {  	[spmem:s3] =	stream.indirect.scatter.add.f32 [tilespmem:s29], [sflag:$0x2], $0x1, s28, s0, $0xb8;
	[tilespmem:$0x1CD80] =	vst v63  }
0xb1: {  	_ =	swait.ge [sflag:s17], $0x80  }
0xb2: {  	[sflag:s17] =	ssyncset.done $0x0  }
0xb3: {  	[sflag:s17] =	ssyncadd.s32 $0xFFFFFF80  }
0xb4: {  	[bflag:$0x0] =	sbarrier.arrive $0xFFFF  }
0xb5: {  	[hbm:s13], [sflag:s30] =	dma.local [spmem:s25], $0x1900  }
0xb6: {  	_ =	swait.ge [sflag:s17], $0x1900  }
0xb7: {  	[sflag:s17] =	ssyncset.done $0x0  }
0xb8: {  	[sflag:s17] =	ssyncadd.s32 $0xFFFFE700  }
0xb9: {  	s31 =	simm.s32 $0x1480;
	[bflag:$0x0] =	sbarrier.arrive $0xFFFF  }
0xba: {  	[spmem:s25], [sflag:s26] =	dma.local [hbm:s10], $0x1900  }
0xbb: {  	v7 =	vld [tilespmem:s31+$0x0];
	_ =	sdelay $0x1  }
0xbc: {  	s1 =	simm.s32 $0x5080;
	v9 =	vld [tilespmem:s0+$0x0]  }
0xbd: {  	v8 =	vld [tilespmem:s1+$0x0];
	_ =	sdelay $0x1  }
0xbe: {  	v7 =	vadd.s32 v2, v7  }
0xbf: {  	v10 =	vmul.u32 $0xA00, v7  }
0xc0: {  	s22 =	sadd.s32 $0x0, s11;
	s4 =	simm.s32 $0x0;
	vm0 =	vlt.u32 v7, $0x140  }
0xc1: {  	s2 =	simm.s32 $0x10;
	s4 =	sand.u32 $0x1FF0, s4;
	v7 =	vor.u32 s22, v6;
	v8 =	vnsel vm0, $0x0, v8;
	v9 =	vadd.s32 v9, v10  }
.LBB2_8:
0xc2: {  	[tilespmem:s4+$0x8C80] =	vst v8;
	v7 =	vsel vm0, v9, v7;
	s0 =	sadd.s32 $0x10, s0;
	s31 =	sadd.s32 $0x10, s31;
	s1 =	sadd.s32 $0x10, s1  }
0xc3: {  	p0 =	sne.s32 s2, $0x13F0;
	[tilespmem:s4+$0xDC80] =	vst v7;
	s4 =	smov.u32 s2;
	s2 =	sadd.s32 $0x10, s2  }
0xc4: {  	v7 =	vld [tilespmem:s31+$0x0];
	_ =	sdelay $0x1  }
0xc5: {  	v9 =	vld [tilespmem:s0+$0x0]  }
0xc6: {  	v8 =	vld [tilespmem:s1+$0x0]  }
.Ltmp3:
0xc7: {  	(pc) =	sbr.rel @p0 .LBB2_8-.Ltmp3, $4  }
0xc8: {  	v7 =	vadd.s32 v2, v7  }
0xc9: {  	v10 =	vmul.u32 $0xA00, v7  }
0xca: {  	s22 =	sadd.s32 s4, s11;
	vm0 =	vlt.u32 v7, $0x140  }
0xcb: {  	s4 =	sand.u32 $0x1FF0, s4;
	v7 =	vor.u32 s22, v6;
	v8 =	vnsel vm0, $0x0, v8;
	v9 =	vadd.s32 v9, v10  }
0xcc: {  	[tilespmem:s4+$0x8C80] =	vst v8;
	v7 =	vsel vm0, v9, v7  }
0xcd: {  	[tilespmem:s4+$0xDC80] =	vst v7  }
0xce: {  	_ =	swait.ge [sflag:s24], $0x1900  }
0xcf: {  	[sflag:s24] =	ssyncset.done $0x0  }
0xd0: {  	[sflag:s24] =	ssyncadd.s32 $0xFFFFE700  }
0xd1: {  	s0 =	simm.s32 $0xDC80;
	s1 =	simm.s32 $0x8C80;
	[bflag:$0x0] =	sbarrier.arrive $0xFFFF  }
0xd2: {  	[spmem:s3] =	stream.indirect.scatter.add.f32 [tilespmem:s1], [sflag:$0x2], $0x1, s0, s21, $0xb8;
	[tilespmem:$0x1CD80] =	vst v63  }
0xd3: {  	_ =	swait.ge [sflag:s17], $0x1400  }
0xd4: {  	[sflag:s17] =	ssyncset.done $0x0  }
0xd5: {  	s0 =	simm.s32 $0x80;
	[sflag:s17] =	ssyncadd.s32 $0xFFFFEC00  }
0xd6: {  	[spmem:s3] =	stream.indirect.scatter.add.f32 [tilespmem:s29], [sflag:$0x2], $0x1, s28, s0, $0xb8;
	[tilespmem:$0x1CD80] =	vst v63  }
0xd7: {  	_ =	swait.ge [sflag:s17], $0x80  }
0xd8: {  	[sflag:s17] =	ssyncset.done $0x0  }
0xd9: {  	[sflag:s17] =	ssyncadd.s32 $0xFFFFFF80  }
0xda: {  	[spmem:s3] =	stream.indirect.scatter.add.f32 [tilespmem:s29], [sflag:$0x2], $0x1, s28, s0, $0xb8;
	[tilespmem:$0x1CD80] =	vst v63  }
0xdb: {  	_ =	swait.ge [sflag:s17], $0x80  }
0xdc: {  	[sflag:s17] =	ssyncset.done $0x0  }
0xdd: {  	[sflag:s17] =	ssyncadd.s32 $0xFFFFFF80  }
0xde: {  	[bflag:$0x0] =	sbarrier.arrive $0xFFFF  }
0xdf: {  	[hbm:s14], [sflag:s30] =	dma.local [spmem:s25], $0x1900  }
0xe0: {  	_ =	swait.ge [sflag:s17], $0x1900  }
0xe1: {  	[sflag:s17] =	ssyncset.done $0x0  }
0xe2: {  	[sflag:s17] =	ssyncadd.s32 $0xFFFFE700  }
0xe3: {  	[bflag:$0x0] =	sbarrier.arrive $0xFFFF  }
0xe4: {  	[spmem:s25], [sflag:s26] =	dma.local [hbm:s10], $0x1900  }
0xe5: {  	s26 =	simm.s32 $0x1480  }
0xe6: {  	v7 =	vld [tilespmem:s26+$0x0];
	_ =	sdelay $0x1  }
0xe7: {  	s1 =	simm.s32 $0x5080;
	v9 =	vld [tilespmem:s0+$0x0]  }
0xe8: {  	v8 =	vld [tilespmem:s1+$0x0];
	_ =	sdelay $0x1  }
0xe9: {  	v7 =	vadd.s32 v3, v7  }
0xea: {  	v10 =	vmul.u32 $0xA00, v7  }
0xeb: {  	s31 =	simm.s32 $0x0;
	s22 =	sadd.s32 $0x0, s11;
	vm0 =	vlt.u32 v7, $0x140  }
0xec: {  	s2 =	simm.s32 $0x10;
	s4 =	sand.u32 $0x1FF0, s31;
	v7 =	vor.u32 s22, v6;
	v8 =	vnsel vm0, $0x0, v8;
	v9 =	vadd.s32 v9, v10  }
.LBB2_10:
0xed: {  	[tilespmem:s4+$0xA080] =	vst v8;
	v7 =	vsel vm0, v9, v7;
	s0 =	sadd.s32 $0x10, s0;
	s26 =	sadd.s32 $0x10, s26;
	s1 =	sadd.s32 $0x10, s1  }
0xee: {  	p0 =	sne.s32 s2, $0x13F0;
	[tilespmem:s4+$0xF080] =	vst v7;
	s4 =	smov.u32 s2;
	s2 =	sadd.s32 $0x10, s2  }
0xef: {  	v7 =	vld [tilespmem:s26+$0x0];
	_ =	sdelay $0x1  }
0xf0: {  	v9 =	vld [tilespmem:s0+$0x0]  }
0xf1: {  	v8 =	vld [tilespmem:s1+$0x0]  }
.Ltmp4:
0xf2: {  	(pc) =	sbr.rel @p0 .LBB2_10-.Ltmp4, $4  }
0xf3: {  	v7 =	vadd.s32 v3, v7  }
0xf4: {  	v10 =	vmul.u32 $0xA00, v7  }
0xf5: {  	s22 =	sadd.s32 s4, s11;
	vm0 =	vlt.u32 v7, $0x140  }
0xf6: {  	s4 =	sand.u32 $0x1FF0, s4;
	v7 =	vor.u32 s22, v6;
	v8 =	vnsel vm0, $0x0, v8;
	v9 =	vadd.s32 v9, v10  }
0xf7: {  	[tilespmem:s4+$0xA080] =	vst v8;
	v7 =	vsel vm0, v9, v7  }
0xf8: {  	[tilespmem:s4+$0xF080] =	vst v7  }
0xf9: {  	_ =	swait.ge [sflag:s24], $0x1900  }
0xfa: {  	[sflag:s24] =	ssyncset.done $0x0  }
0xfb: {  	[sflag:s24] =	ssyncadd.s32 $0xFFFFE700  }
0xfc: {  	s0 =	simm.s32 $0xF080;
	s1 =	simm.s32 $0xA080;
	[bflag:$0x0] =	sbarrier.arrive $0xFFFF  }
0xfd: {  	[spmem:s3] =	stream.indirect.scatter.add.f32 [tilespmem:s1], [sflag:$0x2], $0x1, s0, s21, $0xb8;
	[tilespmem:$0x1CD80] =	vst v63  }
0xfe: {  	_ =	swait.ge [sflag:s17], $0x1400  }
0xff: {  	[sflag:s17] =	ssyncset.done $0x0  }
0x100: {  	[sflag:s17] =	ssyncadd.s32 $0xFFFFEC00  }
0x101: {  	[spmem:s3] =	stream.indirect.scatter.add.f32 [tilespmem:s29], [sflag:$0x2], $0x1, s28, s19, $0xb8;
	[tilespmem:$0x1CD80] =	vst v63  }
0x102: {  	_ =	swait.ge [sflag:s17], $0x80  }
0x103: {  	[sflag:s17] =	ssyncset.done $0x0  }
0x104: {  	[sflag:s17] =	ssyncadd.s32 $0xFFFFFF80  }
0x105: {  	[spmem:s3] =	stream.indirect.scatter.add.f32 [tilespmem:s29], [sflag:$0x2], $0x1, s28, s19, $0xb8;
	[tilespmem:$0x1CD80] =	vst v63  }
0x106: {  	_ =	swait.ge [sflag:s17], $0x80  }
0x107: {  	s23 =	sadd.s32 $0x1, s23;
	[sflag:s17] =	ssyncset.done $0x0  }
0x108: {  	p0 =	sne.s32 s23, s16;
	[sflag:s17] =	ssyncadd.s32 $0xFFFFFF80  }
.Ltmp5:
0x109: {  	[bflag:$0x0] =	sbarrier.arrive $0xFFFF;
	(pc) =	sbr.rel @p0 .LBB2_1-.Ltmp5, $4  }
0x10a: {  	[hbm:s15], [sflag:s30] =	dma.local [spmem:s25], $0x1900  }
0x10b: {  	_ =	swait.ge [sflag:s17], $0x1900  }
0x10c: {  	[sflag:s17] =	ssyncset.done $0x0  }
0x10d: {  	[sflag:s17] =	ssyncadd.s32 $0xFFFFE700  }
0x10e: {  	_ =	sfence.sel $0x180000  }
0x10f: {  	[bflag:$0x0] =	sbarrier.arrive $0xFFFF  }
0x110: {  	_ =	strace $0x9000004A  }
0x111: {  	s0 =	stileid.u32;
	[bflag:$0x2] =	sbarrier.arrive $0xFFFF  }
0x112: {  	p0 =	sne.s32 s0, $0x0;
	s0 =	rddreg [dreg:$0x3]  }
0x113: {  	s0 =	sadd.s32 @!p0 $0x100000, s0  }
0x114: {  	[sflag:s0] =	ssyncadd.tile.s32 @!p0 $0x1;
	_ =	shalt  }
.Lfunc_end2:
_tile_overlayer_lowered:
.L_overlay_start_2:
0x115: {  	(tag) =	ssettag $0x2  }
0x116: {  	s0 =	rddreg [dreg:$0x0];
	s2 =	stileid.u32  }
0x117: {  	s1 =	rddreg [dreg:$0x1];
	p0 =	sne.s32 s2, $0x0  }
0x118: {  	s3 =	rddreg [dreg:$0x2];
	[bflag:$0x3] =	sbarrier.arrive $0xFFFF;
	s2 =	simm.s32 @!p0 $0x1C02  }
0x119: {  	[timem:s3], [sflag:s2] =	dma.local @!p0 [hbm:s0], s1  }
0x11a: {  	s0 =	simm.s32 @!p0 $0x2  }
0x11b: {  	_ =	swait.ge @!p0 [sflag:s0], s1  }
0x11c: {  	s1 =	ssub.s32 @!p0 $0x0, s1;
	[sflag:s0] =	ssyncset.done @!p0 $0x0  }
0x11d: {  	[sflag:s0] =	ssyncadd.s32 @!p0 s1  }
0x11e: {  	[bflag:$0x3] =	sbarrier.arrive $0xFFFF  }
0x11f: {  	_ =	shalt  }

// kernel: kernel.7.cloned.1.call-start
scs
__scs_entry_jumppad:
0x0: {  	(pc) =	sbr.rel $0x88, $3  }
0x1: {  	(tag) =	ssettag $0x0;
	lr =	simm.s32 $0x1  }
0x2: {  	[smem:$0x3F90] =	sst lr;
	_ =	strace $0xD0000000  }
0x3: {  	_ = 	snop  }
0x4: {  	_ = 	snop  }
0x5: {  	_ = 	snop  }
0x6: {  	_ = 	snop  }
0x7: {  	_ = 	snop  }
__scs_overlays_trampoline_lowered:
0x8: {  	[smem:$0x3F9F] =	sst s0  }
0x9: {  	[smem:$0x3FA0] =	sst s1  }
0xa: {  	[smem:$0x3FA1] =	sst s2  }
0xb: {  	[smem:$0x3FA2] =	sst s3  }
0xc: {  	[smem:$0x3FA3] =	sst s4  }
0xd: {  	[smem:$0x3FA4] =	sst s5  }
0xe: {  	[smem:$0x3FA5] =	sst s6  }
0xf: {  	[smem:$0x3FA6] =	sst s7  }
0x10: {  	[smem:$0x3FA7] =	sst s8  }
0x11: {  	[smem:$0x3FA8] =	sst s9;
	s0 =	simm.s32 @!p0 $0x0  }
0x12: {  	s1 =	sld [smem:$0x3F8E];
	s0 =	simm.s32 @p0 $0x1  }
0x13: {  	[smem:$0x3FA9] =	sst s0;
	s0 =	simm.s32 @!p1 $0x0  }
0x14: {  	s2 =	sld [smem:$0x3F8D];
	s0 =	simm.s32 @p1 $0x1  }
0x15: {  	[smem:$0x3FAA] =	sst s0;
	s0 =	simm.s32 @!p2 $0x0  }
0x16: {  	s3 =	sld [smem:$0x3FDB];
	s0 =	simm.s32 @p2 $0x1  }
0x17: {  	s4 =	simm.s32 $0x1BF5;
	[smem:$0x3FAC] =	sst s0  }
0x18: {  	s0 =	sld [smem:$0x3F8F];
	_ =	swait.ge [sflag:s4], $0x0  }
0x19: {  	s7 =	sld [smem:$0x3F90]  }
0x1a: {  	s8 =	sadd.s32 $0xFFFFE003, lr  }
0x1b: {  	s9 =	sadd.s32 $0xFFFFFEF7, lr;
	s5 =	simm.s32 $0xFFFFFFFF;
	p2 =	slt.u32 s8, $0xFFFFF086  }
0x1c: {  	p1 =	slt.u32 s9, $0xF7A;
	s5 =	simm.s32 @!p2 $0x0  }
0x1d: {  	s5 =	simm.s32 @p1 $0x1;
	p0 =	seq.s32 s7, s2  }
0x1e: {  	s7 =	smul.u32 @!p0 $0xF7A, s2;
	p2 =	seq.s32 @!p0 s5, $0x0  }
0x1f: {  	s9 =	smul.u32 $0xF7A, s1;
	s8 =	simm.s32 @!p0 $0x1BF5;
	p2 =	por !p2, p0  }
0x20: {  	[sflag:s8] =	ssyncset.s32 @!p0 $0xFFFFF086;
	s6 =	sadd.s32 @!p0 s3, s7;
	s7 =	simm.s32 @!p0 $0x108  }
0x21: {  	s3 =	sadd.s32 s3, s9;
	s6 =	sadd.s32 @!p0 $0x88, s6;
	s7 =	simm.s32 @p2 $0x1082  }
0x22: {  	[simem:s7], [sflag:s8] =	dma.local @!p0 [hbm:s6], $0xF7A  }
0x23: {  	s9 =	sor.u32 $0xD0000000, s2;
	s6 =	simm.s32 $0x108;
	_ =	swait.ge @!p0 [sflag:s8], $0x0  }
0x24: {  	s3 =	sadd.s32 $0x88, s3;
	s6 =	simm.s32 @!p1 $0x1082;
	[sflag:s4] =	ssyncset.s32 $0xFFFFF086  }
0x25: {  	[simem:s6], [sflag:s4] =	dma.local [hbm:s3], $0xF7A  }
0x26: {  	[smem:$0x3F90] =	sst s1;
	(tag) =	ssettag s2;
	_ =	strace s9  }
0x27: {  	s1 =	sld [smem:$0x3FA0]  }
0x28: {  	s2 =	sld [smem:$0x3FA1]  }
0x29: {  	s4 =	sld [smem:$0x3FA3]  }
0x2a: {  	p0 =	seq.s32 s5, $0x0;
	s5 =	sld [smem:$0x3FA4]  }
0x2b: {  	s6 =	sld [smem:$0x3FA5]  }
0x2c: {  	s7 =	sld [smem:$0x3FA6]  }
0x2d: {  	s3 =	simm.s32 $0x108;
	s8 =	sld [smem:$0x3FA7]  }
0x2e: {  	s3 =	simm.s32 @!p0 $0x1082;
	s9 =	sld [smem:$0x3FA8]  }
0x2f: {  	lr =	sadd.s32 s0, s3;
	s0 =	sld [smem:$0x3F9F]  }
0x30: {  	s3 =	sld [smem:$0x3FA2]  }
0x31: {  	[smem:$0x3FAB] =	sst s10  }
0x32: {  	s10 =	sld [smem:$0x3FA9];
	_ =	sdelay $0x3  }
0x33: {  	p0 =	seq.s32 s10, $0x1;
	s10 =	sld [smem:$0x3FAB];
	_ =	sdelay $0x3  }
0x34: {  	[smem:$0x3FAB] =	sst s10  }
0x35: {  	s10 =	sld [smem:$0x3FAA];
	_ =	sdelay $0x3  }
0x36: {  	p1 =	seq.s32 s10, $0x1;
	s10 =	sld [smem:$0x3FAB];
	_ =	sdelay $0x3  }
0x37: {  	[smem:$0x3FAB] =	sst s10  }
0x38: {  	s10 =	sld [smem:$0x3FAC]  }
0x39: {  	_ = 	snop;
	(pc) =	sbr.ind lr, $3  }
0x3a: {  	_ = 	snop  }
0x3b: {  	_ = 	snop  }
0x3c: {  	p2 =	seq.s32 s10, $0x1;
	s10 =	sld [smem:$0x3FAB]  }
0x3d: {  	_ =	shalt  }
0x3e: {  	_ =	shalt  }
0x3f: {  	_ =	shalt  }
0x40: {  	_ =	shalt  }
0x41: {  	_ =	shalt  }
0x42: {  	_ =	shalt  }
0x43: {  	_ =	shalt  }
0x44: {  	_ =	shalt  }
0x45: {  	_ =	shalt  }
0x46: {  	_ =	shalt  }
0x47: {  	_ =	shalt  }
0x48: {  	_ =	shalt  }
0x49: {  	_ =	shalt  }
0x4a: {  	_ =	shalt  }
0x4b: {  	_ =	shalt  }
0x4c: {  	_ =	shalt  }
0x4d: {  	_ =	shalt  }
0x4e: {  	_ =	shalt  }
0x4f: {  	_ =	shalt  }
0x50: {  	_ =	shalt  }
0x51: {  	_ =	shalt  }
0x52: {  	_ =	shalt  }
0x53: {  	_ =	shalt  }
0x54: {  	_ =	shalt  }
0x55: {  	_ =	shalt  }
0x56: {  	_ =	shalt  }
0x57: {  	_ =	shalt  }
0x58: {  	_ =	shalt  }
0x59: {  	_ =	shalt  }
0x5a: {  	_ =	shalt  }
0x5b: {  	_ =	shalt  }
0x5c: {  	_ =	shalt  }
0x5d: {  	_ =	shalt  }
0x5e: {  	_ =	shalt  }
0x5f: {  	_ =	shalt  }
0x60: {  	_ =	shalt  }
0x61: {  	_ =	shalt  }
0x62: {  	_ =	shalt  }
0x63: {  	_ =	shalt  }
0x64: {  	_ =	shalt  }
0x65: {  	_ =	shalt  }
0x66: {  	_ =	shalt  }
0x67: {  	_ =	shalt  }
0x68: {  	_ =	shalt  }
0x69: {  	_ =	shalt  }
0x6a: {  	_ =	shalt  }
0x6b: {  	_ =	shalt  }
0x6c: {  	_ =	shalt  }
0x6d: {  	_ =	shalt  }
0x6e: {  	_ =	shalt  }
0x6f: {  	_ =	shalt  }
0x70: {  	_ =	shalt  }
0x71: {  	_ =	shalt  }
0x72: {  	_ =	shalt  }
0x73: {  	_ =	shalt  }
0x74: {  	_ =	shalt  }
0x75: {  	_ =	shalt  }
0x76: {  	_ =	shalt  }
0x77: {  	_ =	shalt  }
0x78: {  	_ =	shalt  }
0x79: {  	_ =	shalt  }
0x7a: {  	_ =	shalt  }
0x7b: {  	_ =	shalt  }
0x7c: {  	_ =	shalt  }
0x7d: {  	_ =	shalt  }
0x7e: {  	_ =	shalt  }
0x7f: {  	_ =	shalt  }
0x80: {  	_ =	shalt  }
0x81: {  	_ =	shalt  }
0x82: {  	_ =	shalt  }
0x83: {  	_ =	shalt  }
0x84: {  	_ =	shalt  }
0x85: {  	_ =	shalt  }
0x86: {  	_ =	shalt  }
0x87: {  	_ =	shalt  }
.Lfunc_end0:
.L_simem_size_0:
called_computation_lowered:
.L_overlay_start_0:
0x88: {  	s2 =	sld [smem:$0x3FD9]  }
0x89: {  	s3 =	sld [smem:$0x3FFE];
	_ =	sdelay $0x1  }
0x8a: {  	s1 =	srdreg.scid  }
0x8b: {  	s0 =	sand.u32 $0x1, s1  }
0x8c: {  	s17 =	sshll.u32 s0, $0xA;
	s2 =	sadd.s32 s3, s2  }
0x8d: {  	s2 =	sadd.s32 s2, s17  }
0x8e: {  	[smem:$0x3FB7] =	sst s2  }
0x8f: {  	_ = 	snop  }
0x90: {  	s2 =	sld [smem:$0x3FD0];
	(tm) =	ssettm $0x1  }
0x91: {  	s18 =	sld [smem:$0x3FFB];
	_ =	sdelay $0x3  }
0x92: {  	_ =	strace s18  }
0x93: {  	s3 =	sld [smem:$0x3FFC];
	_ =	sdelay $0x3  }
0x94: {  	_ =	strace s3  }
0x95: {  	s3 =	sld [smem:$0x3FFD];
	_ =	sdelay $0x3  }
0x96: {  	_ =	strace s3  }
0x97: {  	_ =	strace $0x8FFFFFFF  }
0x98: {  	s19 =	sld [smem:$0x3FDB];
	_ =	sdelay $0x1  }
0x99: {  	s4 =	simm.s32 $_scs_section_size  }
0x9a: {  	s5 =	simm.s32 $_size__tile_overlayer_lowered;
	s6 =	simm.s32 $_tile_overlayer_lowered  }
0x9b: {  	s22 =	simm.s32 $0x1BFF;
	s21 =	sshll.u32 s6, $0x1;
	s3 =	sadd.s32 s4, s19  }
0x9c: {  	s7 =	simm.s32 $0x0;
	s20 =	sshll.u32 s5, $0x1;
	s5 =	sadd.s32 s21, s3  }
0x9d: {  	[timem:s7], [sflag:s22] =	dma.local [hbm:s5], s20  }
0x9e: {  	_ =	swait.ge [sflag:s22], s20  }
0x9f: {  	s4 =	ssub.s32 $0x0, s20;
	[sflag:s22] =	ssyncset.done $0x0  }
0xa0: {  	[sflag:s22] =	ssyncadd.s32 s4;
	_ =	sdelay $0x1  }
0xa1: {  	s23 =	simm.s32 $0x1B8B  }
0xa2: {  	_ =	swait.ge [sflag:s23], $0x1  }
0xa3: {  	[sflag:s23] =	ssyncset.done $0x0  }
0xa4: {  	s25 =	simm.s32 $0x1B8E;
	s24 =	sld [smem:$0x3FFE];
	[sflag:s23] =	ssyncadd.s32 $0xFFFFFFFF  }
0xa5: {  	s26 =	simm.s32 $execute0_lowered;
	[smem:$0x3FD2] =	sst s25  }
0xa6: {  	s5 =	sshll.u32 s26, $0x1;
	_ =	strace $0x80000046;
	[dreg:$0x1] =	wrdreg $0xFFFFFFFF  }
0xa7: {  	s28 =	simm.s32 $_size_execute0_lowered;
	s3 =	sadd.s32 s3, s5;
	[dreg:$0x0] =	wrdreg $0x0  }
0xa8: {  	s5 =	sshll.u32 s28, $0x1;
	[dreg:$0x2] =	wrdreg s3  }
0xa9: {  	[dreg:$0x3] =	wrdreg s5  }
0xaa: {  	[dreg:$0x4] =	wrdreg $0xC0  }
0xab: {  	_ =	task [dreg:s7], $0x5FFFF  }
0xac: {  	[dreg:$0x1] =	wrdreg $0xFFFFFFFF  }
0xad: {  	[dreg:$0x0] =	wrdreg $0x60  }
0xae: {  	[dreg:$0x2] =	wrdreg s24  }
0xaf: {  	[dreg:$0x3] =	wrdreg s2  }
0xb0: {  	[dreg:$0x4] =	wrdreg $0x105800  }
0xb1: {  	[dreg:$0x5] =	wrdreg $0x9  }
0xb2: {  	_ =	task.clear_ibuf [dreg:s7], $0x6FFFF;
	_ =	strace $0x90000046  }
0xb3: {  	s29 =	simm.s32 $0x9;
	_ =	strace $0x80000048  }
0xb4: {  	_ =	swait.ge [sflag:s29], $0x1  }
0xb5: {  	[sflag:s29] =	ssyncadd.s32 $0xFFFFFFFF  }
0xb6: {  	_ =	strace $0x90000048  }
0xb7: {  	_ =	sfence  }
0xb8: {  	s30 =	sld [smem:$0x0];
	_ =	sdelay $0x2  }
0xb9: {  	s31 =	sshll.u32 s1, $0xD;
	s1 =	sshrl.u32 s1, $0x2  }
0xba: {  	s3 =	sand.u32 $0x4000, s31;
	s1 =	sadd.s32 s1, s30  }
0xbb: {  	s0 =	sor.u32 s3, s0;
	s1 =	sshll.u32 s1, $0x11  }
0xbc: {  	s0 =	sor.u32 s1, s0  }
0xbd: {  	s0 =	sadd.s32 $0x8F2B, s0  }
0xbe: {  	[sflag:s0] =	ssyncadd.remote.s32 $0x1  }
0xbf: {  	_ =	sfence.sel $0xFFFF  }
0xc0: {  	[dreg:$0x0] =	wrdreg $0xFFFFFFFF;
	(pc) =	sbr.abs _section_cstart, $3  }
0xc1: {  	[dreg:$0x1] =	wrdreg $0xFFFFFFFF  }
0xc2: {  	_ =	task.clear_ibuf [dreg:s7], $0x2FFFF;
	_ =	strace $0x9FFFFFFF  }
0xc3: {  	(tm) =	ssettm $0x7FFFFFFF  }
tec
execute0_lowered:
.L_overlay_start_1:
0x0: {  	(tag) =	ssettag $0x1  }
0x1: {  	s0 =	rddreg [dreg:$0x0]  }
0x2: {  	s11 =	stileid.u32;
	s3 =	rddreg [dreg:$0x2]  }
0x3: {  	s4 =	simm.s32 $0x0;
	s22 =	srdreg.scid;
	s18 =	simm.s32 $0x400  }
0x4: {  	s19 =	simm.s32 $0x80;
	s20 =	simm.s32 $0x1480;
	s28 =	simm.s32 $0x10500  }
0x5: {  	s29 =	simm.s32 $0x10480;
	s1 =	sshrl.u32 s11, $0x3;
	s21 =	smul.u32 $0xC800, s11  }
0x6: {  	s2 =	sshll.u32 s11, $0x7;
	[smem:$0x7FF] =	sst s4;
	s11 =	smul.u32 $0x1400, s11  }
0x7: {  	s4 =	sand.u32 $0x1, s22;
	s5 =	sadd.s32 $0xC00, s0;
	s1 =	smul.u32 $0xA000, s1  }
0x8: {  	s6 =	sadd.s32 $0x5E00, s0;
	s8 =	ssub.s32 $0x2, s4;
	s24 =	smul.u32 $0x320000, s4  }
0x9: {  	s12 =	sshll.u32 s4, $0x2;
	s22 =	smul.u32 $0xFFFFFB00, s4;
	s4 =	sshllo.u32 s4, $0x2  }
0xa: {  	s2 =	sand.u32 $0x380, s2;
	_ =	strace $0x80000047;
	s26 =	smul.u32 $0xC8000, s4  }
0xb: {  	s7 =	sshrl.u32 s21, $0x3;
	s13 =	sor.u32 $0x1, s12;
	s31 =	smul.u32 $0xFFFFFEC0, s4  }
0xc: {  	s23 =	sshrl.u32 s8, $0x1;
	s15 =	sor.u32 $0x2, s12;
	s14 =	smul.u32 $0xC8000, s13  }
0xd: {  	s9 =	sadd.s32 s21, s3;
	s1 =	sor.u32 s2, s1;
	s17 =	smul.u32 $0xC8000, s15  }
0xe: {  	s10 =	sadd.s32 s7, s0;
	s16 =	ssub.s32 s8, s23;
	s23 =	smul.u32 $0xFFFFFEC0, s13  }
0xf: {  	s1 =	sshrl.u32 s1, $0x3;
	s10 =	sadd.s32 $0x6000, s10;
	s2 =	sadd.s32 s21, s26  }
0x10: {  	s16 =	smax.u32 s16, $0x1;
	s1 =	sadd.s32 s1, s0;
	s0 =	sadd.s32 $0x1F000, s0  }
0x11: {  	s14 =	sadd.s32 s21, s14;
	s30 =	sadd.s32 s21, s17;
	s2 =	sshrl.u32 s2, $0x3  }
0x12: {  	s17 =	simm.s32 $0x2;
	v1 =	vmov s23;
	s23 =	simm.s32 $0x0;
	s7 =	sadd.s32 $0xE00, s1  }
0x13: {  	s8 =	sadd.s32 $0x3600, s1;
	s1 =	sadd.s32 s21, s24;
	s25 =	sshrl.u32 s14, $0x3  }
0x14: {  	s1 =	sshrl.u32 s1, $0x3;
	s13 =	sadd.s32 s0, s25;
	s25 =	smul.u32 $0xFFFFFEC0, s15  }
0x15: {  	v4 =	vimm.f32 $0.0e+00;
	v5 =	vimm.s32 $0x0;
	v6 =	vlaneseq.u32;
	s21 =	simm.s32 $0x1400;
	s12 =	sadd.s32 s0, s1;
	s1 =	sshrl.u32 s30, $0x3  }
0x16: {  	v0 =	vmov s22;
	v3 =	vmov s31;
	s24 =	simm.s32 $0x1;
	s15 =	sadd.s32 s0, s2;
	s14 =	sadd.s32 s0, s1;
	v2 =	vmov s25  }
.LBB2_1:
0x17: {  	s0 =	simm.s32 $0x0  }
0x18: {  	[tilespmem:s0], [sflag:$0x2] =	stream.linear.gather [hbm4b:s6+s0], $0x80, $0x38;
	[tilespmem:$0x1CD80] =	vst v63  }
0x19: {  	_ =	swait.ge [sflag:s17], $0x80  }
0x1a: {  	[sflag:s17] =	ssyncset.done $0x0  }
0x1b: {  	[sflag:s17] =	ssyncadd.s32 $0xFFFFFF80  }
0x1c: {  	[tilespmem:s19], [sflag:$0x2] =	stream.strided.gather [hbm4b:s7+s19], $0x1400, s18, s19, $0x38;
	[tilespmem:$0x1CD80] =	vst v63  }
0x1d: {  	_ =	swait.ge [sflag:s17], $0x1400  }
0x1e: {  	[sflag:s17] =	ssyncset.done $0x0  }
0x1f: {  	[sflag:s17] =	ssyncadd.s32 $0xFFFFEC00  }
0x20: {  	[tilespmem:s20], [sflag:$0x2] =	stream.strided.gather [hbm4b:s8+s19], $0x1400, s18, s19, $0x38;
	[tilespmem:$0x1CD80] =	vst v63  }
0x21: {  	_ =	swait.ge [sflag:s17], $0x1400  }
0x22: {  	[sflag:s17] =	ssyncset.done $0x0  }
0x23: {  	[sflag:s17] =	ssyncadd.s32 $0xFFFFEC00  }
0x24: {  	s1 =	simm.s32 $0x2880;
	s26 =	rddreg [dreg:$0x1]  }
0x25: {  	v7 =	vld [tilespmem:$0x0];
	[tilespmem:s1], [sflag:$0x1] =	stream.indirect.gather [hbm4b:s26+s21], $0x1, s19, s21, $0xb8  }
0x26: {  	s31 =	simm.s32 $0x3C80  }
0x27: {  	[tilespmem:s31], [sflag:$0x1] =	stream.indirect.gather [hbm4b:s5+s21], $0x1, s20, s21, $0xb8;
	[tilespmem:$0x1CD80] =	vst v63  }
0x28: {  	_ =	swait.ge [sflag:s24], $0x1400  }
0x29: {  	[sflag:s24] =	ssyncset.done $0x0  }
0x2a: {  	[sflag:s24] =	ssyncadd.s32 $0xFFFFEC00  }
0x2b: {  	_ =	swait.ge [sflag:s24], $0x1400  }
0x2c: {  	[sflag:s24] =	ssyncset.done $0x0  }
0x2d: {  	s25 =	simm.s32 $0x0;
	[sflag:s24] =	ssyncadd.s32 $0xFFFFEC00  }
0x2e: {  	v8 =	vld [tilespmem:s25+$0x2880]  }
0x2f: {  	v9 =	vld [tilespmem:s25+$0x3C80]  }
0x30: {  	s26 =	simm.s32 $0x10  }
0x31: {  	v10 =	vld [tilespmem:s26+$0x2880]  }
0x32: {  	v11 =	vld [tilespmem:s26+$0x3C80];
	_ =	sdelay $0x1  }
0x33: {  	v8 =	vadd.f32 v9, v8;
	v9 =	vadd.f32 v9, v7;
	_ =	sdelay $0x1  }
0x34: {  	v13 =	vmul.f32 $2.000000030e-01, v8;
	v14 =	vmul.f32 $2.000000030e-01, v9  }
0x35: {  	v10 =	vadd.f32 v11, v10  }
0x36: {  	v11 =	vadd.f32 v11, v7;
	v8 =	vmax.f32 v8, v13;
	v9 =	vmax.f32 v9, v14  }
0x37: {  	s30 =	simm.s32 $0x20;
	v8 =	vsub.f32 v8, v9  }
0x38: {  	v12 =	vld [tilespmem:s30+$0x2880];
	v16 =	vmul.f32 $2.000000030e-01, v10;
	v17 =	vmul.f32 $2.000000030e-01, v11  }
0x39: {  	v15 =	vld [tilespmem:s30+$0x3C80];
	v8 =	vmul.f32 $1.442695020e+00, v8  }
0x3a: {  	v10 =	vmax.f32 v10, v16;
	v11 =	vmax.f32 v11, v17  }
0x3b: {  	v9 =	vsub.f32 v10, v11;
	(erf) = vpow2.f32 v8;
	_ =	sdelay $0x1  }
0x3c: {  	s0 =	simm.s32 $0x30;
	v61 =	vmul.f32 $1.442695020e+00, v9  }
0x3d: {  	v10 =	vadd.f32 v15, v12;
	v11 =	vadd.f32 v15, v7;
	v9 =	vld [tilespmem:s0+$0x3C80]  }
0x3e: {  	v8 =	vld [tilespmem:s0+$0x2880];
	(erf) = vpow2.f32 v61  }
0x3f: {  	v62 =	vmul.f32 $2.000000030e-01, v10;
	v63 =	vmul.f32 $2.000000030e-01, v11;
	_ =	sdelay $0x1  }
0x40: {  	s1 =	simm.s32 $0x100;
	v10 =	vmax.f32 v10, v62;
	v11 =	vmax.f32 v11, v63  }
.LBB2_2:
0x41: {  	s2 =	sshra.s32 s1, $0x2;
	v10 =	vsub.f32 v10, v11;
	p0 =	sne.s32 s1, $0x4FC0  }
.Ltmp0:
0x42: {  	s1 =	sadd.s32 $0x40, s1;
	v11 =	vadd.f32 v9, v8;
	v8 =	vld [tilespmem:s2+$0x2880];
	v12 =	vadd.f32 v9, v7;
	v13 =	vpop (erf);
	(pc) =	sbr.rel @p0 .LBB2_2-.Ltmp0, $4  }
0x43: {  	v9 =	vld [tilespmem:s2+$0x3C80];
	v10 =	vmul.f32 $1.442695020e+00, v10;
	[tilespmem:s25+$0x5080] =	vst v13;
	s25 =	smov.u32 s26;
	s26 =	smov.u32 s30;
	s30 =	smov.u32 s0  }
0x44: {  	s0 =	smov.u32 s2;
	v13 =	vmul.f32 $2.000000030e-01, v11;
	v14 =	vmul.f32 $2.000000030e-01, v12  }
0x45: {  	(erf) = vpow2.f32 v10  }
0x46: {  	v10 =	vmax.f32 v11, v13;
	v11 =	vmax.f32 v12, v14  }
0x47: {  	_ = 	snop  }
0x48: {  	v8 =	vadd.f32 v9, v8;
	v7 =	vadd.f32 v9, v7;
	_ =	sdelay $0x1  }
0x49: {  	v9 =	vmul.f32 $2.000000030e-01, v8;
	v12 =	vmul.f32 $2.000000030e-01, v7;
	_ =	sdelay $0x1  }
0x4a: {  	v10 =	vsub.f32 v10, v11;
	v8 =	vmax.f32 v8, v9;
	v7 =	vmax.f32 v7, v12  }
0x4b: {  	v7 =	vsub.f32 v8, v7  }
0x4c: {  	v8 =	vmul.f32 $1.442695020e+00, v10  }
0x4d: {  	v7 =	vmul.f32 $1.442695020e+00, v7  }
0x4e: {  	(erf) = vpow2.f32 v8  }
0x4f: {  	(erf) = vpow2.f32 v7;
	_ =	sdelay $0x5  }
0x50: {  	v7 =	vpop (erf)  }
0x51: {  	v8 =	vpop (erf);
	[tilespmem:s25+$0x5080] =	vst v7  }
0x52: {  	[tilespmem:s26+$0x5080] =	vst v8;
	v7 =	vpop (erf)  }
0x53: {  	[tilespmem:s30+$0x5080] =	vst v7;
	v7 =	vpop (erf)  }
0x54: {  	[tilespmem:s0+$0x5080] =	vst v7  }
0x55: {  	[tilespmem:$0x10480] =	vst v4  }
0x56: {  	[tilespmem:$0x10500] =	vst v5  }
0x57: {  	[tilespmem:$0x10490] =	vst v4  }
0x58: {  	[tilespmem:$0x10510] =	vst v5  }
0x59: {  	[tilespmem:$0x104A0] =	vst v4  }
0x5a: {  	[tilespmem:$0x10520] =	vst v5  }
0x5b: {  	[tilespmem:$0x104B0] =	vst v4  }
0x5c: {  	[tilespmem:$0x10530] =	vst v5  }
0x5d: {  	[tilespmem:$0x104C0] =	vst v4  }
0x5e: {  	[tilespmem:$0x10540] =	vst v5  }
0x5f: {  	[tilespmem:$0x104D0] =	vst v4  }
0x60: {  	[tilespmem:$0x10550] =	vst v5  }
0x61: {  	[tilespmem:$0x104E0] =	vst v4  }
0x62: {  	s26 =	stileid.u32;
	[tilespmem:$0x10560] =	vst v5  }
0x63: {  	s30 =	sshll.u32 s26, $0x6;
	[tilespmem:$0x104F0] =	vst v4  }
0x64: {  	s31 =	simm.s32 $0x0;
	s25 =	sshrl.u32 s9, $0x3;
	s26 =	sor.u32 $0x1C01, s30;
	[tilespmem:$0x10570] =	vst v5  }
0x65: {  	[spmem:s25], [sflag:s26] =	dma.local [hbm:s10], $0x1900  }
0x66: {  	v7 =	vld [tilespmem:s31+$0x1480];
	_ =	sdelay $0x2  }
0x67: {  	v9 =	vld [tilespmem:s31+$0x80];
	_ =	sdelay $0x1  }
0x68: {  	s0 =	simm.s32 $0x10;
	v10 =	vld [tilespmem:s31+$0x5080];
	v11 =	vadd.s32 v0, v7  }
0x69: {  	v8 =	vld [tilespmem:s0+$0x1480];
	v63 =	vmul.u32 $0xA00, v11  }
0x6a: {  	v7 =	vld [tilespmem:s0+$0x5080]  }
0x6b: {  	vm0 =	vlt.u32 v11, $0x140;
	v11 =	vor.u32 s11, v6;
	v12 =	vadd.s32 v9, v63  }
0x6c: {  	v9 =	vld [tilespmem:s0+$0x80];
	v11 =	vsel vm0, v12, v11  }
0x6d: {  	s2 =	simm.s32 $0x80;
	s1 =	smov.u32 s11;
	v10 =	vnsel vm0, $0x0, v10;
	[tilespmem:s31+$0xB480] =	vst v11  }
.LBB2_4:
0x6e: {  	s4 =	sshra.s32 s2, $0x2;
	p0 =	sne.s32 s2, $0x4FC0;
	s2 =	sadd.s32 $0x40, s2;
	v11 =	vadd.s32 v0, v8;
	[tilespmem:s31+$0x6480] =	vst v10  }
.Ltmp1:
0x6f: {  	s31 =	smov.u32 s0;
	v8 =	vld [tilespmem:s4+$0x1480];
	v10 =	vmul.u32 $0xA00, v11;
	v12 =	vmov v7;
	s0 =	smov.u32 s4;
	(pc) =	sbr.rel @p0 .LBB2_4-.Ltmp1, $4  }
0x70: {  	s1 =	sadd.s32 $0x10, s1;
	v7 =	vld [tilespmem:s0+$0x5080]  }
0x71: {  	vm0 =	vlt.u32 v11, $0x140;
	v11 =	vor.u32 s1, v6;
	v13 =	vadd.s32 v9, v10  }
0x72: {  	v10 =	vnsel vm0, $0x0, v12;
	v9 =	vld [tilespmem:s0+$0x80];
	v11 =	vsel vm0, v13, v11  }
0x73: {  	[tilespmem:s31+$0xB480] =	vst v11  }
0x74: {  	v8 =	vadd.s32 v0, v8  }
0x75: {  	v11 =	vmul.u32 $0xA00, v8  }
0x76: {  	s1 =	sadd.s32 $0x10, s1;
	vm0 =	vlt.u32 v8, $0x140  }
0x77: {  	[tilespmem:s31+$0x6480] =	vst v10;
	v7 =	vnsel vm0, $0x0, v7;
	v8 =	vadd.s32 v9, v11;
	v9 =	vor.u32 s1, v6  }
0x78: {  	[tilespmem:s0+$0x6480] =	vst v7;
	v8 =	vsel vm0, v8, v9  }
0x79: {  	[tilespmem:s0+$0xB480] =	vst v8  }
0x7a: {  	_ =	swait.ge [sflag:s24], $0x1900  }
0x7b: {  	[sflag:s24] =	ssyncset.done $0x0  }
0x7c: {  	[sflag:s24] =	ssyncadd.s32 $0xFFFFE700  }
0x7d: {  	s4 =	simm.s32 $0xB480;
	s22 =	simm.s32 $0x6480;
	[bflag:$0x0] =	sbarrier.arrive $0xFFFF  }
0x7e: {  	[spmem:s3] =	stream.indirect.scatter.add.f32 [tilespmem:s22], [sflag:$0x2], $0x1, s4, s21, $0xb8;
	[tilespmem:$0x1CD80] =	vst v63  }
0x7f: {  	_ =	swait.ge [sflag:s17], $0x1400  }
0x80: {  	[sflag:s17] =	ssyncset.done $0x0  }
0x81: {  	s0 =	simm.s32 $0x80;
	[sflag:s17] =	ssyncadd.s32 $0xFFFFEC00  }
0x82: {  	[spmem:s3] =	stream.indirect.scatter.add.f32 [tilespmem:s29], [sflag:$0x2], $0x1, s28, s0, $0xb8;
	[tilespmem:$0x1CD80] =	vst v63  }
0x83: {  	_ =	swait.ge [sflag:s17], $0x80  }
0x84: {  	[sflag:s17] =	ssyncset.done $0x0  }
0x85: {  	[sflag:s17] =	ssyncadd.s32 $0xFFFFFF80  }
0x86: {  	[spmem:s3] =	stream.indirect.scatter.add.f32 [tilespmem:s29], [sflag:$0x2], $0x1, s28, s0, $0xb8;
	[tilespmem:$0x1CD80] =	vst v63  }
0x87: {  	_ =	swait.ge [sflag:s17], $0x80  }
0x88: {  	[sflag:s17] =	ssyncset.done $0x0  }
0x89: {  	[sflag:s17] =	ssyncadd.s32 $0xFFFFFF80  }
0x8a: {  	s30 =	sor.u32 $0x1C02, s30;
	[bflag:$0x0] =	sbarrier.arrive $0xFFFF  }
0x8b: {  	[hbm:s12], [sflag:s30] =	dma.local [spmem:s25], $0x1900  }
0x8c: {  	_ =	swait.ge [sflag:s17], $0x1900  }
0x8d: {  	[sflag:s17] =	ssyncset.done $0x0  }
0x8e: {  	[sflag:s17] =	ssyncadd.s32 $0xFFFFE700  }
0x8f: {  	s31 =	simm.s32 $0x1480;
	[bflag:$0x0] =	sbarrier.arrive $0xFFFF  }
0x90: {  	[spmem:s25], [sflag:s26] =	dma.local [hbm:s10], $0x1900  }
0x91: {  	v7 =	vld [tilespmem:s31+$0x0];
	_ =	sdelay $0x1  }
0x92: {  	s1 =	simm.s32 $0x5080;
	v9 =	vld [tilespmem:s0+$0x0]  }
0x93: {  	v8 =	vld [tilespmem:s1+$0x0];
	_ =	sdelay $0x1  }
0x94: {  	v7 =	vadd.s32 v1, v7  }
0x95: {  	v10 =	vmul.u32 $0xA00, v7  }
0x96: {  	s4 =	simm.s32 $0x0;
	s22 =	sadd.s32 $0x0, s11;
	vm0 =	vlt.u32 v7, $0x140  }
0x97: {  	s2 =	simm.s32 $0x10;
	s4 =	sand.u32 $0x1FF0, s4;
	v7 =	vor.u32 s22, v6;
	v8 =	vnsel vm0, $0x0, v8;
	v9 =	vadd.s32 v9, v10  }
.LBB2_6:
0x98: {  	[tilespmem:s4+$0x7880] =	vst v8;
	v7 =	vsel vm0, v9, v7;
	s0 =	sadd.s32 $0x10, s0;
	s31 =	sadd.s32 $0x10, s31;
	s1 =	sadd.s32 $0x10, s1  }
0x99: {  	p0 =	sne.s32 s2, $0x13F0;
	[tilespmem:s4+$0xC880] =	vst v7;
	s4 =	smov.u32 s2;
	s2 =	sadd.s32 $0x10, s2  }
0x9a: {  	v7 =	vld [tilespmem:s31+$0x0];
	_ =	sdelay $0x1  }
0x9b: {  	v9 =	vld [tilespmem:s0+$0x0]  }
0x9c: {  	v8 =	vld [tilespmem:s1+$0x0]  }
.Ltmp2:
0x9d: {  	(pc) =	sbr.rel @p0 .LBB2_6-.Ltmp2, $4  }
0x9e: {  	v7 =	vadd.s32 v1, v7  }
0x9f: {  	v10 =	vmul.u32 $0xA00, v7  }
0xa0: {  	s22 =	sadd.s32 s4, s11;
	vm0 =	vlt.u32 v7, $0x140  }
0xa1: {  	s4 =	sand.u32 $0x1FF0, s4;
	v7 =	vor.u32 s22, v6;
	v8 =	vnsel vm0, $0x0, v8;
	v9 =	vadd.s32 v9, v10  }
0xa2: {  	[tilespmem:s4+$0x7880] =	vst v8;
	v7 =	vsel vm0, v9, v7  }
0xa3: {  	[tilespmem:s4+$0xC880] =	vst v7  }
0xa4: {  	_ =	swait.ge [sflag:s24], $0x1900  }
0xa5: {  	[sflag:s24] =	ssyncset.done $0x0  }
0xa6: {  	[sflag:s24] =	ssyncadd.s32 $0xFFFFE700  }
0xa7: {  	s0 =	simm.s32 $0xC880;
	s1 =	simm.s32 $0x7880;
	[bflag:$0x0] =	sbarrier.arrive $0xFFFF  }
0xa8: {  	[spmem:s3] =	stream.indirect.scatter.add.f32 [tilespmem:s1], [sflag:$0x2], $0x1, s0, s21, $0xb8;
	[tilespmem:$0x1CD80] =	vst v63  }
0xa9: {  	_ =	swait.ge [sflag:s17], $0x1400  }
0xaa: {  	[sflag:s17] =	ssyncset.done $0x0  }
0xab: {  	s0 =	simm.s32 $0x80;
	[sflag:s17] =	ssyncadd.s32 $0xFFFFEC00  }
0xac: {  	[spmem:s3] =	stream.indirect.scatter.add.f32 [tilespmem:s29], [sflag:$0x2], $0x1, s28, s0, $0xb8;
	[tilespmem:$0x1CD80] =	vst v63  }
0xad: {  	_ =	swait.ge [sflag:s17], $0x80  }
0xae: {  	[sflag:s17] =	ssyncset.done $0x0  }
0xaf: {  	[sflag:s17] =	ssyncadd.s32 $0xFFFFFF80  }
0xb0: {  	[spmem:s3] =	stream.indirect.scatter.add.f32 [tilespmem:s29], [sflag:$0x2], $0x1, s28, s0, $0xb8;
	[tilespmem:$0x1CD80] =	vst v63  }
0xb1: {  	_ =	swait.ge [sflag:s17], $0x80  }
0xb2: {  	[sflag:s17] =	ssyncset.done $0x0  }
0xb3: {  	[sflag:s17] =	ssyncadd.s32 $0xFFFFFF80  }
0xb4: {  	[bflag:$0x0] =	sbarrier.arrive $0xFFFF  }
0xb5: {  	[hbm:s13], [sflag:s30] =	dma.local [spmem:s25], $0x1900  }
0xb6: {  	_ =	swait.ge [sflag:s17], $0x1900  }
0xb7: {  	[sflag:s17] =	ssyncset.done $0x0  }
0xb8: {  	[sflag:s17] =	ssyncadd.s32 $0xFFFFE700  }
0xb9: {  	s31 =	simm.s32 $0x1480;
	[bflag:$0x0] =	sbarrier.arrive $0xFFFF  }
0xba: {  	[spmem:s25], [sflag:s26] =	dma.local [hbm:s10], $0x1900  }
0xbb: {  	v7 =	vld [tilespmem:s31+$0x0];
	_ =	sdelay $0x1  }
0xbc: {  	s1 =	simm.s32 $0x5080;
	v9 =	vld [tilespmem:s0+$0x0]  }
0xbd: {  	v8 =	vld [tilespmem:s1+$0x0];
	_ =	sdelay $0x1  }
0xbe: {  	v7 =	vadd.s32 v2, v7  }
0xbf: {  	v10 =	vmul.u32 $0xA00, v7  }
0xc0: {  	s22 =	sadd.s32 $0x0, s11;
	s4 =	simm.s32 $0x0;
	vm0 =	vlt.u32 v7, $0x140  }
0xc1: {  	s2 =	simm.s32 $0x10;
	s4 =	sand.u32 $0x1FF0, s4;
	v7 =	vor.u32 s22, v6;
	v8 =	vnsel vm0, $0x0, v8;
	v9 =	vadd.s32 v9, v10  }
.LBB2_8:
0xc2: {  	[tilespmem:s4+$0x8C80] =	vst v8;
	v7 =	vsel vm0, v9, v7;
	s0 =	sadd.s32 $0x10, s0;
	s31 =	sadd.s32 $0x10, s31;
	s1 =	sadd.s32 $0x10, s1  }
0xc3: {  	p0 =	sne.s32 s2, $0x13F0;
	[tilespmem:s4+$0xDC80] =	vst v7;
	s4 =	smov.u32 s2;
	s2 =	sadd.s32 $0x10, s2  }
0xc4: {  	v7 =	vld [tilespmem:s31+$0x0];
	_ =	sdelay $0x1  }
0xc5: {  	v9 =	vld [tilespmem:s0+$0x0]  }
0xc6: {  	v8 =	vld [tilespmem:s1+$0x0]  }
.Ltmp3:
0xc7: {  	(pc) =	sbr.rel @p0 .LBB2_8-.Ltmp3, $4  }
0xc8: {  	v7 =	vadd.s32 v2, v7  }
0xc9: {  	v10 =	vmul.u32 $0xA00, v7  }
0xca: {  	s22 =	sadd.s32 s4, s11;
	vm0 =	vlt.u32 v7, $0x140  }
0xcb: {  	s4 =	sand.u32 $0x1FF0, s4;
	v7 =	vor.u32 s22, v6;
	v8 =	vnsel vm0, $0x0, v8;
	v9 =	vadd.s32 v9, v10  }
0xcc: {  	[tilespmem:s4+$0x8C80] =	vst v8;
	v7 =	vsel vm0, v9, v7  }
0xcd: {  	[tilespmem:s4+$0xDC80] =	vst v7  }
0xce: {  	_ =	swait.ge [sflag:s24], $0x1900  }
0xcf: {  	[sflag:s24] =	ssyncset.done $0x0  }
0xd0: {  	[sflag:s24] =	ssyncadd.s32 $0xFFFFE700  }
0xd1: {  	s0 =	simm.s32 $0xDC80;
	s1 =	simm.s32 $0x8C80;
	[bflag:$0x0] =	sbarrier.arrive $0xFFFF  }
0xd2: {  	[spmem:s3] =	stream.indirect.scatter.add.f32 [tilespmem:s1], [sflag:$0x2], $0x1, s0, s21, $0xb8;
	[tilespmem:$0x1CD80] =	vst v63  }
0xd3: {  	_ =	swait.ge [sflag:s17], $0x1400  }
0xd4: {  	[sflag:s17] =	ssyncset.done $0x0  }
0xd5: {  	s0 =	simm.s32 $0x80;
	[sflag:s17] =	ssyncadd.s32 $0xFFFFEC00  }
0xd6: {  	[spmem:s3] =	stream.indirect.scatter.add.f32 [tilespmem:s29], [sflag:$0x2], $0x1, s28, s0, $0xb8;
	[tilespmem:$0x1CD80] =	vst v63  }
0xd7: {  	_ =	swait.ge [sflag:s17], $0x80  }
0xd8: {  	[sflag:s17] =	ssyncset.done $0x0  }
0xd9: {  	[sflag:s17] =	ssyncadd.s32 $0xFFFFFF80  }
0xda: {  	[spmem:s3] =	stream.indirect.scatter.add.f32 [tilespmem:s29], [sflag:$0x2], $0x1, s28, s0, $0xb8;
	[tilespmem:$0x1CD80] =	vst v63  }
0xdb: {  	_ =	swait.ge [sflag:s17], $0x80  }
0xdc: {  	[sflag:s17] =	ssyncset.done $0x0  }
0xdd: {  	[sflag:s17] =	ssyncadd.s32 $0xFFFFFF80  }
0xde: {  	[bflag:$0x0] =	sbarrier.arrive $0xFFFF  }
0xdf: {  	[hbm:s14], [sflag:s30] =	dma.local [spmem:s25], $0x1900  }
0xe0: {  	_ =	swait.ge [sflag:s17], $0x1900  }
0xe1: {  	[sflag:s17] =	ssyncset.done $0x0  }
0xe2: {  	[sflag:s17] =	ssyncadd.s32 $0xFFFFE700  }
0xe3: {  	[bflag:$0x0] =	sbarrier.arrive $0xFFFF  }
0xe4: {  	[spmem:s25], [sflag:s26] =	dma.local [hbm:s10], $0x1900  }
0xe5: {  	s26 =	simm.s32 $0x1480  }
0xe6: {  	v7 =	vld [tilespmem:s26+$0x0];
	_ =	sdelay $0x1  }
0xe7: {  	s1 =	simm.s32 $0x5080;
	v9 =	vld [tilespmem:s0+$0x0]  }
0xe8: {  	v8 =	vld [tilespmem:s1+$0x0];
	_ =	sdelay $0x1  }
0xe9: {  	v7 =	vadd.s32 v3, v7  }
0xea: {  	v10 =	vmul.u32 $0xA00, v7  }
0xeb: {  	s31 =	simm.s32 $0x0;
	s22 =	sadd.s32 $0x0, s11;
	vm0 =	vlt.u32 v7, $0x140  }
0xec: {  	s2 =	simm.s32 $0x10;
	s4 =	sand.u32 $0x1FF0, s31;
	v7 =	vor.u32 s22, v6;
	v8 =	vnsel vm0, $0x0, v8;
	v9 =	vadd.s32 v9, v10  }
.LBB2_10:
0xed: {  	[tilespmem:s4+$0xA080] =	vst v8;
	v7 =	vsel vm0, v9, v7;
	s0 =	sadd.s32 $0x10, s0;
	s26 =	sadd.s32 $0x10, s26;
	s1 =	sadd.s32 $0x10, s1  }
0xee: {  	p0 =	sne.s32 s2, $0x13F0;
	[tilespmem:s4+$0xF080] =	vst v7;
	s4 =	smov.u32 s2;
	s2 =	sadd.s32 $0x10, s2  }
0xef: {  	v7 =	vld [tilespmem:s26+$0x0];
	_ =	sdelay $0x1  }
0xf0: {  	v9 =	vld [tilespmem:s0+$0x0]  }
0xf1: {  	v8 =	vld [tilespmem:s1+$0x0]  }
.Ltmp4:
0xf2: {  	(pc) =	sbr.rel @p0 .LBB2_10-.Ltmp4, $4  }
0xf3: {  	v7 =	vadd.s32 v3, v7  }
0xf4: {  	v10 =	vmul.u32 $0xA00, v7  }
0xf5: {  	s22 =	sadd.s32 s4, s11;
	vm0 =	vlt.u32 v7, $0x140  }
0xf6: {  	s4 =	sand.u32 $0x1FF0, s4;
	v7 =	vor.u32 s22, v6;
	v8 =	vnsel vm0, $0x0, v8;
	v9 =	vadd.s32 v9, v10  }
0xf7: {  	[tilespmem:s4+$0xA080] =	vst v8;
	v7 =	vsel vm0, v9, v7  }
0xf8: {  	[tilespmem:s4+$0xF080] =	vst v7  }
0xf9: {  	_ =	swait.ge [sflag:s24], $0x1900  }
0xfa: {  	[sflag:s24] =	ssyncset.done $0x0  }
0xfb: {  	[sflag:s24] =	ssyncadd.s32 $0xFFFFE700  }
0xfc: {  	s0 =	simm.s32 $0xF080;
	s1 =	simm.s32 $0xA080;
	[bflag:$0x0] =	sbarrier.arrive $0xFFFF  }
0xfd: {  	[spmem:s3] =	stream.indirect.scatter.add.f32 [tilespmem:s1], [sflag:$0x2], $0x1, s0, s21, $0xb8;
	[tilespmem:$0x1CD80] =	vst v63  }
0xfe: {  	_ =	swait.ge [sflag:s17], $0x1400  }
0xff: {  	[sflag:s17] =	ssyncset.done $0x0  }
0x100: {  	[sflag:s17] =	ssyncadd.s32 $0xFFFFEC00  }
0x101: {  	[spmem:s3] =	stream.indirect.scatter.add.f32 [tilespmem:s29], [sflag:$0x2], $0x1, s28, s19, $0xb8;
	[tilespmem:$0x1CD80] =	vst v63  }
0x102: {  	_ =	swait.ge [sflag:s17], $0x80  }
0x103: {  	[sflag:s17] =	ssyncset.done $0x0  }
0x104: {  	[sflag:s17] =	ssyncadd.s32 $0xFFFFFF80  }
0x105: {  	[spmem:s3] =	stream.indirect.scatter.add.f32 [tilespmem:s29], [sflag:$0x2], $0x1, s28, s19, $0xb8;
	[tilespmem:$0x1CD80] =	vst v63  }
0x106: {  	_ =	swait.ge [sflag:s17], $0x80  }
0x107: {  	s23 =	sadd.s32 $0x1, s23;
	[sflag:s17] =	ssyncset.done $0x0  }
0x108: {  	p0 =	sne.s32 s23, s16;
	[sflag:s17] =	ssyncadd.s32 $0xFFFFFF80  }
.Ltmp5:
0x109: {  	[bflag:$0x0] =	sbarrier.arrive $0xFFFF;
	(pc) =	sbr.rel @p0 .LBB2_1-.Ltmp5, $4  }
0x10a: {  	[hbm:s15], [sflag:s30] =	dma.local [spmem:s25], $0x1900  }
0x10b: {  	_ =	swait.ge [sflag:s17], $0x1900  }
0x10c: {  	[sflag:s17] =	ssyncset.done $0x0  }
0x10d: {  	[sflag:s17] =	ssyncadd.s32 $0xFFFFE700  }
0x10e: {  	_ =	sfence.sel $0x180000  }
0x10f: {  	[bflag:$0x0] =	sbarrier.arrive $0xFFFF  }
0x110: {  	_ =	strace $0x90000047  }
0x111: {  	s0 =	stileid.u32;
	[bflag:$0x2] =	sbarrier.arrive $0xFFFF  }
0x112: {  	p0 =	sne.s32 s0, $0x0;
	s0 =	rddreg [dreg:$0x3]  }
0x113: {  	s0 =	sadd.s32 @!p0 $0x100000, s0  }
0x114: {  	[sflag:s0] =	ssyncadd.tile.s32 @!p0 $0x1;
	_ =	shalt  }
.Lfunc_end2:
_tile_overlayer_lowered:
.L_overlay_start_2:
0x115: {  	(tag) =	ssettag $0x2  }
0x116: {  	s0 =	rddreg [dreg:$0x0];
	s2 =	stileid.u32  }
0x117: {  	s1 =	rddreg [dreg:$0x1];
	p0 =	sne.s32 s2, $0x0  }
0x118: {  	s3 =	rddreg [dreg:$0x2];
	[bflag:$0x3] =	sbarrier.arrive $0xFFFF;
	s2 =	simm.s32 @!p0 $0x1C02  }
0x119: {  	[timem:s3], [sflag:s2] =	dma.local @!p0 [hbm:s0], s1  }
0x11a: {  	s0 =	simm.s32 @!p0 $0x2  }
0x11b: {  	_ =	swait.ge @!p0 [sflag:s0], s1  }
0x11c: {  	s1 =	ssub.s32 @!p0 $0x0, s1;
	[sflag:s0] =	ssyncset.done @!p0 $0x0  }
0x11d: {  	[sflag:s0] =	ssyncadd.s32 @!p0 s1  }
0x11e: {  	[bflag:$0x3] =	sbarrier.arrive $0xFFFF  }
0x11f: {  	_ =	shalt  }

</sc_bundles>
